<compile_context>
chip_gen: v7x
topology: tpu7x:2x2x1
jax: 0.10.2.dev20260603
libtpu: 0.0.44.dev20260713+nightly
codegen_flags: <defaults>
</compile_context>

<pallas_src>
import functools

import jax
import jax.numpy as jnp
from jax import lax
from jax.experimental import pallas as pl
from jax.experimental.pallas import tpu as pltpu
from jax.experimental.pallas import tpu_sc as plsc

N = 50000
NC = 2
NS = 16
L = 16
NPAD = 50176
NPT = NPAD // NS
E = 800000
EPAD = 802816
EPT = EPAD // NS
CHUNK = 128
SUB = 56
NSUP = EPT // (SUB * CHUNK)
EROWS = EPAD // CHUNK
Q = 4096
QPW = Q // (NC * NS)
QCH = QPW // L
PADNODE = N
WROWS = 456

_f32 = jnp.float32
_i32 = jnp.int32


def _fill(ref, n, val):
    def body(i, _):
        ref[pl.ds(i * L, L)] = jnp.full((L,), val, _f32)
        return 0
    lax.fori_loop(0, n // L, body, 0)


def _rsqrt16(x):
    s = 0.5 * (x + 1.0)
    for _ in range(15):
        s = 0.5 * (s + x / s)
    return 1.0 / s


def _conv_body(row_t, col_t, row_c, col_c, ew, x0, x1, x2,
               s_out, z0_out, z1_out, z2_out,
               sh_deg, sh_dinv, sh_a0, sh_a1, sh_a2,
               sh_q0, sh_q1, sh_q2,
               idx0, idx1, b_ew, g0, g1, g2, b_pe,
               nb0, nb1, nb2, ones_b,
               lsem, gsem, ssem):
    cid = lax.axis_index("c")
    tid = lax.axis_index("s")
    rbase = tid * SUB * NSUP
    nsl = pl.ds(tid * NPT, NPT)

    _fill(nb0, NPT, 0.0)
    _fill(ones_b, CHUNK, 1.0)

    pltpu.sync_copy(nb0, sh_deg.at[nsl])
    pltpu.sync_copy(nb0, sh_a0.at[nsl])

    @pl.when(cid == 1)
    def _():
        pltpu.sync_copy(nb0, sh_a1.at[nsl])
        pltpu.sync_copy(nb0, sh_a2.at[nsl])

    plsc.subcore_barrier()

    @pl.when(cid == 0)
    def _():
        def sup(sp, _):
            rsl = pl.ds(rbase + sp * SUB, SUB)
            pltpu.async_copy(col_t.at[rsl], idx0, lsem).wait()

            def fire(j, _):
                pltpu.async_copy(ones_b, sh_deg.at[idx0.at[j]], ssem,
                                 add=True)
                return 0
            lax.fori_loop(0, SUB, fire, 0)

            def drain(j, _):
                pltpu.make_async_copy(ones_b, sh_deg.at[idx0.at[0]],
                                      ssem).wait()
                return 0
            lax.fori_loop(0, SUB, drain, 0)
            return 0
        lax.fori_loop(0, NSUP, sup, 0)

    @pl.when(cid == 1)
    def _():
        def sup(sp, _):
            rsl = pl.ds(rbase + sp * SUB, SUB)
            c1 = pltpu.async_copy(col_c.at[rsl], idx0, lsem)
            c2 = pltpu.async_copy(ew.at[rsl], b_ew, lsem)
            c1.wait()
            c2.wait()

            def fire(j, _):
                pltpu.async_copy(b_ew.at[j], sh_deg.at[idx0.at[j]], ssem,
                                 add=True)
                return 0
            lax.fori_loop(0, SUB, fire, 0)

            def drain(j, _):
                pltpu.make_async_copy(ones_b, sh_deg.at[idx0.at[0]],
                                      ssem).wait()
                return 0
            lax.fori_loop(0, SUB, drain, 0)
            return 0
        lax.fori_loop(0, NSUP, sup, 0)

    plsc.subcore_barrier()

    pltpu.sync_copy(sh_deg.at[nsl], nb0)

    def dinv_body(i, _):
        sl = pl.ds(i * L, L)
        nb1[sl] = _rsqrt16(nb0[sl] + 1.0)
        return 0
    lax.fori_loop(0, NPT // L, dinv_body, 0)
    pltpu.sync_copy(nb1, sh_dinv.at[nsl])

    @pl.when(cid == 1)
    def _():
        for xk, shq in ((x0, sh_q0), (x1, sh_q1), (x2, sh_q2)):
            pltpu.sync_copy(xk.at[nsl], nb0)

            def q_body(i, _):
                sl = pl.ds(i * L, L)
                nb0[sl] = nb0[sl] * nb1[sl]
                return 0
            lax.fori_loop(0, NPT // L, q_body, 0)
            pltpu.sync_copy(nb0, shq.at[nsl])

    plsc.subcore_barrier()

    @pl.when(cid == 0)
    def _():
        def sup(sp, _):
            rsl = pl.ds(rbase + sp * SUB, SUB)
            c1 = pltpu.async_copy(row_t.at[rsl], idx1, lsem)
            c2 = pltpu.async_copy(col_t.at[rsl], idx0, lsem)
            c1.wait()
            c2.wait()

            def gfire(j, _):
                pltpu.async_copy(sh_dinv.at[idx1.at[j]], g0.at[j], gsem)
                return 0
            lax.fori_loop(0, SUB, gfire, 0)

            def gdrain(j, _):
                pltpu.make_async_copy(sh_dinv.at[idx1.at[0]], g0.at[0],
                                      gsem).wait()
                return 0
            lax.fori_loop(0, SUB, gdrain, 0)

            def fire(j, _):
                pltpu.async_copy(g0.at[j], sh_a0.at[idx0.at[j]], ssem,
                                 add=True)
                return 0
            lax.fori_loop(0, SUB, fire, 0)

            def drain(j, _):
                pltpu.make_async_copy(g0.at[0], sh_a0.at[idx0.at[0]],
                                      ssem).wait()
                return 0
            lax.fori_loop(0, SUB, drain, 0)
            return 0
        lax.fori_loop(0, NSUP, sup, 0)

    @pl.when(cid == 1)
    def _():
        def sup(sp, _):
            rsl = pl.ds(rbase + sp * SUB, SUB)
            c1 = pltpu.async_copy(row_c.at[rsl], idx1, lsem)
            c2 = pltpu.async_copy(col_c.at[rsl], idx0, lsem)
            c3 = pltpu.async_copy(ew.at[rsl], b_ew, lsem)
            c1.wait()
            c2.wait()
            c3.wait()

            def gfire(j, _):
                pltpu.async_copy(sh_dinv.at[idx0.at[j]], b_pe.at[j], gsem)
                pltpu.async_copy(sh_q0.at[idx1.at[j]], g0.at[j], gsem)
                pltpu.async_copy(sh_q1.at[idx1.at[j]], g1.at[j], gsem)
                pltpu.async_copy(sh_q2.at[idx1.at[j]], g2.at[j], gsem)
                return 0
            lax.fori_loop(0, SUB, gfire, 0)

            def gdrain(j, _):
                for _k in range(4):
                    pltpu.make_async_copy(sh_dinv.at[idx0.at[0]], b_pe.at[0],
                                          gsem).wait()
                return 0
            lax.fori_loop(0, SUB, gdrain, 0)

            def mul_body(j, _):
                def mul_inner(i, _):
                    sl = pl.ds(i * L, L)
                    pe = b_ew[j, sl] * b_pe[j, sl]
                    g0[j, sl] = g0[j, sl] * pe
                    g1[j, sl] = g1[j, sl] * pe
                    g2[j, sl] = g2[j, sl] * pe
                    return 0
                lax.fori_loop(0, CHUNK // L, mul_inner, 0)
                return 0
            lax.fori_loop(0, SUB, mul_body, 0)

            def fire(j, _):
                pltpu.async_copy(g0.at[j], sh_a0.at[idx0.at[j]], ssem,
                                 add=True)
                pltpu.async_copy(g1.at[j], sh_a1.at[idx0.at[j]], ssem,
                                 add=True)
                pltpu.async_copy(g2.at[j], sh_a2.at[idx0.at[j]], ssem,
                                 add=True)
                return 0
            lax.fori_loop(0, SUB, fire, 0)

            def drain(j, _):
                for _k in range(3):
                    pltpu.make_async_copy(g0.at[0], sh_a0.at[idx0.at[0]],
                                          ssem).wait()
                return 0
            lax.fori_loop(0, SUB, drain, 0)
            return 0
        lax.fori_loop(0, NSUP, sup, 0)

    plsc.subcore_barrier()

    @pl.when(cid == 0)
    def _():
        pltpu.sync_copy(sh_dinv.at[nsl], nb0)
        pltpu.sync_copy(sh_a0.at[nsl], nb1)

        def fin_body(i, _):
            sl = pl.ds(i * L, L)
            d = nb0[sl]
            nb1[sl] = d * (d + nb1[sl])
            return 0
        lax.fori_loop(0, NPT // L, fin_body, 0)
        pltpu.sync_copy(nb1, s_out.at[nsl])

    @pl.when(cid == 1)
    def _():
        pltpu.sync_copy(sh_dinv.at[nsl], nb2)
        for shq, sha, zout in ((sh_q0, sh_a0, z0_out),
                               (sh_q1, sh_a1, z1_out),
                               (sh_q2, sh_a2, z2_out)):
            pltpu.sync_copy(sha.at[nsl], nb0)
            pltpu.sync_copy(shq.at[nsl], nb1)

            def fin_body(i, _):
                sl = pl.ds(i * L, L)
                nb0[sl] = nb0[sl] + nb2[sl] * nb1[sl]
                return 0
            lax.fori_loop(0, NPT // L, fin_body, 0)
            pltpu.sync_copy(nb0, zout.at[nsl])


def _score_body(s_tab, z0_tab, z1_tab, z2_tab, srcq, dstq,
                it_s, ic_s, it_d, ic_d, wpack,
                out,
                sh_s, sh_z0, sh_z1, sh_z2,
                i_src, i_dst, it_b, ic_b,
                ss, sd, z0s, z1s, z2s, z0d, z1d, z2d,
                wbuf, outb, nbb):
    cid = lax.axis_index("c")
    tid = lax.axis_index("s")
    wid = tid * NC + cid
    qsl = pl.ds(wid * QPW, QPW)
    nsl = pl.ds(tid * NPT, NPT)

    for tab, sh in ((s_tab, sh_s), (z0_tab, sh_z0),
                    (z1_tab, sh_z1), (z2_tab, sh_z2)):
        pltpu.sync_copy(tab.at[nsl], nbb)
        pltpu.sync_copy(nbb, sh.at[nsl])
    plsc.subcore_barrier()

    pltpu.sync_copy(wpack, wbuf)
    pltpu.sync_copy(srcq.at[qsl], i_src)
    pltpu.sync_copy(dstq.at[qsl], i_dst)

    pltpu.sync_copy(it_s.at[qsl], it_b)
    pltpu.sync_copy(ic_s.at[qsl], ic_b)
    pltpu.sync_copy(sh_s.at[it_b], ss)
    pltpu.sync_copy(sh_z0.at[ic_b], z0s)
    pltpu.sync_copy(sh_z1.at[ic_b], z1s)
    pltpu.sync_copy(sh_z2.at[ic_b], z2s)

    pltpu.sync_copy(it_d.at[qsl], it_b)
    pltpu.sync_copy(ic_d.at[qsl], ic_b)
    pltpu.sync_copy(sh_s.at[it_b], sd)
    pltpu.sync_copy(sh_z0.at[ic_b], z0d)
    pltpu.sync_copy(sh_z1.at[ic_b], z1d)
    pltpu.sync_copy(sh_z2.at[ic_b], z2d)

    def score_body(i, _):
        sl = pl.ds(i * L, L)
        lt_s = i_src[sl] < N
        lt_d = i_dst[sl] < N
        s_s, s_d = ss[sl], sd[sl]
        zs = (z0s[sl], z1s[sl], z2s[sl])
        zd = (z0d[sl], z1d[sl], z2d[sl])

        def kbody(k, acc):
            wt = wbuf[k, :]
            w0 = wbuf[64 + k, :]
            w1 = wbuf[128 + k, :]
            w2 = wbuf[192 + k, :]
            lw = wbuf[256 + k, :]
            bt = wbuf[320 + k, :]
            bc = wbuf[384 + k, :]
            se = jnp.where(lt_s, s_s * wt + bt,
                           zs[0] * w0 + zs[1] * w1 + zs[2] * w2 + bc)
            de = jnp.where(lt_d, s_d * wt + bt,
                           zd[0] * w0 + zd[1] * w1 + zd[2] * w2 + bc)
            p = se * de
            t = p * 65537.0
            pb = t - (t - p)
            return acc + pb * lw

        acc0 = wbuf[448, :]
        outb[sl] = lax.fori_loop(0, 64, kbody, acc0)
        return 0
    lax.fori_loop(0, QCH, score_body, 0)

    pltpu.sync_copy(outb, out.at[qsl])


_mesh = plsc.VectorSubcoreMesh(core_axis_name="c", subcore_axis_name="s",
                               num_cores=NC, num_subcores=NS)

_conv_kernel = functools.partial(
    pl.kernel,
    out_type=[jax.ShapeDtypeStruct((NPAD,), _f32)] * 4,
    mesh=_mesh,
    scratch_types=[pltpu.VMEM_SHARED((NPAD,), _f32)] * 8
    + [pltpu.VMEM((SUB, CHUNK), _i32)] * 2
    + [pltpu.VMEM((SUB, CHUNK), _f32)] * 5
    + [pltpu.VMEM((NPT,), _f32)] * 3
    + [pltpu.VMEM((CHUNK,), _f32)]
    + [pltpu.SemaphoreType.DMA] * 3,
)(_conv_body)

_score_kernel = functools.partial(
    pl.kernel,
    out_type=jax.ShapeDtypeStruct((Q,), _f32),
    mesh=_mesh,
    scratch_types=[pltpu.VMEM_SHARED((NPAD,), _f32)] * 4
    + [pltpu.VMEM((QPW,), _i32)] * 4
    + [pltpu.VMEM((QPW,), _f32)] * 8
    + [pltpu.VMEM((WROWS, L), _f32)]
    + [pltpu.VMEM((QPW,), _f32)]
    + [pltpu.VMEM((NPT,), _f32)],
)(_score_body)


def kernel(x_car, edge_index_truck, edge_index_car, edge_weight_car, src, dst,
           W_truck, b_truck, W_car, b_car, lin_W, lin_b):
    f32 = _f32
    ei_t = edge_index_truck.astype(_i32)
    ei_c = edge_index_car.astype(_i32)
    pad = jnp.full((EPAD - E,), PADNODE, _i32)
    row_t = jnp.concatenate([ei_t[0], pad]).reshape(EROWS, CHUNK)
    col_t = jnp.concatenate([ei_t[1], pad]).reshape(EROWS, CHUNK)
    row_c = jnp.concatenate([ei_c[0], pad]).reshape(EROWS, CHUNK)
    col_c = jnp.concatenate([ei_c[1], pad]).reshape(EROWS, CHUNK)
    ew = jnp.concatenate([edge_weight_car.astype(f32),
                          jnp.zeros((EPAD - E,), f32)]).reshape(EROWS, CHUNK)
    xbf = x_car.astype(jnp.bfloat16).astype(f32)
    xp = jnp.zeros((3, NPAD), f32).at[:, :N].set(xbf.T)

    s_tab, z0_tab, z1_tab, z2_tab = _conv_kernel(
        row_t, col_t, row_c, col_c, ew, xp[0], xp[1], xp[2])

    bf = jnp.bfloat16
    rows = jnp.concatenate([
        W_truck[0].astype(bf).astype(f32),
        W_car[0].astype(bf).astype(f32),
        W_car[1].astype(bf).astype(f32),
        W_car[2].astype(bf).astype(f32),
        lin_W[:, 0].astype(bf).astype(f32),
        b_truck.astype(f32),
        b_car.astype(f32),
        lin_b.astype(f32),
        jnp.zeros((WROWS - 449,), f32),
    ])
    wpack = jnp.broadcast_to(rows[:, None], (WROWS, L))

    srci = src.astype(_i32)
    dsti = dst.astype(_i32)
    lt_s = srci < N
    lt_d = dsti < N
    it_s = jnp.where(lt_s, srci, 0)
    ic_s = jnp.where(lt_s, 0, srci - N)
    it_d = jnp.where(lt_d, dsti, 0)
    ic_d = jnp.where(lt_d, 0, dsti - N)
    scores = _score_kernel(s_tab, z0_tab, z1_tab, z2_tab, srci, dsti,
                           it_s, ic_s, it_d, ic_d, wpack)
    return scores[:, None]

# --- scband reference (transcript-rebuilt; emitter-appended) ---
"""Pipeline reference for scband-path-prediction-model-20822001451414 (READ-ONLY COPY).

The authoritative reference and input builder live on the scoring server;
editing this copy changes nothing except your own understanding.
"""

import jax, jax.numpy as jnp
import numpy as np

N_TRUCK = 50000
N_CAR = 50000
NUM_HIDDEN = 64


def gcn_conv(x, edge_index, edge_weight, W, b, num_nodes):
    # Faithful PyG GCNConv: add self-loops (weight 1), symmetric normalization,
    # linear transform, scatter-add aggregation to dst, then bias.
    row = edge_index[0]
    col = edge_index[1]
    if edge_weight is None:
        edge_weight = jnp.ones((row.shape[0],), dtype=x.dtype)
    loop = jnp.arange(num_nodes, dtype=row.dtype)
    row = jnp.concatenate([row, loop])
    col = jnp.concatenate([col, loop])
    ew = jnp.concatenate([edge_weight, jnp.ones((num_nodes,), dtype=x.dtype)])
    deg = jax.ops.segment_sum(ew, col, num_segments=num_nodes)
    deg_inv_sqrt = jnp.where(deg > 0, 1.0 / jnp.sqrt(deg), 0.0)
    norm = deg_inv_sqrt[row] * ew * deg_inv_sqrt[col]
    xw = x @ W
    msg = xw[row] * norm[:, None]
    out = jax.ops.segment_sum(msg, col, num_segments=num_nodes)
    return out + b


def setup_inputs(seed: int = 0) -> dict:
    key = jax.random.key(seed)
    ks = jax.random.split(key, 12)
    x_car = jax.random.normal(ks[0], (N_CAR, 3), dtype=jnp.float32)
    edge_index_truck = jax.random.randint(ks[1], (2, 800000), 0, N_TRUCK, dtype=jnp.int64)
    edge_index_car = jax.random.randint(ks[2], (2, 800000), 0, N_CAR, dtype=jnp.int64)
    edge_weight_car = jax.random.uniform(ks[3], (800000,), dtype=jnp.float32)
    src = jax.random.randint(ks[4], (4096,), 0, N_TRUCK + N_CAR, dtype=jnp.int64)
    dst = jax.random.randint(ks[5], (4096,), 0, N_TRUCK + N_CAR, dtype=jnp.int64)
    W_truck = jax.random.normal(ks[6], (1, NUM_HIDDEN), dtype=jnp.float32) * (1.0 / np.sqrt(1.0))
    b_truck = jnp.zeros((NUM_HIDDEN,), dtype=jnp.float32)
    W_car = jax.random.normal(ks[7], (3, NUM_HIDDEN), dtype=jnp.float32) * (1.0 / np.sqrt(3.0))
    b_car = jnp.zeros((NUM_HIDDEN,), dtype=jnp.float32)
    lin_W = jax.random.normal(ks[8], (NUM_HIDDEN, 1), dtype=jnp.float32) * (1.0 / np.sqrt(NUM_HIDDEN))
    lin_b = jnp.zeros((1,), dtype=jnp.float32)
    return {
        'x_car': x_car,
        'edge_index_truck': edge_index_truck,
        'edge_index_car': edge_index_car,
        'edge_weight_car': edge_weight_car,
        'src': src,
        'dst': dst,
        'W_truck': W_truck,
        'b_truck': b_truck,
        'W_car': W_car,
        'b_car': b_car,
        'lin_W': lin_W,
        'lin_b': lin_b,
    }


def reference(x_car, edge_index_truck, edge_index_car, edge_weight_car, src, dst,
              W_truck, b_truck, W_car, b_car, lin_W, lin_b):
    # truck node features are all-ones [N_truck, 1] built inside forward
    x_truck = jnp.ones((N_TRUCK, 1), dtype=jnp.float32)
    h_truck = gcn_conv(x_truck, edge_index_truck, None, W_truck, b_truck, N_TRUCK)
    h_car = gcn_conv(x_car, edge_index_car, edge_weight_car, W_car, b_car, N_CAR)
    x = jnp.concatenate([h_truck, h_car], axis=0)
    src_emb = x[src]
    dst_emb = x[dst]
    path_score = (src_emb * dst_emb) @ lin_W + lin_b
    return path_score

if __name__ == "__main__":
    import jax
    _d = setup_inputs()
    print(jax.jit(kernel)(*tuple(_d.values())))

</pallas_src>

<mosaic_0001>
#map = affine_map<(d0, d1) -> (0, 0)>
#map1 = affine_map<(d0, d1) -> (0)>
module attributes {stable_mosaic.version = 14 : i64} {
  func.func @_conv_body(%arg0: i32, %arg1: i32, %arg2: memref<6272x128xi32, #tpu.memory_space<hbm>>, %arg3: memref<6272x128xi32, #tpu.memory_space<hbm>>, %arg4: memref<6272x128xi32, #tpu.memory_space<hbm>>, %arg5: memref<6272x128xi32, #tpu.memory_space<hbm>>, %arg6: memref<6272x128xf32, #tpu.memory_space<hbm>>, %arg7: memref<50176xf32, #tpu.memory_space<hbm>>, %arg8: memref<50176xf32, #tpu.memory_space<hbm>>, %arg9: memref<50176xf32, #tpu.memory_space<hbm>>, %arg10: memref<50176xf32, #tpu.memory_space<hbm>>, %arg11: memref<50176xf32, #tpu.memory_space<hbm>>, %arg12: memref<50176xf32, #tpu.memory_space<hbm>>, %arg13: memref<50176xf32, #tpu.memory_space<hbm>>, %arg14: memref<50176xf32, #tpu.memory_space<vmem_shared>>, %arg15: memref<50176xf32, #tpu.memory_space<vmem_shared>>, %arg16: memref<50176xf32, #tpu.memory_space<vmem_shared>>, %arg17: memref<50176xf32, #tpu.memory_space<vmem_shared>>, %arg18: memref<50176xf32, #tpu.memory_space<vmem_shared>>, %arg19: memref<50176xf32, #tpu.memory_space<vmem_shared>>, %arg20: memref<50176xf32, #tpu.memory_space<vmem_shared>>, %arg21: memref<50176xf32, #tpu.memory_space<vmem_shared>>, %arg22: memref<56x128xi32, #tpu.memory_space<vmem>>, %arg23: memref<56x128xi32, #tpu.memory_space<vmem>>, %arg24: memref<56x128xf32, #tpu.memory_space<vmem>>, %arg25: memref<56x128xf32, #tpu.memory_space<vmem>>, %arg26: memref<56x128xf32, #tpu.memory_space<vmem>>, %arg27: memref<56x128xf32, #tpu.memory_space<vmem>>, %arg28: memref<56x128xf32, #tpu.memory_space<vmem>>, %arg29: memref<3136xf32, #tpu.memory_space<vmem>>, %arg30: memref<3136xf32, #tpu.memory_space<vmem>>, %arg31: memref<3136xf32, #tpu.memory_space<vmem>>, %arg32: memref<128xf32, #tpu.memory_space<vmem>>, %arg33: memref<!tpu.dma_semaphore, #tpu.memory_space<semaphore_mem>>, %arg34: memref<!tpu.dma_semaphore, #tpu.memory_space<semaphore_mem>>, %arg35: memref<!tpu.dma_semaphore, #tpu.memory_space<semaphore_mem>>) attributes {dimension_semantics = [#tpu.dimension_semantics<core_parallel>, #tpu.dimension_semantics<subcore_parallel>], iteration_bounds = array<i64: 2, 16>, scalar_prefetch = 0 : i64, scratch_operands = 22 : i64, tpu.core_type = #tpu.core_type<sc_vector_subcore>, window_params = [{transform_indices = #map}, {transform_indices = #map}, {transform_indices = #map}, {transform_indices = #map}, {transform_indices = #map}, {transform_indices = #map1}, {transform_indices = #map1}, {transform_indices = #map1}, {transform_indices = #map1}, {transform_indices = #map1}, {transform_indices = #map1}, {transform_indices = #map1}]} {
    %mul3A = arith.constant 56 : i32
    %mul3A_0 = arith.muli %arg1, %mul3A : i32
    %mul3A_1 = arith.constant 7 : i32
    %mul3A_2 = arith.muli %mul3A_0, %mul3A_1 : i32
    %mul3A_3 = arith.constant 3136 : i32
    %mul3A_4 = arith.muli %arg1, %mul3A_3 : i32
    %scan3A = arith.constant 0 : i32
    %scan3A_5 = arith.constant 0 : i32
    %scan3A_6 = arith.constant 196 : i32
    %scan3A_7 = arith.addi %scan3A_5, %scan3A_6 : i32
    %scan3A_8 = arith.constant 1 : i32
    %scan3A_9 = scf.for %scan3A_65 = %scan3A_5 to %scan3A_7 step %scan3A_8 iter_args(%scan3A_66 = %scan3A) -> (i32)  : i32 {
      %broadcast_in_dim3A = arith.constant 0.000000e+00 : f32
      %broadcast_in_dim3A_67 = vector.broadcast %broadcast_in_dim3A : f32 to vector<16xf32>
      %mul3A_68 = arith.constant 16 : i32
      %mul3A_69 = arith.muli %scan3A_65, %mul3A_68 : i32
      %swap3A = arith.index_cast %mul3A_69 : i32 to index
      %swap3A_70 = tpu.vector_load %arg29[%swap3A] {strides = array<i32>} : memref<3136xf32, #tpu.memory_space<vmem>>, vector<16xf32>,
      %swap3A_71 = vector.shape_cast %swap3A_70 : vector<16xf32> to vector<16xf32>
      %swap3A_72 = vector.shape_cast %broadcast_in_dim3A_67 : vector<16xf32> to vector<16xf32>
      tpu.vector_store %arg29[%swap3A], %swap3A_72 {strides = array<i32>} : memref<3136xf32, #tpu.memory_space<vmem>>, vector<16xf32>,
      %scan3A_73 = arith.constant 0 : i32
      scf.yield %scan3A_73 : i32
    }
    %scan3A_10 = arith.constant 196 : i32
    %scan3A_11 = arith.constant 0 : i32
    %scan3A_12 = arith.constant 0 : i32
    %scan3A_13 = arith.constant 8 : i32
    %scan3A_14 = arith.addi %scan3A_12, %scan3A_13 : i32
    %scan3A_15 = arith.constant 1 : i32
    %scan3A_16 = scf.for %scan3A_65 = %scan3A_12 to %scan3A_14 step %scan3A_15 iter_args(%scan3A_66 = %scan3A_11) -> (i32)  : i32 {
      %broadcast_in_dim3A = arith.constant 1.000000e+00 : f32
      %broadcast_in_dim3A_67 = vector.broadcast %broadcast_in_dim3A : f32 to vector<16xf32>
      %mul3A_68 = arith.constant 16 : i32
      %mul3A_69 = arith.muli %scan3A_65, %mul3A_68 : i32
      %swap3A = arith.index_cast %mul3A_69 : i32 to index
      %swap3A_70 = tpu.vector_load %arg32[%swap3A] {strides = array<i32>} : memref<128xf32, #tpu.memory_space<vmem>>, vector<16xf32>,
      %swap3A_71 = vector.shape_cast %swap3A_70 : vector<16xf32> to vector<16xf32>
      %swap3A_72 = vector.shape_cast %broadcast_in_dim3A_67 : vector<16xf32> to vector<16xf32>
      tpu.vector_store %arg32[%swap3A], %swap3A_72 {strides = array<i32>} : memref<128xf32, #tpu.memory_space<vmem>>, vector<16xf32>,
      %scan3A_73 = arith.constant 0 : i32
      scf.yield %scan3A_73 : i32
    }
    %scan3A_17 = arith.constant 8 : i32
    "tpu.region"() ({
      %run_scoped3A = tpu.sem_alloc : memref<!tpu.dma_semaphore, #tpu.memory_space<semaphore_mem>>
      %dma_start3A = tpu.memref_slice %arg14[%mul3A_4] : memref<50176xf32, #tpu.memory_space<vmem_shared>> -> memref<3136xf32, #tpu.memory_space<vmem_shared>>
      %dma_start3A_65 = tpu.memref_slice %arg14[%mul3A_4] : memref<50176xf32, #tpu.memory_space<vmem_shared>> -> memref<3136xf32, #tpu.memory_space<vmem_shared>>
      tpu.enqueue_dma source(%arg29 : memref<3136xf32, #tpu.memory_space<vmem>>) target(%dma_start3A_65 : memref<3136xf32, #tpu.memory_space<vmem_shared>>) target_semaphore(%run_scoped3A : memref<!tpu.dma_semaphore, #tpu.memory_space<semaphore_mem>>)
      %dma_wait3A = tpu.memref_slice %arg14[%mul3A_4] : memref<50176xf32, #tpu.memory_space<vmem_shared>> -> memref<3136xf32, #tpu.memory_space<vmem_shared>>
      %dma_wait3A_66 = tpu.memref_slice %arg14[%mul3A_4] : memref<50176xf32, #tpu.memory_space<vmem_shared>> -> memref<3136xf32, #tpu.memory_space<vmem_shared>>
      tpu.wait_dma2 semaphore(%run_scoped3A : memref<!tpu.dma_semaphore, #tpu.memory_space<semaphore_mem>>) src(%arg29 : memref<3136xf32, #tpu.memory_space<vmem>>) dst(%dma_wait3A_66 : memref<3136xf32, #tpu.memory_space<vmem_shared>>)
      tpu.yield
    }) : () -> ()
    "tpu.region"() ({
      %run_scoped3A = tpu.sem_alloc : memref<!tpu.dma_semaphore, #tpu.memory_space<semaphore_mem>>
      %dma_start3A = tpu.memref_slice %arg16[%mul3A_4] : memref<50176xf32, #tpu.memory_space<vmem_shared>> -> memref<3136xf32, #tpu.memory_space<vmem_shared>>
      %dma_start3A_65 = tpu.memref_slice %arg16[%mul3A_4] : memref<50176xf32, #tpu.memory_space<vmem_shared>> -> memref<3136xf32, #tpu.memory_space<vmem_shared>>
      tpu.enqueue_dma source(%arg29 : memref<3136xf32, #tpu.memory_space<vmem>>) target(%dma_start3A_65 : memref<3136xf32, #tpu.memory_space<vmem_shared>>) target_semaphore(%run_scoped3A : memref<!tpu.dma_semaphore, #tpu.memory_space<semaphore_mem>>)
      %dma_wait3A = tpu.memref_slice %arg16[%mul3A_4] : memref<50176xf32, #tpu.memory_space<vmem_shared>> -> memref<3136xf32, #tpu.memory_space<vmem_shared>>
      %dma_wait3A_66 = tpu.memref_slice %arg16[%mul3A_4] : memref<50176xf32, #tpu.memory_space<vmem_shared>> -> memref<3136xf32, #tpu.memory_space<vmem_shared>>
      tpu.wait_dma2 semaphore(%run_scoped3A : memref<!tpu.dma_semaphore, #tpu.memory_space<semaphore_mem>>) src(%arg29 : memref<3136xf32, #tpu.memory_space<vmem>>) dst(%dma_wait3A_66 : memref<3136xf32, #tpu.memory_space<vmem_shared>>)
      tpu.yield
    }) : () -> ()
    %eq3A = arith.constant 1 : i32
    %eq3A_18 = arith.cmpi eq, %arg0, %eq3A : i32
    %convert_element_type3A = arith.extui %eq3A_18 : i1 to i32
    %cond3A = arith.constant 0 : i32
    %cond3A_19 = arith.cmpi ne, %convert_element_type3A, %cond3A : i32
    scf.if %cond3A_19 {
      "tpu.region"() ({
        %run_scoped3A = tpu.sem_alloc : memref<!tpu.dma_semaphore, #tpu.memory_space<semaphore_mem>>
        %dma_start3A = tpu.memref_slice %arg17[%mul3A_4] : memref<50176xf32, #tpu.memory_space<vmem_shared>> -> memref<3136xf32, #tpu.memory_space<vmem_shared>>
        %dma_start3A_65 = tpu.memref_slice %arg17[%mul3A_4] : memref<50176xf32, #tpu.memory_space<vmem_shared>> -> memref<3136xf32, #tpu.memory_space<vmem_shared>>
        tpu.enqueue_dma source(%arg29 : memref<3136xf32, #tpu.memory_space<vmem>>) target(%dma_start3A_65 : memref<3136xf32, #tpu.memory_space<vmem_shared>>) target_semaphore(%run_scoped3A : memref<!tpu.dma_semaphore, #tpu.memory_space<semaphore_mem>>)
        %dma_wait3A = tpu.memref_slice %arg17[%mul3A_4] : memref<50176xf32, #tpu.memory_space<vmem_shared>> -> memref<3136xf32, #tpu.memory_space<vmem_shared>>
        %dma_wait3A_66 = tpu.memref_slice %arg17[%mul3A_4] : memref<50176xf32, #tpu.memory_space<vmem_shared>> -> memref<3136xf32, #tpu.memory_space<vmem_shared>>
        tpu.wait_dma2 semaphore(%run_scoped3A : memref<!tpu.dma_semaphore, #tpu.memory_space<semaphore_mem>>) src(%arg29 : memref<3136xf32, #tpu.memory_space<vmem>>) dst(%dma_wait3A_66 : memref<3136xf32, #tpu.memory_space<vmem_shared>>)
        tpu.yield
      }) : () -> ()
      "tpu.region"() ({
        %run_scoped3A = tpu.sem_alloc : memref<!tpu.dma_semaphore, #tpu.memory_space<semaphore_mem>>
        %dma_start3A = tpu.memref_slice %arg18[%mul3A_4] : memref<50176xf32, #tpu.memory_space<vmem_shared>> -> memref<3136xf32, #tpu.memory_space<vmem_shared>>
        %dma_start3A_65 = tpu.memref_slice %arg18[%mul3A_4] : memref<50176xf32, #tpu.memory_space<vmem_shared>> -> memref<3136xf32, #tpu.memory_space<vmem_shared>>
        tpu.enqueue_dma source(%arg29 : memref<3136xf32, #tpu.memory_space<vmem>>) target(%dma_start3A_65 : memref<3136xf32, #tpu.memory_space<vmem_shared>>) target_semaphore(%run_scoped3A : memref<!tpu.dma_semaphore, #tpu.memory_space<semaphore_mem>>)
        %dma_wait3A = tpu.memref_slice %arg18[%mul3A_4] : memref<50176xf32, #tpu.memory_space<vmem_shared>> -> memref<3136xf32, #tpu.memory_space<vmem_shared>>
        %dma_wait3A_66 = tpu.memref_slice %arg18[%mul3A_4] : memref<50176xf32, #tpu.memory_space<vmem_shared>> -> memref<3136xf32, #tpu.memory_space<vmem_shared>>
        tpu.wait_dma2 semaphore(%run_scoped3A : memref<!tpu.dma_semaphore, #tpu.memory_space<semaphore_mem>>) src(%arg29 : memref<3136xf32, #tpu.memory_space<vmem>>) dst(%dma_wait3A_66 : memref<3136xf32, #tpu.memory_space<vmem_shared>>)
        tpu.yield
      }) : () -> ()
    } else {
    }
    %barrier3A = arith.constant 0 : index
    tpu.barrier barrier_id(%barrier3A)
    %eq3A_20 = arith.constant 0 : i32
    %eq3A_21 = arith.cmpi eq, %arg0, %eq3A_20 : i32
    %convert_element_type3A_22 = arith.extui %eq3A_21 : i1 to i32
    %cond3A_23 = arith.constant 0 : i32
    %cond3A_24 = arith.cmpi ne, %convert_element_type3A_22, %cond3A_23 : i32
    scf.if %cond3A_24 {
      %scan3A_65 = arith.constant 0 : i32
      %scan3A_66 = arith.constant 0 : i32
      %scan3A_67 = arith.constant 7 : i32
      %scan3A_68 = arith.addi %scan3A_66, %scan3A_67 : i32
      %scan3A_69 = arith.constant 1 : i32
      %scan3A_70 = scf.for %scan3A_72 = %scan3A_66 to %scan3A_68 step %scan3A_69 iter_args(%scan3A_73 = %scan3A_65) -> (i32)  : i32 {
        %mul3A_74 = arith.constant 56 : i32
        %mul3A_75 = arith.muli %scan3A_72, %mul3A_74 : i32
        %add3A = arith.addi %mul3A_2, %mul3A_75 : i32
        %dma_start3A = arith.constant 0 : i32
        %dma_start3A_76 = tpu.memref_slice %arg3[%add3A, %dma_start3A] : memref<6272x128xi32, #tpu.memory_space<hbm>> -> memref<56x128xi32, #tpu.memory_space<hbm>>
        %dma_start3A_77 = arith.constant 0 : i32
        %dma_start3A_78 = tpu.memref_slice %arg3[%add3A, %dma_start3A_77] : memref<6272x128xi32, #tpu.memory_space<hbm>> -> memref<56x128xi32, #tpu.memory_space<hbm>>
        tpu.enqueue_dma source(%dma_start3A_78 : memref<56x128xi32, #tpu.memory_space<hbm>>) target(%arg22 : memref<56x128xi32, #tpu.memory_space<vmem>>) target_semaphore(%arg33 : memref<!tpu.dma_semaphore, #tpu.memory_space<semaphore_mem>>)
        %dma_wait3A = arith.constant 0 : i32
        %dma_wait3A_79 = tpu.memref_slice %arg3[%add3A, %dma_wait3A] : memref<6272x128xi32, #tpu.memory_space<hbm>> -> memref<56x128xi32, #tpu.memory_space<hbm>>
        %dma_wait3A_80 = arith.constant 0 : i32
        %dma_wait3A_81 = tpu.memref_slice %arg3[%add3A, %dma_wait3A_80] : memref<6272x128xi32, #tpu.memory_space<hbm>> -> memref<56x128xi32, #tpu.memory_space<hbm>>
        tpu.wait_dma2 semaphore(%arg33 : memref<!tpu.dma_semaphore, #tpu.memory_space<semaphore_mem>>) src(%dma_wait3A_81 : memref<56x128xi32, #tpu.memory_space<hbm>>) dst(%arg22 : memref<56x128xi32, #tpu.memory_space<vmem>>)
        %scan3A_82 = arith.constant 0 : i32
        %scan3A_83 = arith.constant 0 : i32
        %scan3A_84 = arith.constant 56 : i32
        %scan3A_85 = arith.addi %scan3A_83, %scan3A_84 : i32
        %scan3A_86 = arith.constant 1 : i32
        %scan3A_87 = scf.for %scan3A_97 = %scan3A_83 to %scan3A_85 step %scan3A_86 iter_args(%scan3A_98 = %scan3A_82) -> (i32)  : i32 {
          %dma_start3A_99 = arith.constant 0 : i32
          %dma_start3A_100 = tpu.memref_slice %arg22[%scan3A_97, %dma_start3A_99] : memref<56x128xi32, #tpu.memory_space<vmem>> -> memref<1x128xi32, #tpu.memory_space<vmem>>
          %dma_start3A_101 = tpu.memref_squeeze %dma_start3A_100 : memref<1x128xi32, #tpu.memory_space<vmem>> -> memref<128xi32, #tpu.memory_space<vmem>>
          %dma_start3A_102 = arith.constant 0 : i32
          %dma_start3A_103 = tpu.memref_slice %arg14[%dma_start3A_102] : memref<50176xf32, #tpu.memory_space<vmem_shared>> -> memref<50176xf32, #tpu.memory_space<vmem_shared>>
          tpu.enqueue_indirect_dma source(%arg32 : memref<128xf32, #tpu.memory_space<vmem>>) target(%dma_start3A_103 : memref<50176xf32, #tpu.memory_space<vmem_shared>>) offsets(%dma_start3A_101 : memref<128xi32, #tpu.memory_space<vmem>>) semaphore(%arg35 : memref<!tpu.dma_semaphore, #tpu.memory_space<semaphore_mem>>) {add = true}
          %scan3A_104 = arith.constant 0 : i32
          scf.yield %scan3A_104 : i32
        }
        %scan3A_88 = arith.constant 56 : i32
        %scan3A_89 = arith.constant 0 : i32
        %scan3A_90 = arith.constant 0 : i32
        %scan3A_91 = arith.constant 56 : i32
        %scan3A_92 = arith.addi %scan3A_90, %scan3A_91 : i32
        %scan3A_93 = arith.constant 1 : i32
        %scan3A_94 = scf.for %scan3A_97 = %scan3A_90 to %scan3A_92 step %scan3A_93 iter_args(%scan3A_98 = %scan3A_89) -> (i32)  : i32 {
          %dma_wait3A_99 = arith.constant 0 : i32
          %dma_wait3A_100 = arith.constant 0 : i32
          %dma_wait3A_101 = tpu.memref_slice %arg22[%dma_wait3A_99, %dma_wait3A_100] : memref<56x128xi32, #tpu.memory_space<vmem>> -> memref<1x128xi32, #tpu.memory_space<vmem>>
          %dma_wait3A_102 = tpu.memref_squeeze %dma_wait3A_101 : memref<1x128xi32, #tpu.memory_space<vmem>> -> memref<128xi32, #tpu.memory_space<vmem>>
          %dma_wait3A_103 = arith.constant 0 : i32
          %dma_wait3A_104 = tpu.memref_slice %arg14[%dma_wait3A_103] : memref<50176xf32, #tpu.memory_space<vmem_shared>> -> memref<50176xf32, #tpu.memory_space<vmem_shared>>
          tpu.wait_indirect_dma semaphore(%arg35 : memref<!tpu.dma_semaphore, #tpu.memory_space<semaphore_mem>>) src(%arg32 : memref<128xf32, #tpu.memory_space<vmem>>) dst(%dma_wait3A_104 : memref<50176xf32, #tpu.memory_space<vmem_shared>>)
          %scan3A_105 = arith.constant 0 : i32
          scf.yield %scan3A_105 : i32
        }
        %scan3A_95 = arith.constant 56 : i32
        %scan3A_96 = arith.constant 0 : i32
        scf.yield %scan3A_96 : i32
      }
      %scan3A_71 = arith.constant 7 : i32
    } else {
    }
    %eq3A_25 = arith.constant 1 : i32
    %eq3A_26 = arith.cmpi eq, %arg0, %eq3A_25 : i32
    %convert_element_type3A_27 = arith.extui %eq3A_26 : i1 to i32
    %cond3A_28 = arith.constant 0 : i32
    %cond3A_29 = arith.cmpi ne, %convert_element_type3A_27, %cond3A_28 : i32
    scf.if %cond3A_29 {
      %scan3A_65 = arith.constant 0 : i32
      %scan3A_66 = arith.constant 0 : i32
      %scan3A_67 = arith.constant 7 : i32
      %scan3A_68 = arith.addi %scan3A_66, %scan3A_67 : i32
      %scan3A_69 = arith.constant 1 : i32
      %scan3A_70 = scf.for %scan3A_72 = %scan3A_66 to %scan3A_68 step %scan3A_69 iter_args(%scan3A_73 = %scan3A_65) -> (i32)  : i32 {
        %mul3A_74 = arith.constant 56 : i32
        %mul3A_75 = arith.muli %scan3A_72, %mul3A_74 : i32
        %add3A = arith.addi %mul3A_2, %mul3A_75 : i32
        %dma_start3A = arith.constant 0 : i32
        %dma_start3A_76 = tpu.memref_slice %arg5[%add3A, %dma_start3A] : memref<6272x128xi32, #tpu.memory_space<hbm>> -> memref<56x128xi32, #tpu.memory_space<hbm>>
        %dma_start3A_77 = arith.constant 0 : i32
        %dma_start3A_78 = tpu.memref_slice %arg5[%add3A, %dma_start3A_77] : memref<6272x128xi32, #tpu.memory_space<hbm>> -> memref<56x128xi32, #tpu.memory_space<hbm>>
        tpu.enqueue_dma source(%dma_start3A_78 : memref<56x128xi32, #tpu.memory_space<hbm>>) target(%arg22 : memref<56x128xi32, #tpu.memory_space<vmem>>) target_semaphore(%arg33 : memref<!tpu.dma_semaphore, #tpu.memory_space<semaphore_mem>>)
        %dma_start3A_79 = arith.constant 0 : i32
        %dma_start3A_80 = tpu.memref_slice %arg6[%add3A, %dma_start3A_79] : memref<6272x128xf32, #tpu.memory_space<hbm>> -> memref<56x128xf32, #tpu.memory_space<hbm>>
        %dma_start3A_81 = arith.constant 0 : i32
        %dma_start3A_82 = tpu.memref_slice %arg6[%add3A, %dma_start3A_81] : memref<6272x128xf32, #tpu.memory_space<hbm>> -> memref<56x128xf32, #tpu.memory_space<hbm>>
        tpu.enqueue_dma source(%dma_start3A_82 : memref<56x128xf32, #tpu.memory_space<hbm>>) target(%arg24 : memref<56x128xf32, #tpu.memory_space<vmem>>) target_semaphore(%arg33 : memref<!tpu.dma_semaphore, #tpu.memory_space<semaphore_mem>>)
        %dma_wait3A = arith.constant 0 : i32
        %dma_wait3A_83 = tpu.memref_slice %arg5[%add3A, %dma_wait3A] : memref<6272x128xi32, #tpu.memory_space<hbm>> -> memref<56x128xi32, #tpu.memory_space<hbm>>
        %dma_wait3A_84 = arith.constant 0 : i32
        %dma_wait3A_85 = tpu.memref_slice %arg5[%add3A, %dma_wait3A_84] : memref<6272x128xi32, #tpu.memory_space<hbm>> -> memref<56x128xi32, #tpu.memory_space<hbm>>
        tpu.wait_dma2 semaphore(%arg33 : memref<!tpu.dma_semaphore, #tpu.memory_space<semaphore_mem>>) src(%dma_wait3A_85 : memref<56x128xi32, #tpu.memory_space<hbm>>) dst(%arg22 : memref<56x128xi32, #tpu.memory_space<vmem>>)
        %dma_wait3A_86 = arith.constant 0 : i32
        %dma_wait3A_87 = tpu.memref_slice %arg6[%add3A, %dma_wait3A_86] : memref<6272x128xf32, #tpu.memory_space<hbm>> -> memref<56x128xf32, #tpu.memory_space<hbm>>
        %dma_wait3A_88 = arith.constant 0 : i32
        %dma_wait3A_89 = tpu.memref_slice %arg6[%add3A, %dma_wait3A_88] : memref<6272x128xf32, #tpu.memory_space<hbm>> -> memref<56x128xf32, #tpu.memory_space<hbm>>
        tpu.wait_dma2 semaphore(%arg33 : memref<!tpu.dma_semaphore, #tpu.memory_space<semaphore_mem>>) src(%dma_wait3A_89 : memref<56x128xf32, #tpu.memory_space<hbm>>) dst(%arg24 : memref<56x128xf32, #tpu.memory_space<vmem>>)
        %scan3A_90 = arith.constant 0 : i32
        %scan3A_91 = arith.constant 0 : i32
        %scan3A_92 = arith.constant 56 : i32
        %scan3A_93 = arith.addi %scan3A_91, %scan3A_92 : i32
        %scan3A_94 = arith.constant 1 : i32
        %scan3A_95 = scf.for %scan3A_105 = %scan3A_91 to %scan3A_93 step %scan3A_94 iter_args(%scan3A_106 = %scan3A_90) -> (i32)  : i32 {
          %dma_start3A_107 = arith.constant 0 : i32
          %dma_start3A_108 = tpu.memref_slice %arg24[%scan3A_105, %dma_start3A_107] : memref<56x128xf32, #tpu.memory_space<vmem>> -> memref<1x128xf32, #tpu.memory_space<vmem>>
          %dma_start3A_109 = tpu.memref_squeeze %dma_start3A_108 : memref<1x128xf32, #tpu.memory_space<vmem>> -> memref<128xf32, #tpu.memory_space<vmem>>
          %dma_start3A_110 = arith.constant 0 : i32
          %dma_start3A_111 = tpu.memref_slice %arg22[%scan3A_105, %dma_start3A_110] : memref<56x128xi32, #tpu.memory_space<vmem>> -> memref<1x128xi32, #tpu.memory_space<vmem>>
          %dma_start3A_112 = tpu.memref_squeeze %dma_start3A_111 : memref<1x128xi32, #tpu.memory_space<vmem>> -> memref<128xi32, #tpu.memory_space<vmem>>
          %dma_start3A_113 = arith.constant 0 : i32
          %dma_start3A_114 = tpu.memref_slice %arg14[%dma_start3A_113] : memref<50176xf32, #tpu.memory_space<vmem_shared>> -> memref<50176xf32, #tpu.memory_space<vmem_shared>>
          tpu.enqueue_indirect_dma source(%dma_start3A_109 : memref<128xf32, #tpu.memory_space<vmem>>) target(%dma_start3A_114 : memref<50176xf32, #tpu.memory_space<vmem_shared>>) offsets(%dma_start3A_112 : memref<128xi32, #tpu.memory_space<vmem>>) semaphore(%arg35 : memref<!tpu.dma_semaphore, #tpu.memory_space<semaphore_mem>>) {add = true}
          %scan3A_115 = arith.constant 0 : i32
          scf.yield %scan3A_115 : i32
        }
        %scan3A_96 = arith.constant 56 : i32
        %scan3A_97 = arith.constant 0 : i32
        %scan3A_98 = arith.constant 0 : i32
        %scan3A_99 = arith.constant 56 : i32
        %scan3A_100 = arith.addi %scan3A_98, %scan3A_99 : i32
        %scan3A_101 = arith.constant 1 : i32
        %scan3A_102 = scf.for %scan3A_105 = %scan3A_98 to %scan3A_100 step %scan3A_101 iter_args(%scan3A_106 = %scan3A_97) -> (i32)  : i32 {
          %dma_wait3A_107 = arith.constant 0 : i32
          %dma_wait3A_108 = arith.constant 0 : i32
          %dma_wait3A_109 = tpu.memref_slice %arg22[%dma_wait3A_107, %dma_wait3A_108] : memref<56x128xi32, #tpu.memory_space<vmem>> -> memref<1x128xi32, #tpu.memory_space<vmem>>
          %dma_wait3A_110 = tpu.memref_squeeze %dma_wait3A_109 : memref<1x128xi32, #tpu.memory_space<vmem>> -> memref<128xi32, #tpu.memory_space<vmem>>
          %dma_wait3A_111 = arith.constant 0 : i32
          %dma_wait3A_112 = tpu.memref_slice %arg14[%dma_wait3A_111] : memref<50176xf32, #tpu.memory_space<vmem_shared>> -> memref<50176xf32, #tpu.memory_space<vmem_shared>>
          tpu.wait_indirect_dma semaphore(%arg35 : memref<!tpu.dma_semaphore, #tpu.memory_space<semaphore_mem>>) src(%arg32 : memref<128xf32, #tpu.memory_space<vmem>>) dst(%dma_wait3A_112 : memref<50176xf32, #tpu.memory_space<vmem_shared>>)
          %scan3A_113 = arith.constant 0 : i32
          scf.yield %scan3A_113 : i32
        }
        %scan3A_103 = arith.constant 56 : i32
        %scan3A_104 = arith.constant 0 : i32
        scf.yield %scan3A_104 : i32
      }
      %scan3A_71 = arith.constant 7 : i32
    } else {
    }
    %barrier3A_30 = arith.constant 0 : index
    tpu.barrier barrier_id(%barrier3A_30)
    "tpu.region"() ({
      %run_scoped3A = tpu.sem_alloc : memref<!tpu.dma_semaphore, #tpu.memory_space<semaphore_mem>>
      %dma_start3A = tpu.memref_slice %arg14[%mul3A_4] : memref<50176xf32, #tpu.memory_space<vmem_shared>> -> memref<3136xf32, #tpu.memory_space<vmem_shared>>
      %dma_start3A_65 = tpu.memref_slice %arg14[%mul3A_4] : memref<50176xf32, #tpu.memory_space<vmem_shared>> -> memref<3136xf32, #tpu.memory_space<vmem_shared>>
      tpu.enqueue_dma source(%dma_start3A_65 : memref<3136xf32, #tpu.memory_space<vmem_shared>>) target(%arg29 : memref<3136xf32, #tpu.memory_space<vmem>>) target_semaphore(%run_scoped3A : memref<!tpu.dma_semaphore, #tpu.memory_space<semaphore_mem>>)
      %dma_wait3A = tpu.memref_slice %arg14[%mul3A_4] : memref<50176xf32, #tpu.memory_space<vmem_shared>> -> memref<3136xf32, #tpu.memory_space<vmem_shared>>
      %dma_wait3A_66 = tpu.memref_slice %arg14[%mul3A_4] : memref<50176xf32, #tpu.memory_space<vmem_shared>> -> memref<3136xf32, #tpu.memory_space<vmem_shared>>
      tpu.wait_dma2 semaphore(%run_scoped3A : memref<!tpu.dma_semaphore, #tpu.memory_space<semaphore_mem>>) src(%dma_wait3A_66 : memref<3136xf32, #tpu.memory_space<vmem_shared>>) dst(%arg29 : memref<3136xf32, #tpu.memory_space<vmem>>)
      tpu.yield
    }) : () -> ()
    %scan3A_31 = arith.constant 0 : i32
    %scan3A_32 = arith.constant 0 : i32
    %scan3A_33 = arith.constant 196 : i32
    %scan3A_34 = arith.addi %scan3A_32, %scan3A_33 : i32
    %scan3A_35 = arith.constant 1 : i32
    %scan3A_36 = scf.for %scan3A_65 = %scan3A_32 to %scan3A_34 step %scan3A_35 iter_args(%scan3A_66 = %scan3A_31) -> (i32)  : i32 {
      %mul3A_67 = arith.constant 16 : i32
      %mul3A_68 = arith.muli %scan3A_65, %mul3A_67 : i32
      %get3A = arith.index_cast %mul3A_68 : i32 to index
      %get3A_69 = tpu.vector_load %arg29[%get3A] {strides = array<i32>} : memref<3136xf32, #tpu.memory_space<vmem>>, vector<16xf32>,
      %get3A_70 = vector.shape_cast %get3A_69 : vector<16xf32> to vector<16xf32>
      %add3A = arith.constant 1.000000e+00 : f32
      %add3A_71 = vector.broadcast %add3A : f32 to vector<16xf32>
      %add3A_72 = arith.addf %get3A_70, %add3A_71 : vector<16xf32>
      %add3A_73 = arith.constant 1.000000e+00 : f32
      %add3A_74 = vector.broadcast %add3A_73 : f32 to vector<16xf32>
      %add3A_75 = arith.addf %add3A_72, %add3A_74 : vector<16xf32>
      %mul3A_76 = arith.constant 5.000000e-01 : f32
      %mul3A_77 = vector.broadcast %mul3A_76 : f32 to vector<16xf32>
      %mul3A_78 = arith.mulf %mul3A_77, %add3A_75 : vector<16xf32>
      %div3A = arith.divf %add3A_72, %mul3A_78 : vector<16xf32>
      %add3A_79 = arith.addf %mul3A_78, %div3A : vector<16xf32>
      %mul3A_80 = arith.constant 5.000000e-01 : f32
      %mul3A_81 = vector.broadcast %mul3A_80 : f32 to vector<16xf32>
      %mul3A_82 = arith.mulf %mul3A_81, %add3A_79 : vector<16xf32>
      %div3A_83 = arith.divf %add3A_72, %mul3A_82 : vector<16xf32>
      %add3A_84 = arith.addf %mul3A_82, %div3A_83 : vector<16xf32>
      %mul3A_85 = arith.constant 5.000000e-01 : f32
      %mul3A_86 = vector.broadcast %mul3A_85 : f32 to vector<16xf32>
      %mul3A_87 = arith.mulf %mul3A_86, %add3A_84 : vector<16xf32>
      %div3A_88 = arith.divf %add3A_72, %mul3A_87 : vector<16xf32>
      %add3A_89 = arith.addf %mul3A_87, %div3A_88 : vector<16xf32>
      %mul3A_90 = arith.constant 5.000000e-01 : f32
      %mul3A_91 = vector.broadcast %mul3A_90 : f32 to vector<16xf32>
      %mul3A_92 = arith.mulf %mul3A_91, %add3A_89 : vector<16xf32>
      %div3A_93 = arith.divf %add3A_72, %mul3A_92 : vector<16xf32>
      %add3A_94 = arith.addf %mul3A_92, %div3A_93 : vector<16xf32>
      %mul3A_95 = arith.constant 5.000000e-01 : f32
      %mul3A_96 = vector.broadcast %mul3A_95 : f32 to vector<16xf32>
      %mul3A_97 = arith.mulf %mul3A_96, %add3A_94 : vector<16xf32>
      %div3A_98 = arith.divf %add3A_72, %mul3A_97 : vector<16xf32>
      %add3A_99 = arith.addf %mul3A_97, %div3A_98 : vector<16xf32>
      %mul3A_100 = arith.constant 5.000000e-01 : f32
      %mul3A_101 = vector.broadcast %mul3A_100 : f32 to vector<16xf32>
      %mul3A_102 = arith.mulf %mul3A_101, %add3A_99 : vector<16xf32>
      %div3A_103 = arith.divf %add3A_72, %mul3A_102 : vector<16xf32>
      %add3A_104 = arith.addf %mul3A_102, %div3A_103 : vector<16xf32>
      %mul3A_105 = arith.constant 5.000000e-01 : f32
      %mul3A_106 = vector.broadcast %mul3A_105 : f32 to vector<16xf32>
      %mul3A_107 = arith.mulf %mul3A_106, %add3A_104 : vector<16xf32>
      %div3A_108 = arith.divf %add3A_72, %mul3A_107 : vector<16xf32>
      %add3A_109 = arith.addf %mul3A_107, %div3A_108 : vector<16xf32>
      %mul3A_110 = arith.constant 5.000000e-01 : f32
      %mul3A_111 = vector.broadcast %mul3A_110 : f32 to vector<16xf32>
      %mul3A_112 = arith.mulf %mul3A_111, %add3A_109 : vector<16xf32>
      %div3A_113 = arith.divf %add3A_72, %mul3A_112 : vector<16xf32>
      %add3A_114 = arith.addf %mul3A_112, %div3A_113 : vector<16xf32>
      %mul3A_115 = arith.constant 5.000000e-01 : f32
      %mul3A_116 = vector.broadcast %mul3A_115 : f32 to vector<16xf32>
      %mul3A_117 = arith.mulf %mul3A_116, %add3A_114 : vector<16xf32>
      %div3A_118 = arith.divf %add3A_72, %mul3A_117 : vector<16xf32>
      %add3A_119 = arith.addf %mul3A_117, %div3A_118 : vector<16xf32>
      %mul3A_120 = arith.constant 5.000000e-01 : f32
      %mul3A_121 = vector.broadcast %mul3A_120 : f32 to vector<16xf32>
      %mul3A_122 = arith.mulf %mul3A_121, %add3A_119 : vector<16xf32>
      %div3A_123 = arith.divf %add3A_72, %mul3A_122 : vector<16xf32>
      %add3A_124 = arith.addf %mul3A_122, %div3A_123 : vector<16xf32>
      %mul3A_125 = arith.constant 5.000000e-01 : f32
      %mul3A_126 = vector.broadcast %mul3A_125 : f32 to vector<16xf32>
      %mul3A_127 = arith.mulf %mul3A_126, %add3A_124 : vector<16xf32>
      %div3A_128 = arith.divf %add3A_72, %mul3A_127 : vector<16xf32>
      %add3A_129 = arith.addf %mul3A_127, %div3A_128 : vector<16xf32>
      %mul3A_130 = arith.constant 5.000000e-01 : f32
      %mul3A_131 = vector.broadcast %mul3A_130 : f32 to vector<16xf32>
      %mul3A_132 = arith.mulf %mul3A_131, %add3A_129 : vector<16xf32>
      %div3A_133 = arith.divf %add3A_72, %mul3A_132 : vector<16xf32>
      %add3A_134 = arith.addf %mul3A_132, %div3A_133 : vector<16xf32>
      %mul3A_135 = arith.constant 5.000000e-01 : f32
      %mul3A_136 = vector.broadcast %mul3A_135 : f32 to vector<16xf32>
      %mul3A_137 = arith.mulf %mul3A_136, %add3A_134 : vector<16xf32>
      %div3A_138 = arith.divf %add3A_72, %mul3A_137 : vector<16xf32>
      %add3A_139 = arith.addf %mul3A_137, %div3A_138 : vector<16xf32>
      %mul3A_140 = arith.constant 5.000000e-01 : f32
      %mul3A_141 = vector.broadcast %mul3A_140 : f32 to vector<16xf32>
      %mul3A_142 = arith.mulf %mul3A_141, %add3A_139 : vector<16xf32>
      %div3A_143 = arith.divf %add3A_72, %mul3A_142 : vector<16xf32>
      %add3A_144 = arith.addf %mul3A_142, %div3A_143 : vector<16xf32>
      %mul3A_145 = arith.constant 5.000000e-01 : f32
      %mul3A_146 = vector.broadcast %mul3A_145 : f32 to vector<16xf32>
      %mul3A_147 = arith.mulf %mul3A_146, %add3A_144 : vector<16xf32>
      %div3A_148 = arith.divf %add3A_72, %mul3A_147 : vector<16xf32>
      %add3A_149 = arith.addf %mul3A_147, %div3A_148 : vector<16xf32>
      %mul3A_150 = arith.constant 5.000000e-01 : f32
      %mul3A_151 = vector.broadcast %mul3A_150 : f32 to vector<16xf32>
      %mul3A_152 = arith.mulf %mul3A_151, %add3A_149 : vector<16xf32>
      %div3A_153 = arith.constant 1.000000e+00 : f32
      %div3A_154 = vector.broadcast %div3A_153 : f32 to vector<16xf32>
      %div3A_155 = arith.divf %div3A_154, %mul3A_152 : vector<16xf32>
      %swap3A = arith.index_cast %mul3A_68 : i32 to index
      %swap3A_156 = tpu.vector_load %arg30[%swap3A] {strides = array<i32>} : memref<3136xf32, #tpu.memory_space<vmem>>, vector<16xf32>,
      %swap3A_157 = vector.shape_cast %swap3A_156 : vector<16xf32> to vector<16xf32>
      %swap3A_158 = vector.shape_cast %div3A_155 : vector<16xf32> to vector<16xf32>
      tpu.vector_store %arg30[%swap3A], %swap3A_158 {strides = array<i32>} : memref<3136xf32, #tpu.memory_space<vmem>>, vector<16xf32>,
      %scan3A_159 = arith.constant 0 : i32
      scf.yield %scan3A_159 : i32
    }
    %scan3A_37 = arith.constant 196 : i32
    "tpu.region"() ({
      %run_scoped3A = tpu.sem_alloc : memref<!tpu.dma_semaphore, #tpu.memory_space<semaphore_mem>>
      %dma_start3A = tpu.memref_slice %arg15[%mul3A_4] : memref<50176xf32, #tpu.memory_space<vmem_shared>> -> memref<3136xf32, #tpu.memory_space<vmem_shared>>
      %dma_start3A_65 = tpu.memref_slice %arg15[%mul3A_4] : memref<50176xf32, #tpu.memory_space<vmem_shared>> -> memref<3136xf32, #tpu.memory_space<vmem_shared>>
      tpu.enqueue_dma source(%arg30 : memref<3136xf32, #tpu.memory_space<vmem>>) target(%dma_start3A_65 : memref<3136xf32, #tpu.memory_space<vmem_shared>>) target_semaphore(%run_scoped3A : memref<!tpu.dma_semaphore, #tpu.memory_space<semaphore_mem>>)
      %dma_wait3A = tpu.memref_slice %arg15[%mul3A_4] : memref<50176xf32, #tpu.memory_space<vmem_shared>> -> memref<3136xf32, #tpu.memory_space<vmem_shared>>
      %dma_wait3A_66 = tpu.memref_slice %arg15[%mul3A_4] : memref<50176xf32, #tpu.memory_space<vmem_shared>> -> memref<3136xf32, #tpu.memory_space<vmem_shared>>
      tpu.wait_dma2 semaphore(%run_scoped3A : memref<!tpu.dma_semaphore, #tpu.memory_space<semaphore_mem>>) src(%arg30 : memref<3136xf32, #tpu.memory_space<vmem>>) dst(%dma_wait3A_66 : memref<3136xf32, #tpu.memory_space<vmem_shared>>)
      tpu.yield
    }) : () -> ()
    %eq3A_38 = arith.constant 1 : i32
    %eq3A_39 = arith.cmpi eq, %arg0, %eq3A_38 : i32
    %convert_element_type3A_40 = arith.extui %eq3A_39 : i1 to i32
    %cond3A_41 = arith.constant 0 : i32
    %cond3A_42 = arith.cmpi ne, %convert_element_type3A_40, %cond3A_41 : i32
    scf.if %cond3A_42 {
      "tpu.region"() ({
        %run_scoped3A = tpu.sem_alloc : memref<!tpu.dma_semaphore, #tpu.memory_space<semaphore_mem>>
        %dma_start3A = tpu.memref_slice %arg7[%mul3A_4] : memref<50176xf32, #tpu.memory_space<hbm>> -> memref<3136xf32, #tpu.memory_space<hbm>>
        %dma_start3A_86 = tpu.memref_slice %arg7[%mul3A_4] : memref<50176xf32, #tpu.memory_space<hbm>> -> memref<3136xf32, #tpu.memory_space<hbm>>
        tpu.enqueue_dma source(%dma_start3A_86 : memref<3136xf32, #tpu.memory_space<hbm>>) target(%arg29 : memref<3136xf32, #tpu.memory_space<vmem>>) target_semaphore(%run_scoped3A : memref<!tpu.dma_semaphore, #tpu.memory_space<semaphore_mem>>)
        %dma_wait3A = tpu.memref_slice %arg7[%mul3A_4] : memref<50176xf32, #tpu.memory_space<hbm>> -> memref<3136xf32, #tpu.memory_space<hbm>>
        %dma_wait3A_87 = tpu.memref_slice %arg7[%mul3A_4] : memref<50176xf32, #tpu.memory_space<hbm>> -> memref<3136xf32, #tpu.memory_space<hbm>>
        tpu.wait_dma2 semaphore(%run_scoped3A : memref<!tpu.dma_semaphore, #tpu.memory_space<semaphore_mem>>) src(%dma_wait3A_87 : memref<3136xf32, #tpu.memory_space<hbm>>) dst(%arg29 : memref<3136xf32, #tpu.memory_space<vmem>>)
        tpu.yield
      }) : () -> ()
      %scan3A_65 = arith.constant 0 : i32
      %scan3A_66 = arith.constant 0 : i32
      %scan3A_67 = arith.constant 196 : i32
      %scan3A_68 = arith.addi %scan3A_66, %scan3A_67 : i32
      %scan3A_69 = arith.constant 1 : i32
      %scan3A_70 = scf.for %scan3A_86 = %scan3A_66 to %scan3A_68 step %scan3A_69 iter_args(%scan3A_87 = %scan3A_65) -> (i32)  : i32 {
        %mul3A_88 = arith.constant 16 : i32
        %mul3A_89 = arith.muli %scan3A_86, %mul3A_88 : i32
        %get3A = arith.index_cast %mul3A_89 : i32 to index
        %get3A_90 = tpu.vector_load %arg29[%get3A] {strides = array<i32>} : memref<3136xf32, #tpu.memory_space<vmem>>, vector<16xf32>,
        %get3A_91 = vector.shape_cast %get3A_90 : vector<16xf32> to vector<16xf32>
        %get3A_92 = arith.index_cast %mul3A_89 : i32 to index
        %get3A_93 = tpu.vector_load %arg30[%get3A_92] {strides = array<i32>} : memref<3136xf32, #tpu.memory_space<vmem>>, vector<16xf32>,
        %get3A_94 = vector.shape_cast %get3A_93 : vector<16xf32> to vector<16xf32>
        %mul3A_95 = arith.mulf %get3A_91, %get3A_94 : vector<16xf32>
        %swap3A = arith.index_cast %mul3A_89 : i32 to index
        %swap3A_96 = tpu.vector_load %arg29[%swap3A] {strides = array<i32>} : memref<3136xf32, #tpu.memory_space<vmem>>, vector<16xf32>,
        %swap3A_97 = vector.shape_cast %swap3A_96 : vector<16xf32> to vector<16xf32>
        %swap3A_98 = vector.shape_cast %mul3A_95 : vector<16xf32> to vector<16xf32>
        tpu.vector_store %arg29[%swap3A], %swap3A_98 {strides = array<i32>} : memref<3136xf32, #tpu.memory_space<vmem>>, vector<16xf32>,
        %scan3A_99 = arith.constant 0 : i32
        scf.yield %scan3A_99 : i32
      }
      %scan3A_71 = arith.constant 196 : i32
      "tpu.region"() ({
        %run_scoped3A = tpu.sem_alloc : memref<!tpu.dma_semaphore, #tpu.memory_space<semaphore_mem>>
        %dma_start3A = tpu.memref_slice %arg19[%mul3A_4] : memref<50176xf32, #tpu.memory_space<vmem_shared>> -> memref<3136xf32, #tpu.memory_space<vmem_shared>>
        %dma_start3A_86 = tpu.memref_slice %arg19[%mul3A_4] : memref<50176xf32, #tpu.memory_space<vmem_shared>> -> memref<3136xf32, #tpu.memory_space<vmem_shared>>
        tpu.enqueue_dma source(%arg29 : memref<3136xf32, #tpu.memory_space<vmem>>) target(%dma_start3A_86 : memref<3136xf32, #tpu.memory_space<vmem_shared>>) target_semaphore(%run_scoped3A : memref<!tpu.dma_semaphore, #tpu.memory_space<semaphore_mem>>)
        %dma_wait3A = tpu.memref_slice %arg19[%mul3A_4] : memref<50176xf32, #tpu.memory_space<vmem_shared>> -> memref<3136xf32, #tpu.memory_space<vmem_shared>>
        %dma_wait3A_87 = tpu.memref_slice %arg19[%mul3A_4] : memref<50176xf32, #tpu.memory_space<vmem_shared>> -> memref<3136xf32, #tpu.memory_space<vmem_shared>>
        tpu.wait_dma2 semaphore(%run_scoped3A : memref<!tpu.dma_semaphore, #tpu.memory_space<semaphore_mem>>) src(%arg29 : memref<3136xf32, #tpu.memory_space<vmem>>) dst(%dma_wait3A_87 : memref<3136xf32, #tpu.memory_space<vmem_shared>>)
        tpu.yield
      }) : () -> ()
      "tpu.region"() ({
        %run_scoped3A = tpu.sem_alloc : memref<!tpu.dma_semaphore, #tpu.memory_space<semaphore_mem>>
        %dma_start3A = tpu.memref_slice %arg8[%mul3A_4] : memref<50176xf32, #tpu.memory_space<hbm>> -> memref<3136xf32, #tpu.memory_space<hbm>>
        %dma_start3A_86 = tpu.memref_slice %arg8[%mul3A_4] : memref<50176xf32, #tpu.memory_space<hbm>> -> memref<3136xf32, #tpu.memory_space<hbm>>
        tpu.enqueue_dma source(%dma_start3A_86 : memref<3136xf32, #tpu.memory_space<hbm>>) target(%arg29 : memref<3136xf32, #tpu.memory_space<vmem>>) target_semaphore(%run_scoped3A : memref<!tpu.dma_semaphore, #tpu.memory_space<semaphore_mem>>)
        %dma_wait3A = tpu.memref_slice %arg8[%mul3A_4] : memref<50176xf32, #tpu.memory_space<hbm>> -> memref<3136xf32, #tpu.memory_space<hbm>>
        %dma_wait3A_87 = tpu.memref_slice %arg8[%mul3A_4] : memref<50176xf32, #tpu.memory_space<hbm>> -> memref<3136xf32, #tpu.memory_space<hbm>>
        tpu.wait_dma2 semaphore(%run_scoped3A : memref<!tpu.dma_semaphore, #tpu.memory_space<semaphore_mem>>) src(%dma_wait3A_87 : memref<3136xf32, #tpu.memory_space<hbm>>) dst(%arg29 : memref<3136xf32, #tpu.memory_space<vmem>>)
        tpu.yield
      }) : () -> ()
      %scan3A_72 = arith.constant 0 : i32
      %scan3A_73 = arith.constant 0 : i32
      %scan3A_74 = arith.constant 196 : i32
      %scan3A_75 = arith.addi %scan3A_73, %scan3A_74 : i32
      %scan3A_76 = arith.constant 1 : i32
      %scan3A_77 = scf.for %scan3A_86 = %scan3A_73 to %scan3A_75 step %scan3A_76 iter_args(%scan3A_87 = %scan3A_72) -> (i32)  : i32 {
        %mul3A_88 = arith.constant 16 : i32
        %mul3A_89 = arith.muli %scan3A_86, %mul3A_88 : i32
        %get3A = arith.index_cast %mul3A_89 : i32 to index
        %get3A_90 = tpu.vector_load %arg29[%get3A] {strides = array<i32>} : memref<3136xf32, #tpu.memory_space<vmem>>, vector<16xf32>,
        %get3A_91 = vector.shape_cast %get3A_90 : vector<16xf32> to vector<16xf32>
        %get3A_92 = arith.index_cast %mul3A_89 : i32 to index
        %get3A_93 = tpu.vector_load %arg30[%get3A_92] {strides = array<i32>} : memref<3136xf32, #tpu.memory_space<vmem>>, vector<16xf32>,
        %get3A_94 = vector.shape_cast %get3A_93 : vector<16xf32> to vector<16xf32>
        %mul3A_95 = arith.mulf %get3A_91, %get3A_94 : vector<16xf32>
        %swap3A = arith.index_cast %mul3A_89 : i32 to index
        %swap3A_96 = tpu.vector_load %arg29[%swap3A] {strides = array<i32>} : memref<3136xf32, #tpu.memory_space<vmem>>, vector<16xf32>,
        %swap3A_97 = vector.shape_cast %swap3A_96 : vector<16xf32> to vector<16xf32>
        %swap3A_98 = vector.shape_cast %mul3A_95 : vector<16xf32> to vector<16xf32>
        tpu.vector_store %arg29[%swap3A], %swap3A_98 {strides = array<i32>} : memref<3136xf32, #tpu.memory_space<vmem>>, vector<16xf32>,
        %scan3A_99 = arith.constant 0 : i32
        scf.yield %scan3A_99 : i32
      }
      %scan3A_78 = arith.constant 196 : i32
      "tpu.region"() ({
        %run_scoped3A = tpu.sem_alloc : memref<!tpu.dma_semaphore, #tpu.memory_space<semaphore_mem>>
        %dma_start3A = tpu.memref_slice %arg20[%mul3A_4] : memref<50176xf32, #tpu.memory_space<vmem_shared>> -> memref<3136xf32, #tpu.memory_space<vmem_shared>>
        %dma_start3A_86 = tpu.memref_slice %arg20[%mul3A_4] : memref<50176xf32, #tpu.memory_space<vmem_shared>> -> memref<3136xf32, #tpu.memory_space<vmem_shared>>
        tpu.enqueue_dma source(%arg29 : memref<3136xf32, #tpu.memory_space<vmem>>) target(%dma_start3A_86 : memref<3136xf32, #tpu.memory_space<vmem_shared>>) target_semaphore(%run_scoped3A : memref<!tpu.dma_semaphore, #tpu.memory_space<semaphore_mem>>)
        %dma_wait3A = tpu.memref_slice %arg20[%mul3A_4] : memref<50176xf32, #tpu.memory_space<vmem_shared>> -> memref<3136xf32, #tpu.memory_space<vmem_shared>>
        %dma_wait3A_87 = tpu.memref_slice %arg20[%mul3A_4] : memref<50176xf32, #tpu.memory_space<vmem_shared>> -> memref<3136xf32, #tpu.memory_space<vmem_shared>>
        tpu.wait_dma2 semaphore(%run_scoped3A : memref<!tpu.dma_semaphore, #tpu.memory_space<semaphore_mem>>) src(%arg29 : memref<3136xf32, #tpu.memory_space<vmem>>) dst(%dma_wait3A_87 : memref<3136xf32, #tpu.memory_space<vmem_shared>>)
        tpu.yield
      }) : () -> ()
      "tpu.region"() ({
        %run_scoped3A = tpu.sem_alloc : memref<!tpu.dma_semaphore, #tpu.memory_space<semaphore_mem>>
        %dma_start3A = tpu.memref_slice %arg9[%mul3A_4] : memref<50176xf32, #tpu.memory_space<hbm>> -> memref<3136xf32, #tpu.memory_space<hbm>>
        %dma_start3A_86 = tpu.memref_slice %arg9[%mul3A_4] : memref<50176xf32, #tpu.memory_space<hbm>> -> memref<3136xf32, #tpu.memory_space<hbm>>
        tpu.enqueue_dma source(%dma_start3A_86 : memref<3136xf32, #tpu.memory_space<hbm>>) target(%arg29 : memref<3136xf32, #tpu.memory_space<vmem>>) target_semaphore(%run_scoped3A : memref<!tpu.dma_semaphore, #tpu.memory_space<semaphore_mem>>)
        %dma_wait3A = tpu.memref_slice %arg9[%mul3A_4] : memref<50176xf32, #tpu.memory_space<hbm>> -> memref<3136xf32, #tpu.memory_space<hbm>>
        %dma_wait3A_87 = tpu.memref_slice %arg9[%mul3A_4] : memref<50176xf32, #tpu.memory_space<hbm>> -> memref<3136xf32, #tpu.memory_space<hbm>>
        tpu.wait_dma2 semaphore(%run_scoped3A : memref<!tpu.dma_semaphore, #tpu.memory_space<semaphore_mem>>) src(%dma_wait3A_87 : memref<3136xf32, #tpu.memory_space<hbm>>) dst(%arg29 : memref<3136xf32, #tpu.memory_space<vmem>>)
        tpu.yield
      }) : () -> ()
      %scan3A_79 = arith.constant 0 : i32
      %scan3A_80 = arith.constant 0 : i32
      %scan3A_81 = arith.constant 196 : i32
      %scan3A_82 = arith.addi %scan3A_80, %scan3A_81 : i32
      %scan3A_83 = arith.constant 1 : i32
      %scan3A_84 = scf.for %scan3A_86 = %scan3A_80 to %scan3A_82 step %scan3A_83 iter_args(%scan3A_87 = %scan3A_79) -> (i32)  : i32 {
        %mul3A_88 = arith.constant 16 : i32
        %mul3A_89 = arith.muli %scan3A_86, %mul3A_88 : i32
        %get3A = arith.index_cast %mul3A_89 : i32 to index
        %get3A_90 = tpu.vector_load %arg29[%get3A] {strides = array<i32>} : memref<3136xf32, #tpu.memory_space<vmem>>, vector<16xf32>,
        %get3A_91 = vector.shape_cast %get3A_90 : vector<16xf32> to vector<16xf32>
        %get3A_92 = arith.index_cast %mul3A_89 : i32 to index
        %get3A_93 = tpu.vector_load %arg30[%get3A_92] {strides = array<i32>} : memref<3136xf32, #tpu.memory_space<vmem>>, vector<16xf32>,
        %get3A_94 = vector.shape_cast %get3A_93 : vector<16xf32> to vector<16xf32>
        %mul3A_95 = arith.mulf %get3A_91, %get3A_94 : vector<16xf32>
        %swap3A = arith.index_cast %mul3A_89 : i32 to index
        %swap3A_96 = tpu.vector_load %arg29[%swap3A] {strides = array<i32>} : memref<3136xf32, #tpu.memory_space<vmem>>, vector<16xf32>,
        %swap3A_97 = vector.shape_cast %swap3A_96 : vector<16xf32> to vector<16xf32>
        %swap3A_98 = vector.shape_cast %mul3A_95 : vector<16xf32> to vector<16xf32>
        tpu.vector_store %arg29[%swap3A], %swap3A_98 {strides = array<i32>} : memref<3136xf32, #tpu.memory_space<vmem>>, vector<16xf32>,
        %scan3A_99 = arith.constant 0 : i32
        scf.yield %scan3A_99 : i32
      }
      %scan3A_85 = arith.constant 196 : i32
      "tpu.region"() ({
        %run_scoped3A = tpu.sem_alloc : memref<!tpu.dma_semaphore, #tpu.memory_space<semaphore_mem>>
        %dma_start3A = tpu.memref_slice %arg21[%mul3A_4] : memref<50176xf32, #tpu.memory_space<vmem_shared>> -> memref<3136xf32, #tpu.memory_space<vmem_shared>>
        %dma_start3A_86 = tpu.memref_slice %arg21[%mul3A_4] : memref<50176xf32, #tpu.memory_space<vmem_shared>> -> memref<3136xf32, #tpu.memory_space<vmem_shared>>
        tpu.enqueue_dma source(%arg29 : memref<3136xf32, #tpu.memory_space<vmem>>) target(%dma_start3A_86 : memref<3136xf32, #tpu.memory_space<vmem_shared>>) target_semaphore(%run_scoped3A : memref<!tpu.dma_semaphore, #tpu.memory_space<semaphore_mem>>)
        %dma_wait3A = tpu.memref_slice %arg21[%mul3A_4] : memref<50176xf32, #tpu.memory_space<vmem_shared>> -> memref<3136xf32, #tpu.memory_space<vmem_shared>>
        %dma_wait3A_87 = tpu.memref_slice %arg21[%mul3A_4] : memref<50176xf32, #tpu.memory_space<vmem_shared>> -> memref<3136xf32, #tpu.memory_space<vmem_shared>>
        tpu.wait_dma2 semaphore(%run_scoped3A : memref<!tpu.dma_semaphore, #tpu.memory_space<semaphore_mem>>) src(%arg29 : memref<3136xf32, #tpu.memory_space<vmem>>) dst(%dma_wait3A_87 : memref<3136xf32, #tpu.memory_space<vmem_shared>>)
        tpu.yield
      }) : () -> ()
    } else {
    }
    %barrier3A_43 = arith.constant 0 : index
    tpu.barrier barrier_id(%barrier3A_43)
    %eq3A_44 = arith.constant 0 : i32
    %eq3A_45 = arith.cmpi eq, %arg0, %eq3A_44 : i32
    %convert_element_type3A_46 = arith.extui %eq3A_45 : i1 to i32
    %cond3A_47 = arith.constant 0 : i32
    %cond3A_48 = arith.cmpi ne, %convert_element_type3A_46, %cond3A_47 : i32
    scf.if %cond3A_48 {
      %scan3A_65 = arith.constant 0 : i32
      %scan3A_66 = arith.constant 0 : i32
      %scan3A_67 = arith.constant 7 : i32
      %scan3A_68 = arith.addi %scan3A_66, %scan3A_67 : i32
      %scan3A_69 = arith.constant 1 : i32
      %scan3A_70 = scf.for %scan3A_72 = %scan3A_66 to %scan3A_68 step %scan3A_69 iter_args(%scan3A_73 = %scan3A_65) -> (i32)  : i32 {
        %mul3A_74 = arith.constant 56 : i32
        %mul3A_75 = arith.muli %scan3A_72, %mul3A_74 : i32
        %add3A = arith.addi %mul3A_2, %mul3A_75 : i32
        %dma_start3A = arith.constant 0 : i32
        %dma_start3A_76 = tpu.memref_slice %arg2[%add3A, %dma_start3A] : memref<6272x128xi32, #tpu.memory_space<hbm>> -> memref<56x128xi32, #tpu.memory_space<hbm>>
        %dma_start3A_77 = arith.constant 0 : i32
        %dma_start3A_78 = tpu.memref_slice %arg2[%add3A, %dma_start3A_77] : memref<6272x128xi32, #tpu.memory_space<hbm>> -> memref<56x128xi32, #tpu.memory_space<hbm>>
        tpu.enqueue_dma source(%dma_start3A_78 : memref<56x128xi32, #tpu.memory_space<hbm>>) target(%arg23 : memref<56x128xi32, #tpu.memory_space<vmem>>) target_semaphore(%arg33 : memref<!tpu.dma_semaphore, #tpu.memory_space<semaphore_mem>>)
        %dma_start3A_79 = arith.constant 0 : i32
        %dma_start3A_80 = tpu.memref_slice %arg3[%add3A, %dma_start3A_79] : memref<6272x128xi32, #tpu.memory_space<hbm>> -> memref<56x128xi32, #tpu.memory_space<hbm>>
        %dma_start3A_81 = arith.constant 0 : i32
        %dma_start3A_82 = tpu.memref_slice %arg3[%add3A, %dma_start3A_81] : memref<6272x128xi32, #tpu.memory_space<hbm>> -> memref<56x128xi32, #tpu.memory_space<hbm>>
        tpu.enqueue_dma source(%dma_start3A_82 : memref<56x128xi32, #tpu.memory_space<hbm>>) target(%arg22 : memref<56x128xi32, #tpu.memory_space<vmem>>) target_semaphore(%arg33 : memref<!tpu.dma_semaphore, #tpu.memory_space<semaphore_mem>>)
        %dma_wait3A = arith.constant 0 : i32
        %dma_wait3A_83 = tpu.memref_slice %arg2[%add3A, %dma_wait3A] : memref<6272x128xi32, #tpu.memory_space<hbm>> -> memref<56x128xi32, #tpu.memory_space<hbm>>
        %dma_wait3A_84 = arith.constant 0 : i32
        %dma_wait3A_85 = tpu.memref_slice %arg2[%add3A, %dma_wait3A_84] : memref<6272x128xi32, #tpu.memory_space<hbm>> -> memref<56x128xi32, #tpu.memory_space<hbm>>
        tpu.wait_dma2 semaphore(%arg33 : memref<!tpu.dma_semaphore, #tpu.memory_space<semaphore_mem>>) src(%dma_wait3A_85 : memref<56x128xi32, #tpu.memory_space<hbm>>) dst(%arg23 : memref<56x128xi32, #tpu.memory_space<vmem>>)
        %dma_wait3A_86 = arith.constant 0 : i32
        %dma_wait3A_87 = tpu.memref_slice %arg3[%add3A, %dma_wait3A_86] : memref<6272x128xi32, #tpu.memory_space<hbm>> -> memref<56x128xi32, #tpu.memory_space<hbm>>
        %dma_wait3A_88 = arith.constant 0 : i32
        %dma_wait3A_89 = tpu.memref_slice %arg3[%add3A, %dma_wait3A_88] : memref<6272x128xi32, #tpu.memory_space<hbm>> -> memref<56x128xi32, #tpu.memory_space<hbm>>
        tpu.wait_dma2 semaphore(%arg33 : memref<!tpu.dma_semaphore, #tpu.memory_space<semaphore_mem>>) src(%dma_wait3A_89 : memref<56x128xi32, #tpu.memory_space<hbm>>) dst(%arg22 : memref<56x128xi32, #tpu.memory_space<vmem>>)
        %scan3A_90 = arith.constant 0 : i32
        %scan3A_91 = arith.constant 0 : i32
        %scan3A_92 = arith.constant 56 : i32
        %scan3A_93 = arith.addi %scan3A_91, %scan3A_92 : i32
        %scan3A_94 = arith.constant 1 : i32
        %scan3A_95 = scf.for %scan3A_119 = %scan3A_91 to %scan3A_93 step %scan3A_94 iter_args(%scan3A_120 = %scan3A_90) -> (i32)  : i32 {
          %dma_start3A_121 = arith.constant 0 : i32
          %dma_start3A_122 = tpu.memref_slice %arg25[%scan3A_119, %dma_start3A_121] : memref<56x128xf32, #tpu.memory_space<vmem>> -> memref<1x128xf32, #tpu.memory_space<vmem>>
          %dma_start3A_123 = tpu.memref_squeeze %dma_start3A_122 : memref<1x128xf32, #tpu.memory_space<vmem>> -> memref<128xf32, #tpu.memory_space<vmem>>
          %dma_start3A_124 = arith.constant 0 : i32
          %dma_start3A_125 = tpu.memref_slice %arg23[%scan3A_119, %dma_start3A_124] : memref<56x128xi32, #tpu.memory_space<vmem>> -> memref<1x128xi32, #tpu.memory_space<vmem>>
          %dma_start3A_126 = tpu.memref_squeeze %dma_start3A_125 : memref<1x128xi32, #tpu.memory_space<vmem>> -> memref<128xi32, #tpu.memory_space<vmem>>
          %dma_start3A_127 = arith.constant 0 : i32
          %dma_start3A_128 = tpu.memref_slice %arg15[%dma_start3A_127] : memref<50176xf32, #tpu.memory_space<vmem_shared>> -> memref<50176xf32, #tpu.memory_space<vmem_shared>>
          tpu.enqueue_indirect_dma source(%dma_start3A_128 : memref<50176xf32, #tpu.memory_space<vmem_shared>>) target(%dma_start3A_123 : memref<128xf32, #tpu.memory_space<vmem>>) offsets(%dma_start3A_126 : memref<128xi32, #tpu.memory_space<vmem>>) semaphore(%arg34 : memref<!tpu.dma_semaphore, #tpu.memory_space<semaphore_mem>>)
          %scan3A_129 = arith.constant 0 : i32
          scf.yield %scan3A_129 : i32
        }
        %scan3A_96 = arith.constant 56 : i32
        %scan3A_97 = arith.constant 0 : i32
        %scan3A_98 = arith.constant 0 : i32
        %scan3A_99 = arith.constant 56 : i32
        %scan3A_100 = arith.addi %scan3A_98, %scan3A_99 : i32
        %scan3A_101 = arith.constant 1 : i32
        %scan3A_102 = scf.for %scan3A_119 = %scan3A_98 to %scan3A_100 step %scan3A_101 iter_args(%scan3A_120 = %scan3A_97) -> (i32)  : i32 {
          %dma_wait3A_121 = arith.constant 0 : i32
          %dma_wait3A_122 = arith.constant 0 : i32
          %dma_wait3A_123 = arith.constant 0 : i32
          %dma_wait3A_124 = tpu.memref_slice %arg25[%dma_wait3A_122, %dma_wait3A_123] : memref<56x128xf32, #tpu.memory_space<vmem>> -> memref<1x128xf32, #tpu.memory_space<vmem>>
          %dma_wait3A_125 = tpu.memref_squeeze %dma_wait3A_124 : memref<1x128xf32, #tpu.memory_space<vmem>> -> memref<128xf32, #tpu.memory_space<vmem>>
          %dma_wait3A_126 = arith.constant 0 : i32
          %dma_wait3A_127 = tpu.memref_slice %arg23[%dma_wait3A_121, %dma_wait3A_126] : memref<56x128xi32, #tpu.memory_space<vmem>> -> memref<1x128xi32, #tpu.memory_space<vmem>>
          %dma_wait3A_128 = tpu.memref_squeeze %dma_wait3A_127 : memref<1x128xi32, #tpu.memory_space<vmem>> -> memref<128xi32, #tpu.memory_space<vmem>>
          %dma_wait3A_129 = arith.constant 0 : i32
          %dma_wait3A_130 = tpu.memref_slice %arg15[%dma_wait3A_129] : memref<50176xf32, #tpu.memory_space<vmem_shared>> -> memref<50176xf32, #tpu.memory_space<vmem_shared>>
          tpu.wait_indirect_dma semaphore(%arg34 : memref<!tpu.dma_semaphore, #tpu.memory_space<semaphore_mem>>) src(%dma_wait3A_130 : memref<50176xf32, #tpu.memory_space<vmem_shared>>) dst(%dma_wait3A_125 : memref<128xf32, #tpu.memory_space<vmem>>)
          %scan3A_131 = arith.constant 0 : i32
          scf.yield %scan3A_131 : i32
        }
        %scan3A_103 = arith.constant 56 : i32
        %scan3A_104 = arith.constant 0 : i32
        %scan3A_105 = arith.constant 0 : i32
        %scan3A_106 = arith.constant 56 : i32
        %scan3A_107 = arith.addi %scan3A_105, %scan3A_106 : i32
        %scan3A_108 = arith.constant 1 : i32
        %scan3A_109 = scf.for %scan3A_119 = %scan3A_105 to %scan3A_107 step %scan3A_108 iter_args(%scan3A_120 = %scan3A_104) -> (i32)  : i32 {
          %dma_start3A_121 = arith.constant 0 : i32
          %dma_start3A_122 = tpu.memref_slice %arg25[%scan3A_119, %dma_start3A_121] : memref<56x128xf32, #tpu.memory_space<vmem>> -> memref<1x128xf32, #tpu.memory_space<vmem>>
          %dma_start3A_123 = tpu.memref_squeeze %dma_start3A_122 : memref<1x128xf32, #tpu.memory_space<vmem>> -> memref<128xf32, #tpu.memory_space<vmem>>
          %dma_start3A_124 = arith.constant 0 : i32
          %dma_start3A_125 = tpu.memref_slice %arg22[%scan3A_119, %dma_start3A_124] : memref<56x128xi32, #tpu.memory_space<vmem>> -> memref<1x128xi32, #tpu.memory_space<vmem>>
          %dma_start3A_126 = tpu.memref_squeeze %dma_start3A_125 : memref<1x128xi32, #tpu.memory_space<vmem>> -> memref<128xi32, #tpu.memory_space<vmem>>
          %dma_start3A_127 = arith.constant 0 : i32
          %dma_start3A_128 = tpu.memref_slice %arg16[%dma_start3A_127] : memref<50176xf32, #tpu.memory_space<vmem_shared>> -> memref<50176xf32, #tpu.memory_space<vmem_shared>>
          tpu.enqueue_indirect_dma source(%dma_start3A_123 : memref<128xf32, #tpu.memory_space<vmem>>) target(%dma_start3A_128 : memref<50176xf32, #tpu.memory_space<vmem_shared>>) offsets(%dma_start3A_126 : memref<128xi32, #tpu.memory_space<vmem>>) semaphore(%arg35 : memref<!tpu.dma_semaphore, #tpu.memory_space<semaphore_mem>>) {add = true}
          %scan3A_129 = arith.constant 0 : i32
          scf.yield %scan3A_129 : i32
        }
        %scan3A_110 = arith.constant 56 : i32
        %scan3A_111 = arith.constant 0 : i32
        %scan3A_112 = arith.constant 0 : i32
        %scan3A_113 = arith.constant 56 : i32
        %scan3A_114 = arith.addi %scan3A_112, %scan3A_113 : i32
        %scan3A_115 = arith.constant 1 : i32
        %scan3A_116 = scf.for %scan3A_119 = %scan3A_112 to %scan3A_114 step %scan3A_115 iter_args(%scan3A_120 = %scan3A_111) -> (i32)  : i32 {
          %dma_wait3A_121 = arith.constant 0 : i32
          %dma_wait3A_122 = arith.constant 0 : i32
          %dma_wait3A_123 = arith.constant 0 : i32
          %dma_wait3A_124 = tpu.memref_slice %arg25[%dma_wait3A_121, %dma_wait3A_123] : memref<56x128xf32, #tpu.memory_space<vmem>> -> memref<1x128xf32, #tpu.memory_space<vmem>>
          %dma_wait3A_125 = tpu.memref_squeeze %dma_wait3A_124 : memref<1x128xf32, #tpu.memory_space<vmem>> -> memref<128xf32, #tpu.memory_space<vmem>>
          %dma_wait3A_126 = arith.constant 0 : i32
          %dma_wait3A_127 = tpu.memref_slice %arg22[%dma_wait3A_122, %dma_wait3A_126] : memref<56x128xi32, #tpu.memory_space<vmem>> -> memref<1x128xi32, #tpu.memory_space<vmem>>
          %dma_wait3A_128 = tpu.memref_squeeze %dma_wait3A_127 : memref<1x128xi32, #tpu.memory_space<vmem>> -> memref<128xi32, #tpu.memory_space<vmem>>
          %dma_wait3A_129 = arith.constant 0 : i32
          %dma_wait3A_130 = tpu.memref_slice %arg16[%dma_wait3A_129] : memref<50176xf32, #tpu.memory_space<vmem_shared>> -> memref<50176xf32, #tpu.memory_space<vmem_shared>>
          tpu.wait_indirect_dma semaphore(%arg35 : memref<!tpu.dma_semaphore, #tpu.memory_space<semaphore_mem>>) src(%dma_wait3A_125 : memref<128xf32, #tpu.memory_space<vmem>>) dst(%dma_wait3A_130 : memref<50176xf32, #tpu.memory_space<vmem_shared>>)
          %scan3A_131 = arith.constant 0 : i32
          scf.yield %scan3A_131 : i32
        }
        %scan3A_117 = arith.constant 56 : i32
        %scan3A_118 = arith.constant 0 : i32
        scf.yield %scan3A_118 : i32
      }
      %scan3A_71 = arith.constant 7 : i32
    } else {
    }
    %eq3A_49 = arith.constant 1 : i32
    %eq3A_50 = arith.cmpi eq, %arg0, %eq3A_49 : i32
    %convert_element_type3A_51 = arith.extui %eq3A_50 : i1 to i32
    %cond3A_52 = arith.constant 0 : i32
    %cond3A_53 = arith.cmpi ne, %convert_element_type3A_51, %cond3A_52 : i32
    scf.if %cond3A_53 {
      %scan3A_65 = arith.constant 0 : i32
      %scan3A_66 = arith.constant 0 : i32
      %scan3A_67 = arith.constant 7 : i32
      %scan3A_68 = arith.addi %scan3A_66, %scan3A_67 : i32
      %scan3A_69 = arith.constant 1 : i32
      %scan3A_70 = scf.for %scan3A_72 = %scan3A_66 to %scan3A_68 step %scan3A_69 iter_args(%scan3A_73 = %scan3A_65) -> (i32)  : i32 {
        %mul3A_74 = arith.constant 56 : i32
        %mul3A_75 = arith.muli %scan3A_72, %mul3A_74 : i32
        %add3A = arith.addi %mul3A_2, %mul3A_75 : i32
        %dma_start3A = arith.constant 0 : i32
        %dma_start3A_76 = tpu.memref_slice %arg4[%add3A, %dma_start3A] : memref<6272x128xi32, #tpu.memory_space<hbm>> -> memref<56x128xi32, #tpu.memory_space<hbm>>
        %dma_start3A_77 = arith.constant 0 : i32
        %dma_start3A_78 = tpu.memref_slice %arg4[%add3A, %dma_start3A_77] : memref<6272x128xi32, #tpu.memory_space<hbm>> -> memref<56x128xi32, #tpu.memory_space<hbm>>
        tpu.enqueue_dma source(%dma_start3A_78 : memref<56x128xi32, #tpu.memory_space<hbm>>) target(%arg23 : memref<56x128xi32, #tpu.memory_space<vmem>>) target_semaphore(%arg33 : memref<!tpu.dma_semaphore, #tpu.memory_space<semaphore_mem>>)
        %dma_start3A_79 = arith.constant 0 : i32
        %dma_start3A_80 = tpu.memref_slice %arg5[%add3A, %dma_start3A_79] : memref<6272x128xi32, #tpu.memory_space<hbm>> -> memref<56x128xi32, #tpu.memory_space<hbm>>
        %dma_start3A_81 = arith.constant 0 : i32
        %dma_start3A_82 = tpu.memref_slice %arg5[%add3A, %dma_start3A_81] : memref<6272x128xi32, #tpu.memory_space<hbm>> -> memref<56x128xi32, #tpu.memory_space<hbm>>
        tpu.enqueue_dma source(%dma_start3A_82 : memref<56x128xi32, #tpu.memory_space<hbm>>) target(%arg22 : memref<56x128xi32, #tpu.memory_space<vmem>>) target_semaphore(%arg33 : memref<!tpu.dma_semaphore, #tpu.memory_space<semaphore_mem>>)
        %dma_start3A_83 = arith.constant 0 : i32
        %dma_start3A_84 = tpu.memref_slice %arg6[%add3A, %dma_start3A_83] : memref<6272x128xf32, #tpu.memory_space<hbm>> -> memref<56x128xf32, #tpu.memory_space<hbm>>
        %dma_start3A_85 = arith.constant 0 : i32
        %dma_start3A_86 = tpu.memref_slice %arg6[%add3A, %dma_start3A_85] : memref<6272x128xf32, #tpu.memory_space<hbm>> -> memref<56x128xf32, #tpu.memory_space<hbm>>
        tpu.enqueue_dma source(%dma_start3A_86 : memref<56x128xf32, #tpu.memory_space<hbm>>) target(%arg24 : memref<56x128xf32, #tpu.memory_space<vmem>>) target_semaphore(%arg33 : memref<!tpu.dma_semaphore, #tpu.memory_space<semaphore_mem>>)
        %dma_wait3A = arith.constant 0 : i32
        %dma_wait3A_87 = tpu.memref_slice %arg4[%add3A, %dma_wait3A] : memref<6272x128xi32, #tpu.memory_space<hbm>> -> memref<56x128xi32, #tpu.memory_space<hbm>>
        %dma_wait3A_88 = arith.constant 0 : i32
        %dma_wait3A_89 = tpu.memref_slice %arg4[%add3A, %dma_wait3A_88] : memref<6272x128xi32, #tpu.memory_space<hbm>> -> memref<56x128xi32, #tpu.memory_space<hbm>>
        tpu.wait_dma2 semaphore(%arg33 : memref<!tpu.dma_semaphore, #tpu.memory_space<semaphore_mem>>) src(%dma_wait3A_89 : memref<56x128xi32, #tpu.memory_space<hbm>>) dst(%arg23 : memref<56x128xi32, #tpu.memory_space<vmem>>)
        %dma_wait3A_90 = arith.constant 0 : i32
        %dma_wait3A_91 = tpu.memref_slice %arg5[%add3A, %dma_wait3A_90] : memref<6272x128xi32, #tpu.memory_space<hbm>> -> memref<56x128xi32, #tpu.memory_space<hbm>>
        %dma_wait3A_92 = arith.constant 0 : i32
        %dma_wait3A_93 = tpu.memref_slice %arg5[%add3A, %dma_wait3A_92] : memref<6272x128xi32, #tpu.memory_space<hbm>> -> memref<56x128xi32, #tpu.memory_space<hbm>>
        tpu.wait_dma2 semaphore(%arg33 : memref<!tpu.dma_semaphore, #tpu.memory_space<semaphore_mem>>) src(%dma_wait3A_93 : memref<56x128xi32, #tpu.memory_space<hbm>>) dst(%arg22 : memref<56x128xi32, #tpu.memory_space<vmem>>)
        %dma_wait3A_94 = arith.constant 0 : i32
        %dma_wait3A_95 = tpu.memref_slice %arg6[%add3A, %dma_wait3A_94] : memref<6272x128xf32, #tpu.memory_space<hbm>> -> memref<56x128xf32, #tpu.memory_space<hbm>>
        %dma_wait3A_96 = arith.constant 0 : i32
        %dma_wait3A_97 = tpu.memref_slice %arg6[%add3A, %dma_wait3A_96] : memref<6272x128xf32, #tpu.memory_space<hbm>> -> memref<56x128xf32, #tpu.memory_space<hbm>>
        tpu.wait_dma2 semaphore(%arg33 : memref<!tpu.dma_semaphore, #tpu.memory_space<semaphore_mem>>) src(%dma_wait3A_97 : memref<56x128xf32, #tpu.memory_space<hbm>>) dst(%arg24 : memref<56x128xf32, #tpu.memory_space<vmem>>)
        %scan3A_98 = arith.constant 0 : i32
        %scan3A_99 = arith.constant 0 : i32
        %scan3A_100 = arith.constant 56 : i32
        %scan3A_101 = arith.addi %scan3A_99, %scan3A_100 : i32
        %scan3A_102 = arith.constant 1 : i32
        %scan3A_103 = scf.for %scan3A_134 = %scan3A_99 to %scan3A_101 step %scan3A_102 iter_args(%scan3A_135 = %scan3A_98) -> (i32)  : i32 {
          %dma_start3A_136 = arith.constant 0 : i32
          %dma_start3A_137 = tpu.memref_slice %arg28[%scan3A_134, %dma_start3A_136] : memref<56x128xf32, #tpu.memory_space<vmem>> -> memref<1x128xf32, #tpu.memory_space<vmem>>
          %dma_start3A_138 = tpu.memref_squeeze %dma_start3A_137 : memref<1x128xf32, #tpu.memory_space<vmem>> -> memref<128xf32, #tpu.memory_space<vmem>>
          %dma_start3A_139 = arith.constant 0 : i32
          %dma_start3A_140 = tpu.memref_slice %arg22[%scan3A_134, %dma_start3A_139] : memref<56x128xi32, #tpu.memory_space<vmem>> -> memref<1x128xi32, #tpu.memory_space<vmem>>
          %dma_start3A_141 = tpu.memref_squeeze %dma_start3A_140 : memref<1x128xi32, #tpu.memory_space<vmem>> -> memref<128xi32, #tpu.memory_space<vmem>>
          %dma_start3A_142 = arith.constant 0 : i32
          %dma_start3A_143 = tpu.memref_slice %arg15[%dma_start3A_142] : memref<50176xf32, #tpu.memory_space<vmem_shared>> -> memref<50176xf32, #tpu.memory_space<vmem_shared>>
          tpu.enqueue_indirect_dma source(%dma_start3A_143 : memref<50176xf32, #tpu.memory_space<vmem_shared>>) target(%dma_start3A_138 : memref<128xf32, #tpu.memory_space<vmem>>) offsets(%dma_start3A_141 : memref<128xi32, #tpu.memory_space<vmem>>) semaphore(%arg34 : memref<!tpu.dma_semaphore, #tpu.memory_space<semaphore_mem>>)
          %dma_start3A_144 = arith.constant 0 : i32
          %dma_start3A_145 = tpu.memref_slice %arg25[%scan3A_134, %dma_start3A_144] : memref<56x128xf32, #tpu.memory_space<vmem>> -> memref<1x128xf32, #tpu.memory_space<vmem>>
          %dma_start3A_146 = tpu.memref_squeeze %dma_start3A_145 : memref<1x128xf32, #tpu.memory_space<vmem>> -> memref<128xf32, #tpu.memory_space<vmem>>
          %dma_start3A_147 = arith.constant 0 : i32
          %dma_start3A_148 = tpu.memref_slice %arg23[%scan3A_134, %dma_start3A_147] : memref<56x128xi32, #tpu.memory_space<vmem>> -> memref<1x128xi32, #tpu.memory_space<vmem>>
          %dma_start3A_149 = tpu.memref_squeeze %dma_start3A_148 : memref<1x128xi32, #tpu.memory_space<vmem>> -> memref<128xi32, #tpu.memory_space<vmem>>
          %dma_start3A_150 = arith.constant 0 : i32
          %dma_start3A_151 = tpu.memref_slice %arg19[%dma_start3A_150] : memref<50176xf32, #tpu.memory_space<vmem_shared>> -> memref<50176xf32, #tpu.memory_space<vmem_shared>>
          tpu.enqueue_indirect_dma source(%dma_start3A_151 : memref<50176xf32, #tpu.memory_space<vmem_shared>>) target(%dma_start3A_146 : memref<128xf32, #tpu.memory_space<vmem>>) offsets(%dma_start3A_149 : memref<128xi32, #tpu.memory_space<vmem>>) semaphore(%arg34 : memref<!tpu.dma_semaphore, #tpu.memory_space<semaphore_mem>>)
          %dma_start3A_152 = arith.constant 0 : i32
          %dma_start3A_153 = tpu.memref_slice %arg26[%scan3A_134, %dma_start3A_152] : memref<56x128xf32, #tpu.memory_space<vmem>> -> memref<1x128xf32, #tpu.memory_space<vmem>>
          %dma_start3A_154 = tpu.memref_squeeze %dma_start3A_153 : memref<1x128xf32, #tpu.memory_space<vmem>> -> memref<128xf32, #tpu.memory_space<vmem>>
          %dma_start3A_155 = arith.constant 0 : i32
          %dma_start3A_156 = tpu.memref_slice %arg23[%scan3A_134, %dma_start3A_155] : memref<56x128xi32, #tpu.memory_space<vmem>> -> memref<1x128xi32, #tpu.memory_space<vmem>>
          %dma_start3A_157 = tpu.memref_squeeze %dma_start3A_156 : memref<1x128xi32, #tpu.memory_space<vmem>> -> memref<128xi32, #tpu.memory_space<vmem>>
          %dma_start3A_158 = arith.constant 0 : i32
          %dma_start3A_159 = tpu.memref_slice %arg20[%dma_start3A_158] : memref<50176xf32, #tpu.memory_space<vmem_shared>> -> memref<50176xf32, #tpu.memory_space<vmem_shared>>
          tpu.enqueue_indirect_dma source(%dma_start3A_159 : memref<50176xf32, #tpu.memory_space<vmem_shared>>) target(%dma_start3A_154 : memref<128xf32, #tpu.memory_space<vmem>>) offsets(%dma_start3A_157 : memref<128xi32, #tpu.memory_space<vmem>>) semaphore(%arg34 : memref<!tpu.dma_semaphore, #tpu.memory_space<semaphore_mem>>)
          %dma_start3A_160 = arith.constant 0 : i32
          %dma_start3A_161 = tpu.memref_slice %arg27[%scan3A_134, %dma_start3A_160] : memref<56x128xf32, #tpu.memory_space<vmem>> -> memref<1x128xf32, #tpu.memory_space<vmem>>
          %dma_start3A_162 = tpu.memref_squeeze %dma_start3A_161 : memref<1x128xf32, #tpu.memory_space<vmem>> -> memref<128xf32, #tpu.memory_space<vmem>>
          %dma_start3A_163 = arith.constant 0 : i32
          %dma_start3A_164 = tpu.memref_slice %arg23[%scan3A_134, %dma_start3A_163] : memref<56x128xi32, #tpu.memory_space<vmem>> -> memref<1x128xi32, #tpu.memory_space<vmem>>
          %dma_start3A_165 = tpu.memref_squeeze %dma_start3A_164 : memref<1x128xi32, #tpu.memory_space<vmem>> -> memref<128xi32, #tpu.memory_space<vmem>>
          %dma_start3A_166 = arith.constant 0 : i32
          %dma_start3A_167 = tpu.memref_slice %arg21[%dma_start3A_166] : memref<50176xf32, #tpu.memory_space<vmem_shared>> -> memref<50176xf32, #tpu.memory_space<vmem_shared>>
          tpu.enqueue_indirect_dma source(%dma_start3A_167 : memref<50176xf32, #tpu.memory_space<vmem_shared>>) target(%dma_start3A_162 : memref<128xf32, #tpu.memory_space<vmem>>) offsets(%dma_start3A_165 : memref<128xi32, #tpu.memory_space<vmem>>) semaphore(%arg34 : memref<!tpu.dma_semaphore, #tpu.memory_space<semaphore_mem>>)
          %scan3A_168 = arith.constant 0 : i32
          scf.yield %scan3A_168 : i32
        }
        %scan3A_104 = arith.constant 56 : i32
        %scan3A_105 = arith.constant 0 : i32
        %scan3A_106 = arith.constant 0 : i32
        %scan3A_107 = arith.constant 56 : i32
        %scan3A_108 = arith.addi %scan3A_106, %scan3A_107 : i32
        %scan3A_109 = arith.constant 1 : i32
        %scan3A_110 = scf.for %scan3A_134 = %scan3A_106 to %scan3A_108 step %scan3A_109 iter_args(%scan3A_135 = %scan3A_105) -> (i32)  : i32 {
          %dma_wait3A_136 = arith.constant 0 : i32
          %dma_wait3A_137 = arith.constant 0 : i32
          %dma_wait3A_138 = arith.constant 0 : i32
          %dma_wait3A_139 = tpu.memref_slice %arg28[%dma_wait3A_137, %dma_wait3A_138] : memref<56x128xf32, #tpu.memory_space<vmem>> -> memref<1x128xf32, #tpu.memory_space<vmem>>
          %dma_wait3A_140 = tpu.memref_squeeze %dma_wait3A_139 : memref<1x128xf32, #tpu.memory_space<vmem>> -> memref<128xf32, #tpu.memory_space<vmem>>
          %dma_wait3A_141 = arith.constant 0 : i32
          %dma_wait3A_142 = tpu.memref_slice %arg22[%dma_wait3A_136, %dma_wait3A_141] : memref<56x128xi32, #tpu.memory_space<vmem>> -> memref<1x128xi32, #tpu.memory_space<vmem>>
          %dma_wait3A_143 = tpu.memref_squeeze %dma_wait3A_142 : memref<1x128xi32, #tpu.memory_space<vmem>> -> memref<128xi32, #tpu.memory_space<vmem>>
          %dma_wait3A_144 = arith.constant 0 : i32
          %dma_wait3A_145 = tpu.memref_slice %arg15[%dma_wait3A_144] : memref<50176xf32, #tpu.memory_space<vmem_shared>> -> memref<50176xf32, #tpu.memory_space<vmem_shared>>
          tpu.wait_indirect_dma semaphore(%arg34 : memref<!tpu.dma_semaphore, #tpu.memory_space<semaphore_mem>>) src(%dma_wait3A_145 : memref<50176xf32, #tpu.memory_space<vmem_shared>>) dst(%dma_wait3A_140 : memref<128xf32, #tpu.memory_space<vmem>>)
          %dma_wait3A_146 = arith.constant 0 : i32
          %dma_wait3A_147 = arith.constant 0 : i32
          %dma_wait3A_148 = arith.constant 0 : i32
          %dma_wait3A_149 = tpu.memref_slice %arg28[%dma_wait3A_147, %dma_wait3A_148] : memref<56x128xf32, #tpu.memory_space<vmem>> -> memref<1x128xf32, #tpu.memory_space<vmem>>
          %dma_wait3A_150 = tpu.memref_squeeze %dma_wait3A_149 : memref<1x128xf32, #tpu.memory_space<vmem>> -> memref<128xf32, #tpu.memory_space<vmem>>
          %dma_wait3A_151 = arith.constant 0 : i32
          %dma_wait3A_152 = tpu.memref_slice %arg22[%dma_wait3A_146, %dma_wait3A_151] : memref<56x128xi32, #tpu.memory_space<vmem>> -> memref<1x128xi32, #tpu.memory_space<vmem>>
          %dma_wait3A_153 = tpu.memref_squeeze %dma_wait3A_152 : memref<1x128xi32, #tpu.memory_space<vmem>> -> memref<128xi32, #tpu.memory_space<vmem>>
          %dma_wait3A_154 = arith.constant 0 : i32
          %dma_wait3A_155 = tpu.memref_slice %arg15[%dma_wait3A_154] : memref<50176xf32, #tpu.memory_space<vmem_shared>> -> memref<50176xf32, #tpu.memory_space<vmem_shared>>
          tpu.wait_indirect_dma semaphore(%arg34 : memref<!tpu.dma_semaphore, #tpu.memory_space<semaphore_mem>>) src(%dma_wait3A_155 : memref<50176xf32, #tpu.memory_space<vmem_shared>>) dst(%dma_wait3A_150 : memref<128xf32, #tpu.memory_space<vmem>>)
          %dma_wait3A_156 = arith.constant 0 : i32
          %dma_wait3A_157 = arith.constant 0 : i32
          %dma_wait3A_158 = arith.constant 0 : i32
          %dma_wait3A_159 = tpu.memref_slice %arg28[%dma_wait3A_157, %dma_wait3A_158] : memref<56x128xf32, #tpu.memory_space<vmem>> -> memref<1x128xf32, #tpu.memory_space<vmem>>
          %dma_wait3A_160 = tpu.memref_squeeze %dma_wait3A_159 : memref<1x128xf32, #tpu.memory_space<vmem>> -> memref<128xf32, #tpu.memory_space<vmem>>
          %dma_wait3A_161 = arith.constant 0 : i32
          %dma_wait3A_162 = tpu.memref_slice %arg22[%dma_wait3A_156, %dma_wait3A_161] : memref<56x128xi32, #tpu.memory_space<vmem>> -> memref<1x128xi32, #tpu.memory_space<vmem>>
          %dma_wait3A_163 = tpu.memref_squeeze %dma_wait3A_162 : memref<1x128xi32, #tpu.memory_space<vmem>> -> memref<128xi32, #tpu.memory_space<vmem>>
          %dma_wait3A_164 = arith.constant 0 : i32
          %dma_wait3A_165 = tpu.memref_slice %arg15[%dma_wait3A_164] : memref<50176xf32, #tpu.memory_space<vmem_shared>> -> memref<50176xf32, #tpu.memory_space<vmem_shared>>
          tpu.wait_indirect_dma semaphore(%arg34 : memref<!tpu.dma_semaphore, #tpu.memory_space<semaphore_mem>>) src(%dma_wait3A_165 : memref<50176xf32, #tpu.memory_space<vmem_shared>>) dst(%dma_wait3A_160 : memref<128xf32, #tpu.memory_space<vmem>>)
          %dma_wait3A_166 = arith.constant 0 : i32
          %dma_wait3A_167 = arith.constant 0 : i32
          %dma_wait3A_168 = arith.constant 0 : i32
          %dma_wait3A_169 = tpu.memref_slice %arg28[%dma_wait3A_167, %dma_wait3A_168] : memref<56x128xf32, #tpu.memory_space<vmem>> -> memref<1x128xf32, #tpu.memory_space<vmem>>
          %dma_wait3A_170 = tpu.memref_squeeze %dma_wait3A_169 : memref<1x128xf32, #tpu.memory_space<vmem>> -> memref<128xf32, #tpu.memory_space<vmem>>
          %dma_wait3A_171 = arith.constant 0 : i32
          %dma_wait3A_172 = tpu.memref_slice %arg22[%dma_wait3A_166, %dma_wait3A_171] : memref<56x128xi32, #tpu.memory_space<vmem>> -> memref<1x128xi32, #tpu.memory_space<vmem>>
          %dma_wait3A_173 = tpu.memref_squeeze %dma_wait3A_172 : memref<1x128xi32, #tpu.memory_space<vmem>> -> memref<128xi32, #tpu.memory_space<vmem>>
          %dma_wait3A_174 = arith.constant 0 : i32
          %dma_wait3A_175 = tpu.memref_slice %arg15[%dma_wait3A_174] : memref<50176xf32, #tpu.memory_space<vmem_shared>> -> memref<50176xf32, #tpu.memory_space<vmem_shared>>
          tpu.wait_indirect_dma semaphore(%arg34 : memref<!tpu.dma_semaphore, #tpu.memory_space<semaphore_mem>>) src(%dma_wait3A_175 : memref<50176xf32, #tpu.memory_space<vmem_shared>>) dst(%dma_wait3A_170 : memref<128xf32, #tpu.memory_space<vmem>>)
          %scan3A_176 = arith.constant 0 : i32
          scf.yield %scan3A_176 : i32
        }
        %scan3A_111 = arith.constant 56 : i32
        %scan3A_112 = arith.constant 0 : i32
        %scan3A_113 = arith.constant 0 : i32
        %scan3A_114 = arith.constant 56 : i32
        %scan3A_115 = arith.addi %scan3A_113, %scan3A_114 : i32
        %scan3A_116 = arith.constant 1 : i32
        %scan3A_117 = scf.for %scan3A_134 = %scan3A_113 to %scan3A_115 step %scan3A_116 iter_args(%scan3A_135 = %scan3A_112) -> (i32)  : i32 {
          %scan3A_136 = arith.constant 0 : i32
          %scan3A_137 = arith.constant 0 : i32
          %scan3A_138 = arith.constant 8 : i32
          %scan3A_139 = arith.addi %scan3A_137, %scan3A_138 : i32
          %scan3A_140 = arith.constant 1 : i32
          %scan3A_141 = scf.for %scan3A_144 = %scan3A_137 to %scan3A_139 step %scan3A_140 iter_args(%scan3A_145 = %scan3A_136) -> (i32)  : i32 {
            %mul3A_146 = arith.constant 16 : i32
            %mul3A_147 = arith.muli %scan3A_144, %mul3A_146 : i32
            %get3A = arith.index_cast %scan3A_134 : i32 to index
            %get3A_148 = arith.index_cast %mul3A_147 : i32 to index
            %get3A_149 = tpu.vector_load %arg24[%get3A, %get3A_148] {strides = array<i32>} : memref<56x128xf32, #tpu.memory_space<vmem>>, vector<1x16xf32>,
            %get3A_150 = vector.shape_cast %get3A_149 : vector<1x16xf32> to vector<16xf32>
            %get3A_151 = arith.index_cast %scan3A_134 : i32 to index
            %get3A_152 = arith.index_cast %mul3A_147 : i32 to index
            %get3A_153 = tpu.vector_load %arg28[%get3A_151, %get3A_152] {strides = array<i32>} : memref<56x128xf32, #tpu.memory_space<vmem>>, vector<1x16xf32>,
            %get3A_154 = vector.shape_cast %get3A_153 : vector<1x16xf32> to vector<16xf32>
            %mul3A_155 = arith.mulf %get3A_150, %get3A_154 : vector<16xf32>
            %get3A_156 = arith.index_cast %scan3A_134 : i32 to index
            %get3A_157 = arith.index_cast %mul3A_147 : i32 to index
            %get3A_158 = tpu.vector_load %arg25[%get3A_156, %get3A_157] {strides = array<i32>} : memref<56x128xf32, #tpu.memory_space<vmem>>, vector<1x16xf32>,
            %get3A_159 = vector.shape_cast %get3A_158 : vector<1x16xf32> to vector<16xf32>
            %mul3A_160 = arith.mulf %get3A_159, %mul3A_155 : vector<16xf32>
            %swap3A = arith.index_cast %scan3A_134 : i32 to index
            %swap3A_161 = arith.index_cast %mul3A_147 : i32 to index
            %swap3A_162 = tpu.vector_load %arg25[%swap3A, %swap3A_161] {strides = array<i32>} : memref<56x128xf32, #tpu.memory_space<vmem>>, vector<1x16xf32>,
            %swap3A_163 = vector.shape_cast %swap3A_162 : vector<1x16xf32> to vector<16xf32>
            %swap3A_164 = vector.shape_cast %mul3A_160 : vector<16xf32> to vector<1x16xf32>
            tpu.vector_store %arg25[%swap3A, %swap3A_161], %swap3A_164 {strides = array<i32>} : memref<56x128xf32, #tpu.memory_space<vmem>>, vector<1x16xf32>,
            %get3A_165 = arith.index_cast %scan3A_134 : i32 to index
            %get3A_166 = arith.index_cast %mul3A_147 : i32 to index
            %get3A_167 = tpu.vector_load %arg26[%get3A_165, %get3A_166] {strides = array<i32>} : memref<56x128xf32, #tpu.memory_space<vmem>>, vector<1x16xf32>,
            %get3A_168 = vector.shape_cast %get3A_167 : vector<1x16xf32> to vector<16xf32>
            %mul3A_169 = arith.mulf %get3A_168, %mul3A_155 : vector<16xf32>
            %swap3A_170 = arith.index_cast %scan3A_134 : i32 to index
            %swap3A_171 = arith.index_cast %mul3A_147 : i32 to index
            %swap3A_172 = tpu.vector_load %arg26[%swap3A_170, %swap3A_171] {strides = array<i32>} : memref<56x128xf32, #tpu.memory_space<vmem>>, vector<1x16xf32>,
            %swap3A_173 = vector.shape_cast %swap3A_172 : vector<1x16xf32> to vector<16xf32>
            %swap3A_174 = vector.shape_cast %mul3A_169 : vector<16xf32> to vector<1x16xf32>
            tpu.vector_store %arg26[%swap3A_170, %swap3A_171], %swap3A_174 {strides = array<i32>} : memref<56x128xf32, #tpu.memory_space<vmem>>, vector<1x16xf32>,
            %get3A_175 = arith.index_cast %scan3A_134 : i32 to index
            %get3A_176 = arith.index_cast %mul3A_147 : i32 to index
            %get3A_177 = tpu.vector_load %arg27[%get3A_175, %get3A_176] {strides = array<i32>} : memref<56x128xf32, #tpu.memory_space<vmem>>, vector<1x16xf32>,
            %get3A_178 = vector.shape_cast %get3A_177 : vector<1x16xf32> to vector<16xf32>
            %mul3A_179 = arith.mulf %get3A_178, %mul3A_155 : vector<16xf32>
            %swap3A_180 = arith.index_cast %scan3A_134 : i32 to index
            %swap3A_181 = arith.index_cast %mul3A_147 : i32 to index
            %swap3A_182 = tpu.vector_load %arg27[%swap3A_180, %swap3A_181] {strides = array<i32>} : memref<56x128xf32, #tpu.memory_space<vmem>>, vector<1x16xf32>,
            %swap3A_183 = vector.shape_cast %swap3A_182 : vector<1x16xf32> to vector<16xf32>
            %swap3A_184 = vector.shape_cast %mul3A_179 : vector<16xf32> to vector<1x16xf32>
            tpu.vector_store %arg27[%swap3A_180, %swap3A_181], %swap3A_184 {strides = array<i32>} : memref<56x128xf32, #tpu.memory_space<vmem>>, vector<1x16xf32>,
            %scan3A_185 = arith.constant 0 : i32
            scf.yield %scan3A_185 : i32
          }
          %scan3A_142 = arith.constant 8 : i32
          %scan3A_143 = arith.constant 0 : i32
          scf.yield %scan3A_143 : i32
        }
        %scan3A_118 = arith.constant 56 : i32
        %scan3A_119 = arith.constant 0 : i32
        %scan3A_120 = arith.constant 0 : i32
        %scan3A_121 = arith.constant 56 : i32
        %scan3A_122 = arith.addi %scan3A_120, %scan3A_121 : i32
        %scan3A_123 = arith.constant 1 : i32
        %scan3A_124 = scf.for %scan3A_134 = %scan3A_120 to %scan3A_122 step %scan3A_123 iter_args(%scan3A_135 = %scan3A_119) -> (i32)  : i32 {
          %dma_start3A_136 = arith.constant 0 : i32
          %dma_start3A_137 = tpu.memref_slice %arg25[%scan3A_134, %dma_start3A_136] : memref<56x128xf32, #tpu.memory_space<vmem>> -> memref<1x128xf32, #tpu.memory_space<vmem>>
          %dma_start3A_138 = tpu.memref_squeeze %dma_start3A_137 : memref<1x128xf32, #tpu.memory_space<vmem>> -> memref<128xf32, #tpu.memory_space<vmem>>
          %dma_start3A_139 = arith.constant 0 : i32
          %dma_start3A_140 = tpu.memref_slice %arg22[%scan3A_134, %dma_start3A_139] : memref<56x128xi32, #tpu.memory_space<vmem>> -> memref<1x128xi32, #tpu.memory_space<vmem>>
          %dma_start3A_141 = tpu.memref_squeeze %dma_start3A_140 : memref<1x128xi32, #tpu.memory_space<vmem>> -> memref<128xi32, #tpu.memory_space<vmem>>
          %dma_start3A_142 = arith.constant 0 : i32
          %dma_start3A_143 = tpu.memref_slice %arg16[%dma_start3A_142] : memref<50176xf32, #tpu.memory_space<vmem_shared>> -> memref<50176xf32, #tpu.memory_space<vmem_shared>>
          tpu.enqueue_indirect_dma source(%dma_start3A_138 : memref<128xf32, #tpu.memory_space<vmem>>) target(%dma_start3A_143 : memref<50176xf32, #tpu.memory_space<vmem_shared>>) offsets(%dma_start3A_141 : memref<128xi32, #tpu.memory_space<vmem>>) semaphore(%arg35 : memref<!tpu.dma_semaphore, #tpu.memory_space<semaphore_mem>>) {add = true}
          %dma_start3A_144 = arith.constant 0 : i32
          %dma_start3A_145 = tpu.memref_slice %arg26[%scan3A_134, %dma_start3A_144] : memref<56x128xf32, #tpu.memory_space<vmem>> -> memref<1x128xf32, #tpu.memory_space<vmem>>
          %dma_start3A_146 = tpu.memref_squeeze %dma_start3A_145 : memref<1x128xf32, #tpu.memory_space<vmem>> -> memref<128xf32, #tpu.memory_space<vmem>>
          %dma_start3A_147 = arith.constant 0 : i32
          %dma_start3A_148 = tpu.memref_slice %arg22[%scan3A_134, %dma_start3A_147] : memref<56x128xi32, #tpu.memory_space<vmem>> -> memref<1x128xi32, #tpu.memory_space<vmem>>
          %dma_start3A_149 = tpu.memref_squeeze %dma_start3A_148 : memref<1x128xi32, #tpu.memory_space<vmem>> -> memref<128xi32, #tpu.memory_space<vmem>>
          %dma_start3A_150 = arith.constant 0 : i32
          %dma_start3A_151 = tpu.memref_slice %arg17[%dma_start3A_150] : memref<50176xf32, #tpu.memory_space<vmem_shared>> -> memref<50176xf32, #tpu.memory_space<vmem_shared>>
          tpu.enqueue_indirect_dma source(%dma_start3A_146 : memref<128xf32, #tpu.memory_space<vmem>>) target(%dma_start3A_151 : memref<50176xf32, #tpu.memory_space<vmem_shared>>) offsets(%dma_start3A_149 : memref<128xi32, #tpu.memory_space<vmem>>) semaphore(%arg35 : memref<!tpu.dma_semaphore, #tpu.memory_space<semaphore_mem>>) {add = true}
          %dma_start3A_152 = arith.constant 0 : i32
          %dma_start3A_153 = tpu.memref_slice %arg27[%scan3A_134, %dma_start3A_152] : memref<56x128xf32, #tpu.memory_space<vmem>> -> memref<1x128xf32, #tpu.memory_space<vmem>>
          %dma_start3A_154 = tpu.memref_squeeze %dma_start3A_153 : memref<1x128xf32, #tpu.memory_space<vmem>> -> memref<128xf32, #tpu.memory_space<vmem>>
          %dma_start3A_155 = arith.constant 0 : i32
          %dma_start3A_156 = tpu.memref_slice %arg22[%scan3A_134, %dma_start3A_155] : memref<56x128xi32, #tpu.memory_space<vmem>> -> memref<1x128xi32, #tpu.memory_space<vmem>>
          %dma_start3A_157 = tpu.memref_squeeze %dma_start3A_156 : memref<1x128xi32, #tpu.memory_space<vmem>> -> memref<128xi32, #tpu.memory_space<vmem>>
          %dma_start3A_158 = arith.constant 0 : i32
          %dma_start3A_159 = tpu.memref_slice %arg18[%dma_start3A_158] : memref<50176xf32, #tpu.memory_space<vmem_shared>> -> memref<50176xf32, #tpu.memory_space<vmem_shared>>
          tpu.enqueue_indirect_dma source(%dma_start3A_154 : memref<128xf32, #tpu.memory_space<vmem>>) target(%dma_start3A_159 : memref<50176xf32, #tpu.memory_space<vmem_shared>>) offsets(%dma_start3A_157 : memref<128xi32, #tpu.memory_space<vmem>>) semaphore(%arg35 : memref<!tpu.dma_semaphore, #tpu.memory_space<semaphore_mem>>) {add = true}
          %scan3A_160 = arith.constant 0 : i32
          scf.yield %scan3A_160 : i32
        }
        %scan3A_125 = arith.constant 56 : i32
        %scan3A_126 = arith.constant 0 : i32
        %scan3A_127 = arith.constant 0 : i32
        %scan3A_128 = arith.constant 56 : i32
        %scan3A_129 = arith.addi %scan3A_127, %scan3A_128 : i32
        %scan3A_130 = arith.constant 1 : i32
        %scan3A_131 = scf.for %scan3A_134 = %scan3A_127 to %scan3A_129 step %scan3A_130 iter_args(%scan3A_135 = %scan3A_126) -> (i32)  : i32 {
          %dma_wait3A_136 = arith.constant 0 : i32
          %dma_wait3A_137 = arith.constant 0 : i32
          %dma_wait3A_138 = arith.constant 0 : i32
          %dma_wait3A_139 = tpu.memref_slice %arg25[%dma_wait3A_136, %dma_wait3A_138] : memref<56x128xf32, #tpu.memory_space<vmem>> -> memref<1x128xf32, #tpu.memory_space<vmem>>
          %dma_wait3A_140 = tpu.memref_squeeze %dma_wait3A_139 : memref<1x128xf32, #tpu.memory_space<vmem>> -> memref<128xf32, #tpu.memory_space<vmem>>
          %dma_wait3A_141 = arith.constant 0 : i32
          %dma_wait3A_142 = tpu.memref_slice %arg22[%dma_wait3A_137, %dma_wait3A_141] : memref<56x128xi32, #tpu.memory_space<vmem>> -> memref<1x128xi32, #tpu.memory_space<vmem>>
          %dma_wait3A_143 = tpu.memref_squeeze %dma_wait3A_142 : memref<1x128xi32, #tpu.memory_space<vmem>> -> memref<128xi32, #tpu.memory_space<vmem>>
          %dma_wait3A_144 = arith.constant 0 : i32
          %dma_wait3A_145 = tpu.memref_slice %arg16[%dma_wait3A_144] : memref<50176xf32, #tpu.memory_space<vmem_shared>> -> memref<50176xf32, #tpu.memory_space<vmem_shared>>
          tpu.wait_indirect_dma semaphore(%arg35 : memref<!tpu.dma_semaphore, #tpu.memory_space<semaphore_mem>>) src(%dma_wait3A_140 : memref<128xf32, #tpu.memory_space<vmem>>) dst(%dma_wait3A_145 : memref<50176xf32, #tpu.memory_space<vmem_shared>>)
          %dma_wait3A_146 = arith.constant 0 : i32
          %dma_wait3A_147 = arith.constant 0 : i32
          %dma_wait3A_148 = arith.constant 0 : i32
          %dma_wait3A_149 = tpu.memref_slice %arg25[%dma_wait3A_146, %dma_wait3A_148] : memref<56x128xf32, #tpu.memory_space<vmem>> -> memref<1x128xf32, #tpu.memory_space<vmem>>
          %dma_wait3A_150 = tpu.memref_squeeze %dma_wait3A_149 : memref<1x128xf32, #tpu.memory_space<vmem>> -> memref<128xf32, #tpu.memory_space<vmem>>
          %dma_wait3A_151 = arith.constant 0 : i32
          %dma_wait3A_152 = tpu.memref_slice %arg22[%dma_wait3A_147, %dma_wait3A_151] : memref<56x128xi32, #tpu.memory_space<vmem>> -> memref<1x128xi32, #tpu.memory_space<vmem>>
          %dma_wait3A_153 = tpu.memref_squeeze %dma_wait3A_152 : memref<1x128xi32, #tpu.memory_space<vmem>> -> memref<128xi32, #tpu.memory_space<vmem>>
          %dma_wait3A_154 = arith.constant 0 : i32
          %dma_wait3A_155 = tpu.memref_slice %arg16[%dma_wait3A_154] : memref<50176xf32, #tpu.memory_space<vmem_shared>> -> memref<50176xf32, #tpu.memory_space<vmem_shared>>
          tpu.wait_indirect_dma semaphore(%arg35 : memref<!tpu.dma_semaphore, #tpu.memory_space<semaphore_mem>>) src(%dma_wait3A_150 : memref<128xf32, #tpu.memory_space<vmem>>) dst(%dma_wait3A_155 : memref<50176xf32, #tpu.memory_space<vmem_shared>>)
          %dma_wait3A_156 = arith.constant 0 : i32
          %dma_wait3A_157 = arith.constant 0 : i32
          %dma_wait3A_158 = arith.constant 0 : i32
          %dma_wait3A_159 = tpu.memref_slice %arg25[%dma_wait3A_156, %dma_wait3A_158] : memref<56x128xf32, #tpu.memory_space<vmem>> -> memref<1x128xf32, #tpu.memory_space<vmem>>
          %dma_wait3A_160 = tpu.memref_squeeze %dma_wait3A_159 : memref<1x128xf32, #tpu.memory_space<vmem>> -> memref<128xf32, #tpu.memory_space<vmem>>
          %dma_wait3A_161 = arith.constant 0 : i32
          %dma_wait3A_162 = tpu.memref_slice %arg22[%dma_wait3A_157, %dma_wait3A_161] : memref<56x128xi32, #tpu.memory_space<vmem>> -> memref<1x128xi32, #tpu.memory_space<vmem>>
          %dma_wait3A_163 = tpu.memref_squeeze %dma_wait3A_162 : memref<1x128xi32, #tpu.memory_space<vmem>> -> memref<128xi32, #tpu.memory_space<vmem>>
          %dma_wait3A_164 = arith.constant 0 : i32
          %dma_wait3A_165 = tpu.memref_slice %arg16[%dma_wait3A_164] : memref<50176xf32, #tpu.memory_space<vmem_shared>> -> memref<50176xf32, #tpu.memory_space<vmem_shared>>
          tpu.wait_indirect_dma semaphore(%arg35 : memref<!tpu.dma_semaphore, #tpu.memory_space<semaphore_mem>>) src(%dma_wait3A_160 : memref<128xf32, #tpu.memory_space<vmem>>) dst(%dma_wait3A_165 : memref<50176xf32, #tpu.memory_space<vmem_shared>>)
          %scan3A_166 = arith.constant 0 : i32
          scf.yield %scan3A_166 : i32
        }
        %scan3A_132 = arith.constant 56 : i32
        %scan3A_133 = arith.constant 0 : i32
        scf.yield %scan3A_133 : i32
      }
      %scan3A_71 = arith.constant 7 : i32
    } else {
    }
    %barrier3A_54 = arith.constant 0 : index
    tpu.barrier barrier_id(%barrier3A_54)
    %eq3A_55 = arith.constant 0 : i32
    %eq3A_56 = arith.cmpi eq, %arg0, %eq3A_55 : i32
    %convert_element_type3A_57 = arith.extui %eq3A_56 : i1 to i32
    %cond3A_58 = arith.constant 0 : i32
    %cond3A_59 = arith.cmpi ne, %convert_element_type3A_57, %cond3A_58 : i32
    scf.if %cond3A_59 {
      "tpu.region"() ({
        %run_scoped3A = tpu.sem_alloc : memref<!tpu.dma_semaphore, #tpu.memory_space<semaphore_mem>>
        %dma_start3A = tpu.memref_slice %arg15[%mul3A_4] : memref<50176xf32, #tpu.memory_space<vmem_shared>> -> memref<3136xf32, #tpu.memory_space<vmem_shared>>
        %dma_start3A_72 = tpu.memref_slice %arg15[%mul3A_4] : memref<50176xf32, #tpu.memory_space<vmem_shared>> -> memref<3136xf32, #tpu.memory_space<vmem_shared>>
        tpu.enqueue_dma source(%dma_start3A_72 : memref<3136xf32, #tpu.memory_space<vmem_shared>>) target(%arg29 : memref<3136xf32, #tpu.memory_space<vmem>>) target_semaphore(%run_scoped3A : memref<!tpu.dma_semaphore, #tpu.memory_space<semaphore_mem>>)
        %dma_wait3A = tpu.memref_slice %arg15[%mul3A_4] : memref<50176xf32, #tpu.memory_space<vmem_shared>> -> memref<3136xf32, #tpu.memory_space<vmem_shared>>
        %dma_wait3A_73 = tpu.memref_slice %arg15[%mul3A_4] : memref<50176xf32, #tpu.memory_space<vmem_shared>> -> memref<3136xf32, #tpu.memory_space<vmem_shared>>
        tpu.wait_dma2 semaphore(%run_scoped3A : memref<!tpu.dma_semaphore, #tpu.memory_space<semaphore_mem>>) src(%dma_wait3A_73 : memref<3136xf32, #tpu.memory_space<vmem_shared>>) dst(%arg29 : memref<3136xf32, #tpu.memory_space<vmem>>)
        tpu.yield
      }) : () -> ()
      "tpu.region"() ({
        %run_scoped3A = tpu.sem_alloc : memref<!tpu.dma_semaphore, #tpu.memory_space<semaphore_mem>>
        %dma_start3A = tpu.memref_slice %arg16[%mul3A_4] : memref<50176xf32, #tpu.memory_space<vmem_shared>> -> memref<3136xf32, #tpu.memory_space<vmem_shared>>
        %dma_start3A_72 = tpu.memref_slice %arg16[%mul3A_4] : memref<50176xf32, #tpu.memory_space<vmem_shared>> -> memref<3136xf32, #tpu.memory_space<vmem_shared>>
        tpu.enqueue_dma source(%dma_start3A_72 : memref<3136xf32, #tpu.memory_space<vmem_shared>>) target(%arg30 : memref<3136xf32, #tpu.memory_space<vmem>>) target_semaphore(%run_scoped3A : memref<!tpu.dma_semaphore, #tpu.memory_space<semaphore_mem>>)
        %dma_wait3A = tpu.memref_slice %arg16[%mul3A_4] : memref<50176xf32, #tpu.memory_space<vmem_shared>> -> memref<3136xf32, #tpu.memory_space<vmem_shared>>
        %dma_wait3A_73 = tpu.memref_slice %arg16[%mul3A_4] : memref<50176xf32, #tpu.memory_space<vmem_shared>> -> memref<3136xf32, #tpu.memory_space<vmem_shared>>
        tpu.wait_dma2 semaphore(%run_scoped3A : memref<!tpu.dma_semaphore, #tpu.memory_space<semaphore_mem>>) src(%dma_wait3A_73 : memref<3136xf32, #tpu.memory_space<vmem_shared>>) dst(%arg30 : memref<3136xf32, #tpu.memory_space<vmem>>)
        tpu.yield
      }) : () -> ()
      %scan3A_65 = arith.constant 0 : i32
      %scan3A_66 = arith.constant 0 : i32
      %scan3A_67 = arith.constant 196 : i32
      %scan3A_68 = arith.addi %scan3A_66, %scan3A_67 : i32
      %scan3A_69 = arith.constant 1 : i32
      %scan3A_70 = scf.for %scan3A_72 = %scan3A_66 to %scan3A_68 step %scan3A_69 iter_args(%scan3A_73 = %scan3A_65) -> (i32)  : i32 {
        %mul3A_74 = arith.constant 16 : i32
        %mul3A_75 = arith.muli %scan3A_72, %mul3A_74 : i32
        %get3A = arith.index_cast %mul3A_75 : i32 to index
        %get3A_76 = tpu.vector_load %arg29[%get3A] {strides = array<i32>} : memref<3136xf32, #tpu.memory_space<vmem>>, vector<16xf32>,
        %get3A_77 = vector.shape_cast %get3A_76 : vector<16xf32> to vector<16xf32>
        %get3A_78 = arith.index_cast %mul3A_75 : i32 to index
        %get3A_79 = tpu.vector_load %arg30[%get3A_78] {strides = array<i32>} : memref<3136xf32, #tpu.memory_space<vmem>>, vector<16xf32>,
        %get3A_80 = vector.shape_cast %get3A_79 : vector<16xf32> to vector<16xf32>
        %add3A = arith.addf %get3A_77, %get3A_80 : vector<16xf32>
        %mul3A_81 = arith.mulf %get3A_77, %add3A : vector<16xf32>
        %swap3A = arith.index_cast %mul3A_75 : i32 to index
        %swap3A_82 = tpu.vector_load %arg30[%swap3A] {strides = array<i32>} : memref<3136xf32, #tpu.memory_space<vmem>>, vector<16xf32>,
        %swap3A_83 = vector.shape_cast %swap3A_82 : vector<16xf32> to vector<16xf32>
        %swap3A_84 = vector.shape_cast %mul3A_81 : vector<16xf32> to vector<16xf32>
        tpu.vector_store %arg30[%swap3A], %swap3A_84 {strides = array<i32>} : memref<3136xf32, #tpu.memory_space<vmem>>, vector<16xf32>,
        %scan3A_85 = arith.constant 0 : i32
        scf.yield %scan3A_85 : i32
      }
      %scan3A_71 = arith.constant 196 : i32
      "tpu.region"() ({
        %run_scoped3A = tpu.sem_alloc : memref<!tpu.dma_semaphore, #tpu.memory_space<semaphore_mem>>
        %dma_start3A = tpu.memref_slice %arg10[%mul3A_4] : memref<50176xf32, #tpu.memory_space<hbm>> -> memref<3136xf32, #tpu.memory_space<hbm>>
        %dma_start3A_72 = tpu.memref_slice %arg10[%mul3A_4] : memref<50176xf32, #tpu.memory_space<hbm>> -> memref<3136xf32, #tpu.memory_space<hbm>>
        tpu.enqueue_dma source(%arg30 : memref<3136xf32, #tpu.memory_space<vmem>>) target(%dma_start3A_72 : memref<3136xf32, #tpu.memory_space<hbm>>) target_semaphore(%run_scoped3A : memref<!tpu.dma_semaphore, #tpu.memory_space<semaphore_mem>>)
        %dma_wait3A = tpu.memref_slice %arg10[%mul3A_4] : memref<50176xf32, #tpu.memory_space<hbm>> -> memref<3136xf32, #tpu.memory_space<hbm>>
        %dma_wait3A_73 = tpu.memref_slice %arg10[%mul3A_4] : memref<50176xf32, #tpu.memory_space<hbm>> -> memref<3136xf32, #tpu.memory_space<hbm>>
        tpu.wait_dma2 semaphore(%run_scoped3A : memref<!tpu.dma_semaphore, #tpu.memory_space<semaphore_mem>>) src(%arg30 : memref<3136xf32, #tpu.memory_space<vmem>>) dst(%dma_wait3A_73 : memref<3136xf32, #tpu.memory_space<hbm>>)
        tpu.yield
      }) : () -> ()
    } else {
    }
    %eq3A_60 = arith.constant 1 : i32
    %eq3A_61 = arith.cmpi eq, %arg0, %eq3A_60 : i32
    %convert_element_type3A_62 = arith.extui %eq3A_61 : i1 to i32
    %cond3A_63 = arith.constant 0 : i32
    %cond3A_64 = arith.cmpi ne, %convert_element_type3A_62, %cond3A_63 : i32
    scf.if %cond3A_64 {
      "tpu.region"() ({
        %run_scoped3A = tpu.sem_alloc : memref<!tpu.dma_semaphore, #tpu.memory_space<semaphore_mem>>
        %dma_start3A = tpu.memref_slice %arg15[%mul3A_4] : memref<50176xf32, #tpu.memory_space<vmem_shared>> -> memref<3136xf32, #tpu.memory_space<vmem_shared>>
        %dma_start3A_86 = tpu.memref_slice %arg15[%mul3A_4] : memref<50176xf32, #tpu.memory_space<vmem_shared>> -> memref<3136xf32, #tpu.memory_space<vmem_shared>>
        tpu.enqueue_dma source(%dma_start3A_86 : memref<3136xf32, #tpu.memory_space<vmem_shared>>) target(%arg31 : memref<3136xf32, #tpu.memory_space<vmem>>) target_semaphore(%run_scoped3A : memref<!tpu.dma_semaphore, #tpu.memory_space<semaphore_mem>>)
        %dma_wait3A = tpu.memref_slice %arg15[%mul3A_4] : memref<50176xf32, #tpu.memory_space<vmem_shared>> -> memref<3136xf32, #tpu.memory_space<vmem_shared>>
        %dma_wait3A_87 = tpu.memref_slice %arg15[%mul3A_4] : memref<50176xf32, #tpu.memory_space<vmem_shared>> -> memref<3136xf32, #tpu.memory_space<vmem_shared>>
        tpu.wait_dma2 semaphore(%run_scoped3A : memref<!tpu.dma_semaphore, #tpu.memory_space<semaphore_mem>>) src(%dma_wait3A_87 : memref<3136xf32, #tpu.memory_space<vmem_shared>>) dst(%arg31 : memref<3136xf32, #tpu.memory_space<vmem>>)
        tpu.yield
      }) : () -> ()
      "tpu.region"() ({
        %run_scoped3A = tpu.sem_alloc : memref<!tpu.dma_semaphore, #tpu.memory_space<semaphore_mem>>
        %dma_start3A = tpu.memref_slice %arg16[%mul3A_4] : memref<50176xf32, #tpu.memory_space<vmem_shared>> -> memref<3136xf32, #tpu.memory_space<vmem_shared>>
        %dma_start3A_86 = tpu.memref_slice %arg16[%mul3A_4] : memref<50176xf32, #tpu.memory_space<vmem_shared>> -> memref<3136xf32, #tpu.memory_space<vmem_shared>>
        tpu.enqueue_dma source(%dma_start3A_86 : memref<3136xf32, #tpu.memory_space<vmem_shared>>) target(%arg29 : memref<3136xf32, #tpu.memory_space<vmem>>) target_semaphore(%run_scoped3A : memref<!tpu.dma_semaphore, #tpu.memory_space<semaphore_mem>>)
        %dma_wait3A = tpu.memref_slice %arg16[%mul3A_4] : memref<50176xf32, #tpu.memory_space<vmem_shared>> -> memref<3136xf32, #tpu.memory_space<vmem_shared>>
        %dma_wait3A_87 = tpu.memref_slice %arg16[%mul3A_4] : memref<50176xf32, #tpu.memory_space<vmem_shared>> -> memref<3136xf32, #tpu.memory_space<vmem_shared>>
        tpu.wait_dma2 semaphore(%run_scoped3A : memref<!tpu.dma_semaphore, #tpu.memory_space<semaphore_mem>>) src(%dma_wait3A_87 : memref<3136xf32, #tpu.memory_space<vmem_shared>>) dst(%arg29 : memref<3136xf32, #tpu.memory_space<vmem>>)
        tpu.yield
      }) : () -> ()
      "tpu.region"() ({
        %run_scoped3A = tpu.sem_alloc : memref<!tpu.dma_semaphore, #tpu.memory_space<semaphore_mem>>
        %dma_start3A = tpu.memref_slice %arg19[%mul3A_4] : memref<50176xf32, #tpu.memory_space<vmem_shared>> -> memref<3136xf32, #tpu.memory_space<vmem_shared>>
        %dma_start3A_86 = tpu.memref_slice %arg19[%mul3A_4] : memref<50176xf32, #tpu.memory_space<vmem_shared>> -> memref<3136xf32, #tpu.memory_space<vmem_shared>>
        tpu.enqueue_dma source(%dma_start3A_86 : memref<3136xf32, #tpu.memory_space<vmem_shared>>) target(%arg30 : memref<3136xf32, #tpu.memory_space<vmem>>) target_semaphore(%run_scoped3A : memref<!tpu.dma_semaphore, #tpu.memory_space<semaphore_mem>>)
        %dma_wait3A = tpu.memref_slice %arg19[%mul3A_4] : memref<50176xf32, #tpu.memory_space<vmem_shared>> -> memref<3136xf32, #tpu.memory_space<vmem_shared>>
        %dma_wait3A_87 = tpu.memref_slice %arg19[%mul3A_4] : memref<50176xf32, #tpu.memory_space<vmem_shared>> -> memref<3136xf32, #tpu.memory_space<vmem_shared>>
        tpu.wait_dma2 semaphore(%run_scoped3A : memref<!tpu.dma_semaphore, #tpu.memory_space<semaphore_mem>>) src(%dma_wait3A_87 : memref<3136xf32, #tpu.memory_space<vmem_shared>>) dst(%arg30 : memref<3136xf32, #tpu.memory_space<vmem>>)
        tpu.yield
      }) : () -> ()
      %scan3A_65 = arith.constant 0 : i32
      %scan3A_66 = arith.constant 0 : i32
      %scan3A_67 = arith.constant 196 : i32
      %scan3A_68 = arith.addi %scan3A_66, %scan3A_67 : i32
      %scan3A_69 = arith.constant 1 : i32
      %scan3A_70 = scf.for %scan3A_86 = %scan3A_66 to %scan3A_68 step %scan3A_69 iter_args(%scan3A_87 = %scan3A_65) -> (i32)  : i32 {
        %mul3A_88 = arith.constant 16 : i32
        %mul3A_89 = arith.muli %scan3A_86, %mul3A_88 : i32
        %get3A = arith.index_cast %mul3A_89 : i32 to index
        %get3A_90 = tpu.vector_load %arg29[%get3A] {strides = array<i32>} : memref<3136xf32, #tpu.memory_space<vmem>>, vector<16xf32>,
        %get3A_91 = vector.shape_cast %get3A_90 : vector<16xf32> to vector<16xf32>
        %get3A_92 = arith.index_cast %mul3A_89 : i32 to index
        %get3A_93 = tpu.vector_load %arg31[%get3A_92] {strides = array<i32>} : memref<3136xf32, #tpu.memory_space<vmem>>, vector<16xf32>,
        %get3A_94 = vector.shape_cast %get3A_93 : vector<16xf32> to vector<16xf32>
        %get3A_95 = arith.index_cast %mul3A_89 : i32 to index
        %get3A_96 = tpu.vector_load %arg30[%get3A_95] {strides = array<i32>} : memref<3136xf32, #tpu.memory_space<vmem>>, vector<16xf32>,
        %get3A_97 = vector.shape_cast %get3A_96 : vector<16xf32> to vector<16xf32>
        %mul3A_98 = arith.mulf %get3A_94, %get3A_97 : vector<16xf32>
        %add3A = arith.addf %get3A_91, %mul3A_98 : vector<16xf32>
        %swap3A = arith.index_cast %mul3A_89 : i32 to index
        %swap3A_99 = tpu.vector_load %arg29[%swap3A] {strides = array<i32>} : memref<3136xf32, #tpu.memory_space<vmem>>, vector<16xf32>,
        %swap3A_100 = vector.shape_cast %swap3A_99 : vector<16xf32> to vector<16xf32>
        %swap3A_101 = vector.shape_cast %add3A : vector<16xf32> to vector<16xf32>
        tpu.vector_store %arg29[%swap3A], %swap3A_101 {strides = array<i32>} : memref<3136xf32, #tpu.memory_space<vmem>>, vector<16xf32>,
        %scan3A_102 = arith.constant 0 : i32
        scf.yield %scan3A_102 : i32
      }
      %scan3A_71 = arith.constant 196 : i32
      "tpu.region"() ({
        %run_scoped3A = tpu.sem_alloc : memref<!tpu.dma_semaphore, #tpu.memory_space<semaphore_mem>>
        %dma_start3A = tpu.memref_slice %arg11[%mul3A_4] : memref<50176xf32, #tpu.memory_space<hbm>> -> memref<3136xf32, #tpu.memory_space<hbm>>
        %dma_start3A_86 = tpu.memref_slice %arg11[%mul3A_4] : memref<50176xf32, #tpu.memory_space<hbm>> -> memref<3136xf32, #tpu.memory_space<hbm>>
        tpu.enqueue_dma source(%arg29 : memref<3136xf32, #tpu.memory_space<vmem>>) target(%dma_start3A_86 : memref<3136xf32, #tpu.memory_space<hbm>>) target_semaphore(%run_scoped3A : memref<!tpu.dma_semaphore, #tpu.memory_space<semaphore_mem>>)
        %dma_wait3A = tpu.memref_slice %arg11[%mul3A_4] : memref<50176xf32, #tpu.memory_space<hbm>> -> memref<3136xf32, #tpu.memory_space<hbm>>
        %dma_wait3A_87 = tpu.memref_slice %arg11[%mul3A_4] : memref<50176xf32, #tpu.memory_space<hbm>> -> memref<3136xf32, #tpu.memory_space<hbm>>
        tpu.wait_dma2 semaphore(%run_scoped3A : memref<!tpu.dma_semaphore, #tpu.memory_space<semaphore_mem>>) src(%arg29 : memref<3136xf32, #tpu.memory_space<vmem>>) dst(%dma_wait3A_87 : memref<3136xf32, #tpu.memory_space<hbm>>)
        tpu.yield
      }) : () -> ()
      "tpu.region"() ({
        %run_scoped3A = tpu.sem_alloc : memref<!tpu.dma_semaphore, #tpu.memory_space<semaphore_mem>>
        %dma_start3A = tpu.memref_slice %arg17[%mul3A_4] : memref<50176xf32, #tpu.memory_space<vmem_shared>> -> memref<3136xf32, #tpu.memory_space<vmem_shared>>
        %dma_start3A_86 = tpu.memref_slice %arg17[%mul3A_4] : memref<50176xf32, #tpu.memory_space<vmem_shared>> -> memref<3136xf32, #tpu.memory_space<vmem_shared>>
        tpu.enqueue_dma source(%dma_start3A_86 : memref<3136xf32, #tpu.memory_space<vmem_shared>>) target(%arg29 : memref<3136xf32, #tpu.memory_space<vmem>>) target_semaphore(%run_scoped3A : memref<!tpu.dma_semaphore, #tpu.memory_space<semaphore_mem>>)
        %dma_wait3A = tpu.memref_slice %arg17[%mul3A_4] : memref<50176xf32, #tpu.memory_space<vmem_shared>> -> memref<3136xf32, #tpu.memory_space<vmem_shared>>
        %dma_wait3A_87 = tpu.memref_slice %arg17[%mul3A_4] : memref<50176xf32, #tpu.memory_space<vmem_shared>> -> memref<3136xf32, #tpu.memory_space<vmem_shared>>
        tpu.wait_dma2 semaphore(%run_scoped3A : memref<!tpu.dma_semaphore, #tpu.memory_space<semaphore_mem>>) src(%dma_wait3A_87 : memref<3136xf32, #tpu.memory_space<vmem_shared>>) dst(%arg29 : memref<3136xf32, #tpu.memory_space<vmem>>)
        tpu.yield
      }) : () -> ()
      "tpu.region"() ({
        %run_scoped3A = tpu.sem_alloc : memref<!tpu.dma_semaphore, #tpu.memory_space<semaphore_mem>>
        %dma_start3A = tpu.memref_slice %arg20[%mul3A_4] : memref<50176xf32, #tpu.memory_space<vmem_shared>> -> memref<3136xf32, #tpu.memory_space<vmem_shared>>
        %dma_start3A_86 = tpu.memref_slice %arg20[%mul3A_4] : memref<50176xf32, #tpu.memory_space<vmem_shared>> -> memref<3136xf32, #tpu.memory_space<vmem_shared>>
        tpu.enqueue_dma source(%dma_start3A_86 : memref<3136xf32, #tpu.memory_space<vmem_shared>>) target(%arg30 : memref<3136xf32, #tpu.memory_space<vmem>>) target_semaphore(%run_scoped3A : memref<!tpu.dma_semaphore, #tpu.memory_space<semaphore_mem>>)
        %dma_wait3A = tpu.memref_slice %arg20[%mul3A_4] : memref<50176xf32, #tpu.memory_space<vmem_shared>> -> memref<3136xf32, #tpu.memory_space<vmem_shared>>
        %dma_wait3A_87 = tpu.memref_slice %arg20[%mul3A_4] : memref<50176xf32, #tpu.memory_space<vmem_shared>> -> memref<3136xf32, #tpu.memory_space<vmem_shared>>
        tpu.wait_dma2 semaphore(%run_scoped3A : memref<!tpu.dma_semaphore, #tpu.memory_space<semaphore_mem>>) src(%dma_wait3A_87 : memref<3136xf32, #tpu.memory_space<vmem_shared>>) dst(%arg30 : memref<3136xf32, #tpu.memory_space<vmem>>)
        tpu.yield
      }) : () -> ()
      %scan3A_72 = arith.constant 0 : i32
      %scan3A_73 = arith.constant 0 : i32
      %scan3A_74 = arith.constant 196 : i32
      %scan3A_75 = arith.addi %scan3A_73, %scan3A_74 : i32
      %scan3A_76 = arith.constant 1 : i32
      %scan3A_77 = scf.for %scan3A_86 = %scan3A_73 to %scan3A_75 step %scan3A_76 iter_args(%scan3A_87 = %scan3A_72) -> (i32)  : i32 {
        %mul3A_88 = arith.constant 16 : i32
        %mul3A_89 = arith.muli %scan3A_86, %mul3A_88 : i32
        %get3A = arith.index_cast %mul3A_89 : i32 to index
        %get3A_90 = tpu.vector_load %arg29[%get3A] {strides = array<i32>} : memref<3136xf32, #tpu.memory_space<vmem>>, vector<16xf32>,
        %get3A_91 = vector.shape_cast %get3A_90 : vector<16xf32> to vector<16xf32>
        %get3A_92 = arith.index_cast %mul3A_89 : i32 to index
        %get3A_93 = tpu.vector_load %arg31[%get3A_92] {strides = array<i32>} : memref<3136xf32, #tpu.memory_space<vmem>>, vector<16xf32>,
        %get3A_94 = vector.shape_cast %get3A_93 : vector<16xf32> to vector<16xf32>
        %get3A_95 = arith.index_cast %mul3A_89 : i32 to index
        %get3A_96 = tpu.vector_load %arg30[%get3A_95] {strides = array<i32>} : memref<3136xf32, #tpu.memory_space<vmem>>, vector<16xf32>,
        %get3A_97 = vector.shape_cast %get3A_96 : vector<16xf32> to vector<16xf32>
        %mul3A_98 = arith.mulf %get3A_94, %get3A_97 : vector<16xf32>
        %add3A = arith.addf %get3A_91, %mul3A_98 : vector<16xf32>
        %swap3A = arith.index_cast %mul3A_89 : i32 to index
        %swap3A_99 = tpu.vector_load %arg29[%swap3A] {strides = array<i32>} : memref<3136xf32, #tpu.memory_space<vmem>>, vector<16xf32>,
        %swap3A_100 = vector.shape_cast %swap3A_99 : vector<16xf32> to vector<16xf32>
        %swap3A_101 = vector.shape_cast %add3A : vector<16xf32> to vector<16xf32>
        tpu.vector_store %arg29[%swap3A], %swap3A_101 {strides = array<i32>} : memref<3136xf32, #tpu.memory_space<vmem>>, vector<16xf32>,
        %scan3A_102 = arith.constant 0 : i32
        scf.yield %scan3A_102 : i32
      }
      %scan3A_78 = arith.constant 196 : i32
      "tpu.region"() ({
        %run_scoped3A = tpu.sem_alloc : memref<!tpu.dma_semaphore, #tpu.memory_space<semaphore_mem>>
        %dma_start3A = tpu.memref_slice %arg12[%mul3A_4] : memref<50176xf32, #tpu.memory_space<hbm>> -> memref<3136xf32, #tpu.memory_space<hbm>>
        %dma_start3A_86 = tpu.memref_slice %arg12[%mul3A_4] : memref<50176xf32, #tpu.memory_space<hbm>> -> memref<3136xf32, #tpu.memory_space<hbm>>
        tpu.enqueue_dma source(%arg29 : memref<3136xf32, #tpu.memory_space<vmem>>) target(%dma_start3A_86 : memref<3136xf32, #tpu.memory_space<hbm>>) target_semaphore(%run_scoped3A : memref<!tpu.dma_semaphore, #tpu.memory_space<semaphore_mem>>)
        %dma_wait3A = tpu.memref_slice %arg12[%mul3A_4] : memref<50176xf32, #tpu.memory_space<hbm>> -> memref<3136xf32, #tpu.memory_space<hbm>>
        %dma_wait3A_87 = tpu.memref_slice %arg12[%mul3A_4] : memref<50176xf32, #tpu.memory_space<hbm>> -> memref<3136xf32, #tpu.memory_space<hbm>>
        tpu.wait_dma2 semaphore(%run_scoped3A : memref<!tpu.dma_semaphore, #tpu.memory_space<semaphore_mem>>) src(%arg29 : memref<3136xf32, #tpu.memory_space<vmem>>) dst(%dma_wait3A_87 : memref<3136xf32, #tpu.memory_space<hbm>>)
        tpu.yield
      }) : () -> ()
      "tpu.region"() ({
        %run_scoped3A = tpu.sem_alloc : memref<!tpu.dma_semaphore, #tpu.memory_space<semaphore_mem>>
        %dma_start3A = tpu.memref_slice %arg18[%mul3A_4] : memref<50176xf32, #tpu.memory_space<vmem_shared>> -> memref<3136xf32, #tpu.memory_space<vmem_shared>>
        %dma_start3A_86 = tpu.memref_slice %arg18[%mul3A_4] : memref<50176xf32, #tpu.memory_space<vmem_shared>> -> memref<3136xf32, #tpu.memory_space<vmem_shared>>
        tpu.enqueue_dma source(%dma_start3A_86 : memref<3136xf32, #tpu.memory_space<vmem_shared>>) target(%arg29 : memref<3136xf32, #tpu.memory_space<vmem>>) target_semaphore(%run_scoped3A : memref<!tpu.dma_semaphore, #tpu.memory_space<semaphore_mem>>)
        %dma_wait3A = tpu.memref_slice %arg18[%mul3A_4] : memref<50176xf32, #tpu.memory_space<vmem_shared>> -> memref<3136xf32, #tpu.memory_space<vmem_shared>>
        %dma_wait3A_87 = tpu.memref_slice %arg18[%mul3A_4] : memref<50176xf32, #tpu.memory_space<vmem_shared>> -> memref<3136xf32, #tpu.memory_space<vmem_shared>>
        tpu.wait_dma2 semaphore(%run_scoped3A : memref<!tpu.dma_semaphore, #tpu.memory_space<semaphore_mem>>) src(%dma_wait3A_87 : memref<3136xf32, #tpu.memory_space<vmem_shared>>) dst(%arg29 : memref<3136xf32, #tpu.memory_space<vmem>>)
        tpu.yield
      }) : () -> ()
      "tpu.region"() ({
        %run_scoped3A = tpu.sem_alloc : memref<!tpu.dma_semaphore, #tpu.memory_space<semaphore_mem>>
        %dma_start3A = tpu.memref_slice %arg21[%mul3A_4] : memref<50176xf32, #tpu.memory_space<vmem_shared>> -> memref<3136xf32, #tpu.memory_space<vmem_shared>>
        %dma_start3A_86 = tpu.memref_slice %arg21[%mul3A_4] : memref<50176xf32, #tpu.memory_space<vmem_shared>> -> memref<3136xf32, #tpu.memory_space<vmem_shared>>
        tpu.enqueue_dma source(%dma_start3A_86 : memref<3136xf32, #tpu.memory_space<vmem_shared>>) target(%arg30 : memref<3136xf32, #tpu.memory_space<vmem>>) target_semaphore(%run_scoped3A : memref<!tpu.dma_semaphore, #tpu.memory_space<semaphore_mem>>)
        %dma_wait3A = tpu.memref_slice %arg21[%mul3A_4] : memref<50176xf32, #tpu.memory_space<vmem_shared>> -> memref<3136xf32, #tpu.memory_space<vmem_shared>>
        %dma_wait3A_87 = tpu.memref_slice %arg21[%mul3A_4] : memref<50176xf32, #tpu.memory_space<vmem_shared>> -> memref<3136xf32, #tpu.memory_space<vmem_shared>>
        tpu.wait_dma2 semaphore(%run_scoped3A : memref<!tpu.dma_semaphore, #tpu.memory_space<semaphore_mem>>) src(%dma_wait3A_87 : memref<3136xf32, #tpu.memory_space<vmem_shared>>) dst(%arg30 : memref<3136xf32, #tpu.memory_space<vmem>>)
        tpu.yield
      }) : () -> ()
      %scan3A_79 = arith.constant 0 : i32
      %scan3A_80 = arith.constant 0 : i32
      %scan3A_81 = arith.constant 196 : i32
      %scan3A_82 = arith.addi %scan3A_80, %scan3A_81 : i32
      %scan3A_83 = arith.constant 1 : i32
      %scan3A_84 = scf.for %scan3A_86 = %scan3A_80 to %scan3A_82 step %scan3A_83 iter_args(%scan3A_87 = %scan3A_79) -> (i32)  : i32 {
        %mul3A_88 = arith.constant 16 : i32
        %mul3A_89 = arith.muli %scan3A_86, %mul3A_88 : i32
        %get3A = arith.index_cast %mul3A_89 : i32 to index
        %get3A_90 = tpu.vector_load %arg29[%get3A] {strides = array<i32>} : memref<3136xf32, #tpu.memory_space<vmem>>, vector<16xf32>,
        %get3A_91 = vector.shape_cast %get3A_90 : vector<16xf32> to vector<16xf32>
        %get3A_92 = arith.index_cast %mul3A_89 : i32 to index
        %get3A_93 = tpu.vector_load %arg31[%get3A_92] {strides = array<i32>} : memref<3136xf32, #tpu.memory_space<vmem>>, vector<16xf32>,
        %get3A_94 = vector.shape_cast %get3A_93 : vector<16xf32> to vector<16xf32>
        %get3A_95 = arith.index_cast %mul3A_89 : i32 to index
        %get3A_96 = tpu.vector_load %arg30[%get3A_95] {strides = array<i32>} : memref<3136xf32, #tpu.memory_space<vmem>>, vector<16xf32>,
        %get3A_97 = vector.shape_cast %get3A_96 : vector<16xf32> to vector<16xf32>
        %mul3A_98 = arith.mulf %get3A_94, %get3A_97 : vector<16xf32>
        %add3A = arith.addf %get3A_91, %mul3A_98 : vector<16xf32>
        %swap3A = arith.index_cast %mul3A_89 : i32 to index
        %swap3A_99 = tpu.vector_load %arg29[%swap3A] {strides = array<i32>} : memref<3136xf32, #tpu.memory_space<vmem>>, vector<16xf32>,
        %swap3A_100 = vector.shape_cast %swap3A_99 : vector<16xf32> to vector<16xf32>
        %swap3A_101 = vector.shape_cast %add3A : vector<16xf32> to vector<16xf32>
        tpu.vector_store %arg29[%swap3A], %swap3A_101 {strides = array<i32>} : memref<3136xf32, #tpu.memory_space<vmem>>, vector<16xf32>,
        %scan3A_102 = arith.constant 0 : i32
        scf.yield %scan3A_102 : i32
      }
      %scan3A_85 = arith.constant 196 : i32
      "tpu.region"() ({
        %run_scoped3A = tpu.sem_alloc : memref<!tpu.dma_semaphore, #tpu.memory_space<semaphore_mem>>
        %dma_start3A = tpu.memref_slice %arg13[%mul3A_4] : memref<50176xf32, #tpu.memory_space<hbm>> -> memref<3136xf32, #tpu.memory_space<hbm>>
        %dma_start3A_86 = tpu.memref_slice %arg13[%mul3A_4] : memref<50176xf32, #tpu.memory_space<hbm>> -> memref<3136xf32, #tpu.memory_space<hbm>>
        tpu.enqueue_dma source(%arg29 : memref<3136xf32, #tpu.memory_space<vmem>>) target(%dma_start3A_86 : memref<3136xf32, #tpu.memory_space<hbm>>) target_semaphore(%run_scoped3A : memref<!tpu.dma_semaphore, #tpu.memory_space<semaphore_mem>>)
        %dma_wait3A = tpu.memref_slice %arg13[%mul3A_4] : memref<50176xf32, #tpu.memory_space<hbm>> -> memref<3136xf32, #tpu.memory_space<hbm>>
        %dma_wait3A_87 = tpu.memref_slice %arg13[%mul3A_4] : memref<50176xf32, #tpu.memory_space<hbm>> -> memref<3136xf32, #tpu.memory_space<hbm>>
        tpu.wait_dma2 semaphore(%run_scoped3A : memref<!tpu.dma_semaphore, #tpu.memory_space<semaphore_mem>>) src(%arg29 : memref<3136xf32, #tpu.memory_space<vmem>>) dst(%dma_wait3A_87 : memref<3136xf32, #tpu.memory_space<hbm>>)
        tpu.yield
      }) : () -> ()
    } else {
    }
    return
  }
}

#map = affine_map<(d0, d1) -> (0)>
#map1 = affine_map<(d0, d1) -> (0, 0)>
module attributes {stable_mosaic.version = 14 : i64} {
  func.func @_score_body(%arg0: i32, %arg1: i32, %arg2: memref<50176xf32, #tpu.memory_space<hbm>>, %arg3: memref<50176xf32, #tpu.memory_space<hbm>>, %arg4: memref<50176xf32, #tpu.memory_space<hbm>>, %arg5: memref<50176xf32, #tpu.memory_space<hbm>>, %arg6: memref<4096xi32, #tpu.memory_space<hbm>>, %arg7: memref<4096xi32, #tpu.memory_space<hbm>>, %arg8: memref<4096xi32, #tpu.memory_space<hbm>>, %arg9: memref<4096xi32, #tpu.memory_space<hbm>>, %arg10: memref<4096xi32, #tpu.memory_space<hbm>>, %arg11: memref<4096xi32, #tpu.memory_space<hbm>>, %arg12: memref<456x16xf32, #tpu.memory_space<hbm>>, %arg13: memref<4096xf32, #tpu.memory_space<hbm>>, %arg14: memref<50176xf32, #tpu.memory_space<vmem_shared>>, %arg15: memref<50176xf32, #tpu.memory_space<vmem_shared>>, %arg16: memref<50176xf32, #tpu.memory_space<vmem_shared>>, %arg17: memref<50176xf32, #tpu.memory_space<vmem_shared>>, %arg18: memref<128xi32, #tpu.memory_space<vmem>>, %arg19: memref<128xi32, #tpu.memory_space<vmem>>, %arg20: memref<128xi32, #tpu.memory_space<vmem>>, %arg21: memref<128xi32, #tpu.memory_space<vmem>>, %arg22: memref<128xf32, #tpu.memory_space<vmem>>, %arg23: memref<128xf32, #tpu.memory_space<vmem>>, %arg24: memref<128xf32, #tpu.memory_space<vmem>>, %arg25: memref<128xf32, #tpu.memory_space<vmem>>, %arg26: memref<128xf32, #tpu.memory_space<vmem>>, %arg27: memref<128xf32, #tpu.memory_space<vmem>>, %arg28: memref<128xf32, #tpu.memory_space<vmem>>, %arg29: memref<128xf32, #tpu.memory_space<vmem>>, %arg30: memref<456x16xf32, #tpu.memory_space<vmem>>, %arg31: memref<128xf32, #tpu.memory_space<vmem>>, %arg32: memref<3136xf32, #tpu.memory_space<vmem>>) attributes {dimension_semantics = [#tpu.dimension_semantics<core_parallel>, #tpu.dimension_semantics<subcore_parallel>], iteration_bounds = array<i64: 2, 16>, scalar_prefetch = 0 : i64, scratch_operands = 19 : i64, tpu.core_type = #tpu.core_type<sc_vector_subcore>, window_params = [{transform_indices = #map}, {transform_indices = #map}, {transform_indices = #map}, {transform_indices = #map}, {transform_indices = #map}, {transform_indices = #map}, {transform_indices = #map}, {transform_indices = #map}, {transform_indices = #map}, {transform_indices = #map}, {transform_indices = #map1}, {transform_indices = #map}]} {
    %mul3A = arith.constant 2 : i32
    %mul3A_0 = arith.muli %arg1, %mul3A : i32
    %add3A = arith.addi %mul3A_0, %arg0 : i32
    %mul3A_1 = arith.constant 128 : i32
    %mul3A_2 = arith.muli %add3A, %mul3A_1 : i32
    %mul3A_3 = arith.constant 3136 : i32
    %mul3A_4 = arith.muli %arg1, %mul3A_3 : i32
    "tpu.region"() ({
      %run_scoped3A = tpu.sem_alloc : memref<!tpu.dma_semaphore, #tpu.memory_space<semaphore_mem>>
      %dma_start3A = tpu.memref_slice %arg2[%mul3A_4] : memref<50176xf32, #tpu.memory_space<hbm>> -> memref<3136xf32, #tpu.memory_space<hbm>>
      %dma_start3A_11 = tpu.memref_slice %arg2[%mul3A_4] : memref<50176xf32, #tpu.memory_space<hbm>> -> memref<3136xf32, #tpu.memory_space<hbm>>
      tpu.enqueue_dma source(%dma_start3A_11 : memref<3136xf32, #tpu.memory_space<hbm>>) target(%arg32 : memref<3136xf32, #tpu.memory_space<vmem>>) target_semaphore(%run_scoped3A : memref<!tpu.dma_semaphore, #tpu.memory_space<semaphore_mem>>)
      %dma_wait3A = tpu.memref_slice %arg2[%mul3A_4] : memref<50176xf32, #tpu.memory_space<hbm>> -> memref<3136xf32, #tpu.memory_space<hbm>>
      %dma_wait3A_12 = tpu.memref_slice %arg2[%mul3A_4] : memref<50176xf32, #tpu.memory_space<hbm>> -> memref<3136xf32, #tpu.memory_space<hbm>>
      tpu.wait_dma2 semaphore(%run_scoped3A : memref<!tpu.dma_semaphore, #tpu.memory_space<semaphore_mem>>) src(%dma_wait3A_12 : memref<3136xf32, #tpu.memory_space<hbm>>) dst(%arg32 : memref<3136xf32, #tpu.memory_space<vmem>>)
      tpu.yield
    }) : () -> ()
    "tpu.region"() ({
      %run_scoped3A = tpu.sem_alloc : memref<!tpu.dma_semaphore, #tpu.memory_space<semaphore_mem>>
      %dma_start3A = tpu.memref_slice %arg14[%mul3A_4] : memref<50176xf32, #tpu.memory_space<vmem_shared>> -> memref<3136xf32, #tpu.memory_space<vmem_shared>>
      %dma_start3A_11 = tpu.memref_slice %arg14[%mul3A_4] : memref<50176xf32, #tpu.memory_space<vmem_shared>> -> memref<3136xf32, #tpu.memory_space<vmem_shared>>
      tpu.enqueue_dma source(%arg32 : memref<3136xf32, #tpu.memory_space<vmem>>) target(%dma_start3A_11 : memref<3136xf32, #tpu.memory_space<vmem_shared>>) target_semaphore(%run_scoped3A : memref<!tpu.dma_semaphore, #tpu.memory_space<semaphore_mem>>)
      %dma_wait3A = tpu.memref_slice %arg14[%mul3A_4] : memref<50176xf32, #tpu.memory_space<vmem_shared>> -> memref<3136xf32, #tpu.memory_space<vmem_shared>>
      %dma_wait3A_12 = tpu.memref_slice %arg14[%mul3A_4] : memref<50176xf32, #tpu.memory_space<vmem_shared>> -> memref<3136xf32, #tpu.memory_space<vmem_shared>>
      tpu.wait_dma2 semaphore(%run_scoped3A : memref<!tpu.dma_semaphore, #tpu.memory_space<semaphore_mem>>) src(%arg32 : memref<3136xf32, #tpu.memory_space<vmem>>) dst(%dma_wait3A_12 : memref<3136xf32, #tpu.memory_space<vmem_shared>>)
      tpu.yield
    }) : () -> ()
    "tpu.region"() ({
      %run_scoped3A = tpu.sem_alloc : memref<!tpu.dma_semaphore, #tpu.memory_space<semaphore_mem>>
      %dma_start3A = tpu.memref_slice %arg3[%mul3A_4] : memref<50176xf32, #tpu.memory_space<hbm>> -> memref<3136xf32, #tpu.memory_space<hbm>>
      %dma_start3A_11 = tpu.memref_slice %arg3[%mul3A_4] : memref<50176xf32, #tpu.memory_space<hbm>> -> memref<3136xf32, #tpu.memory_space<hbm>>
      tpu.enqueue_dma source(%dma_start3A_11 : memref<3136xf32, #tpu.memory_space<hbm>>) target(%arg32 : memref<3136xf32, #tpu.memory_space<vmem>>) target_semaphore(%run_scoped3A : memref<!tpu.dma_semaphore, #tpu.memory_space<semaphore_mem>>)
      %dma_wait3A = tpu.memref_slice %arg3[%mul3A_4] : memref<50176xf32, #tpu.memory_space<hbm>> -> memref<3136xf32, #tpu.memory_space<hbm>>
      %dma_wait3A_12 = tpu.memref_slice %arg3[%mul3A_4] : memref<50176xf32, #tpu.memory_space<hbm>> -> memref<3136xf32, #tpu.memory_space<hbm>>
      tpu.wait_dma2 semaphore(%run_scoped3A : memref<!tpu.dma_semaphore, #tpu.memory_space<semaphore_mem>>) src(%dma_wait3A_12 : memref<3136xf32, #tpu.memory_space<hbm>>) dst(%arg32 : memref<3136xf32, #tpu.memory_space<vmem>>)
      tpu.yield
    }) : () -> ()
    "tpu.region"() ({
      %run_scoped3A = tpu.sem_alloc : memref<!tpu.dma_semaphore, #tpu.memory_space<semaphore_mem>>
      %dma_start3A = tpu.memref_slice %arg15[%mul3A_4] : memref<50176xf32, #tpu.memory_space<vmem_shared>> -> memref<3136xf32, #tpu.memory_space<vmem_shared>>
      %dma_start3A_11 = tpu.memref_slice %arg15[%mul3A_4] : memref<50176xf32, #tpu.memory_space<vmem_shared>> -> memref<3136xf32, #tpu.memory_space<vmem_shared>>
      tpu.enqueue_dma source(%arg32 : memref<3136xf32, #tpu.memory_space<vmem>>) target(%dma_start3A_11 : memref<3136xf32, #tpu.memory_space<vmem_shared>>) target_semaphore(%run_scoped3A : memref<!tpu.dma_semaphore, #tpu.memory_space<semaphore_mem>>)
      %dma_wait3A = tpu.memref_slice %arg15[%mul3A_4] : memref<50176xf32, #tpu.memory_space<vmem_shared>> -> memref<3136xf32, #tpu.memory_space<vmem_shared>>
      %dma_wait3A_12 = tpu.memref_slice %arg15[%mul3A_4] : memref<50176xf32, #tpu.memory_space<vmem_shared>> -> memref<3136xf32, #tpu.memory_space<vmem_shared>>
      tpu.wait_dma2 semaphore(%run_scoped3A : memref<!tpu.dma_semaphore, #tpu.memory_space<semaphore_mem>>) src(%arg32 : memref<3136xf32, #tpu.memory_space<vmem>>) dst(%dma_wait3A_12 : memref<3136xf32, #tpu.memory_space<vmem_shared>>)
      tpu.yield
    }) : () -> ()
    "tpu.region"() ({
      %run_scoped3A = tpu.sem_alloc : memref<!tpu.dma_semaphore, #tpu.memory_space<semaphore_mem>>
      %dma_start3A = tpu.memref_slice %arg4[%mul3A_4] : memref<50176xf32, #tpu.memory_space<hbm>> -> memref<3136xf32, #tpu.memory_space<hbm>>
      %dma_start3A_11 = tpu.memref_slice %arg4[%mul3A_4] : memref<50176xf32, #tpu.memory_space<hbm>> -> memref<3136xf32, #tpu.memory_space<hbm>>
      tpu.enqueue_dma source(%dma_start3A_11 : memref<3136xf32, #tpu.memory_space<hbm>>) target(%arg32 : memref<3136xf32, #tpu.memory_space<vmem>>) target_semaphore(%run_scoped3A : memref<!tpu.dma_semaphore, #tpu.memory_space<semaphore_mem>>)
      %dma_wait3A = tpu.memref_slice %arg4[%mul3A_4] : memref<50176xf32, #tpu.memory_space<hbm>> -> memref<3136xf32, #tpu.memory_space<hbm>>
      %dma_wait3A_12 = tpu.memref_slice %arg4[%mul3A_4] : memref<50176xf32, #tpu.memory_space<hbm>> -> memref<3136xf32, #tpu.memory_space<hbm>>
      tpu.wait_dma2 semaphore(%run_scoped3A : memref<!tpu.dma_semaphore, #tpu.memory_space<semaphore_mem>>) src(%dma_wait3A_12 : memref<3136xf32, #tpu.memory_space<hbm>>) dst(%arg32 : memref<3136xf32, #tpu.memory_space<vmem>>)
      tpu.yield
    }) : () -> ()
    "tpu.region"() ({
      %run_scoped3A = tpu.sem_alloc : memref<!tpu.dma_semaphore, #tpu.memory_space<semaphore_mem>>
      %dma_start3A = tpu.memref_slice %arg16[%mul3A_4] : memref<50176xf32, #tpu.memory_space<vmem_shared>> -> memref<3136xf32, #tpu.memory_space<vmem_shared>>
      %dma_start3A_11 = tpu.memref_slice %arg16[%mul3A_4] : memref<50176xf32, #tpu.memory_space<vmem_shared>> -> memref<3136xf32, #tpu.memory_space<vmem_shared>>
      tpu.enqueue_dma source(%arg32 : memref<3136xf32, #tpu.memory_space<vmem>>) target(%dma_start3A_11 : memref<3136xf32, #tpu.memory_space<vmem_shared>>) target_semaphore(%run_scoped3A : memref<!tpu.dma_semaphore, #tpu.memory_space<semaphore_mem>>)
      %dma_wait3A = tpu.memref_slice %arg16[%mul3A_4] : memref<50176xf32, #tpu.memory_space<vmem_shared>> -> memref<3136xf32, #tpu.memory_space<vmem_shared>>
      %dma_wait3A_12 = tpu.memref_slice %arg16[%mul3A_4] : memref<50176xf32, #tpu.memory_space<vmem_shared>> -> memref<3136xf32, #tpu.memory_space<vmem_shared>>
      tpu.wait_dma2 semaphore(%run_scoped3A : memref<!tpu.dma_semaphore, #tpu.memory_space<semaphore_mem>>) src(%arg32 : memref<3136xf32, #tpu.memory_space<vmem>>) dst(%dma_wait3A_12 : memref<3136xf32, #tpu.memory_space<vmem_shared>>)
      tpu.yield
    }) : () -> ()
    "tpu.region"() ({
      %run_scoped3A = tpu.sem_alloc : memref<!tpu.dma_semaphore, #tpu.memory_space<semaphore_mem>>
      %dma_start3A = tpu.memref_slice %arg5[%mul3A_4] : memref<50176xf32, #tpu.memory_space<hbm>> -> memref<3136xf32, #tpu.memory_space<hbm>>
      %dma_start3A_11 = tpu.memref_slice %arg5[%mul3A_4] : memref<50176xf32, #tpu.memory_space<hbm>> -> memref<3136xf32, #tpu.memory_space<hbm>>
      tpu.enqueue_dma source(%dma_start3A_11 : memref<3136xf32, #tpu.memory_space<hbm>>) target(%arg32 : memref<3136xf32, #tpu.memory_space<vmem>>) target_semaphore(%run_scoped3A : memref<!tpu.dma_semaphore, #tpu.memory_space<semaphore_mem>>)
      %dma_wait3A = tpu.memref_slice %arg5[%mul3A_4] : memref<50176xf32, #tpu.memory_space<hbm>> -> memref<3136xf32, #tpu.memory_space<hbm>>
      %dma_wait3A_12 = tpu.memref_slice %arg5[%mul3A_4] : memref<50176xf32, #tpu.memory_space<hbm>> -> memref<3136xf32, #tpu.memory_space<hbm>>
      tpu.wait_dma2 semaphore(%run_scoped3A : memref<!tpu.dma_semaphore, #tpu.memory_space<semaphore_mem>>) src(%dma_wait3A_12 : memref<3136xf32, #tpu.memory_space<hbm>>) dst(%arg32 : memref<3136xf32, #tpu.memory_space<vmem>>)
      tpu.yield
    }) : () -> ()
    "tpu.region"() ({
      %run_scoped3A = tpu.sem_alloc : memref<!tpu.dma_semaphore, #tpu.memory_space<semaphore_mem>>
      %dma_start3A = tpu.memref_slice %arg17[%mul3A_4] : memref<50176xf32, #tpu.memory_space<vmem_shared>> -> memref<3136xf32, #tpu.memory_space<vmem_shared>>
      %dma_start3A_11 = tpu.memref_slice %arg17[%mul3A_4] : memref<50176xf32, #tpu.memory_space<vmem_shared>> -> memref<3136xf32, #tpu.memory_space<vmem_shared>>
      tpu.enqueue_dma source(%arg32 : memref<3136xf32, #tpu.memory_space<vmem>>) target(%dma_start3A_11 : memref<3136xf32, #tpu.memory_space<vmem_shared>>) target_semaphore(%run_scoped3A : memref<!tpu.dma_semaphore, #tpu.memory_space<semaphore_mem>>)
      %dma_wait3A = tpu.memref_slice %arg17[%mul3A_4] : memref<50176xf32, #tpu.memory_space<vmem_shared>> -> memref<3136xf32, #tpu.memory_space<vmem_shared>>
      %dma_wait3A_12 = tpu.memref_slice %arg17[%mul3A_4] : memref<50176xf32, #tpu.memory_space<vmem_shared>> -> memref<3136xf32, #tpu.memory_space<vmem_shared>>
      tpu.wait_dma2 semaphore(%run_scoped3A : memref<!tpu.dma_semaphore, #tpu.memory_space<semaphore_mem>>) src(%arg32 : memref<3136xf32, #tpu.memory_space<vmem>>) dst(%dma_wait3A_12 : memref<3136xf32, #tpu.memory_space<vmem_shared>>)
      tpu.yield
    }) : () -> ()
    %barrier3A = arith.constant 0 : index
    tpu.barrier barrier_id(%barrier3A)
    "tpu.region"() ({
      %run_scoped3A = tpu.sem_alloc : memref<!tpu.dma_semaphore, #tpu.memory_space<semaphore_mem>>
      tpu.enqueue_dma source(%arg12 : memref<456x16xf32, #tpu.memory_space<hbm>>) target(%arg30 : memref<456x16xf32, #tpu.memory_space<vmem>>) target_semaphore(%run_scoped3A : memref<!tpu.dma_semaphore, #tpu.memory_space<semaphore_mem>>)
      tpu.wait_dma2 semaphore(%run_scoped3A : memref<!tpu.dma_semaphore, #tpu.memory_space<semaphore_mem>>) src(%arg12 : memref<456x16xf32, #tpu.memory_space<hbm>>) dst(%arg30 : memref<456x16xf32, #tpu.memory_space<vmem>>)
      tpu.yield
    }) : () -> ()
    "tpu.region"() ({
      %run_scoped3A = tpu.sem_alloc : memref<!tpu.dma_semaphore, #tpu.memory_space<semaphore_mem>>
      %dma_start3A = tpu.memref_slice %arg6[%mul3A_2] : memref<4096xi32, #tpu.memory_space<hbm>> -> memref<128xi32, #tpu.memory_space<hbm>>
      %dma_start3A_11 = tpu.memref_slice %arg6[%mul3A_2] : memref<4096xi32, #tpu.memory_space<hbm>> -> memref<128xi32, #tpu.memory_space<hbm>>
      tpu.enqueue_dma source(%dma_start3A_11 : memref<128xi32, #tpu.memory_space<hbm>>) target(%arg18 : memref<128xi32, #tpu.memory_space<vmem>>) target_semaphore(%run_scoped3A : memref<!tpu.dma_semaphore, #tpu.memory_space<semaphore_mem>>)
      %dma_wait3A = tpu.memref_slice %arg6[%mul3A_2] : memref<4096xi32, #tpu.memory_space<hbm>> -> memref<128xi32, #tpu.memory_space<hbm>>
      %dma_wait3A_12 = tpu.memref_slice %arg6[%mul3A_2] : memref<4096xi32, #tpu.memory_space<hbm>> -> memref<128xi32, #tpu.memory_space<hbm>>
      tpu.wait_dma2 semaphore(%run_scoped3A : memref<!tpu.dma_semaphore, #tpu.memory_space<semaphore_mem>>) src(%dma_wait3A_12 : memref<128xi32, #tpu.memory_space<hbm>>) dst(%arg18 : memref<128xi32, #tpu.memory_space<vmem>>)
      tpu.yield
    }) : () -> ()
    "tpu.region"() ({
      %run_scoped3A = tpu.sem_alloc : memref<!tpu.dma_semaphore, #tpu.memory_space<semaphore_mem>>
      %dma_start3A = tpu.memref_slice %arg7[%mul3A_2] : memref<4096xi32, #tpu.memory_space<hbm>> -> memref<128xi32, #tpu.memory_space<hbm>>
      %dma_start3A_11 = tpu.memref_slice %arg7[%mul3A_2] : memref<4096xi32, #tpu.memory_space<hbm>> -> memref<128xi32, #tpu.memory_space<hbm>>
      tpu.enqueue_dma source(%dma_start3A_11 : memref<128xi32, #tpu.memory_space<hbm>>) target(%arg19 : memref<128xi32, #tpu.memory_space<vmem>>) target_semaphore(%run_scoped3A : memref<!tpu.dma_semaphore, #tpu.memory_space<semaphore_mem>>)
      %dma_wait3A = tpu.memref_slice %arg7[%mul3A_2] : memref<4096xi32, #tpu.memory_space<hbm>> -> memref<128xi32, #tpu.memory_space<hbm>>
      %dma_wait3A_12 = tpu.memref_slice %arg7[%mul3A_2] : memref<4096xi32, #tpu.memory_space<hbm>> -> memref<128xi32, #tpu.memory_space<hbm>>
      tpu.wait_dma2 semaphore(%run_scoped3A : memref<!tpu.dma_semaphore, #tpu.memory_space<semaphore_mem>>) src(%dma_wait3A_12 : memref<128xi32, #tpu.memory_space<hbm>>) dst(%arg19 : memref<128xi32, #tpu.memory_space<vmem>>)
      tpu.yield
    }) : () -> ()
    "tpu.region"() ({
      %run_scoped3A = tpu.sem_alloc : memref<!tpu.dma_semaphore, #tpu.memory_space<semaphore_mem>>
      %dma_start3A = tpu.memref_slice %arg8[%mul3A_2] : memref<4096xi32, #tpu.memory_space<hbm>> -> memref<128xi32, #tpu.memory_space<hbm>>
      %dma_start3A_11 = tpu.memref_slice %arg8[%mul3A_2] : memref<4096xi32, #tpu.memory_space<hbm>> -> memref<128xi32, #tpu.memory_space<hbm>>
      tpu.enqueue_dma source(%dma_start3A_11 : memref<128xi32, #tpu.memory_space<hbm>>) target(%arg20 : memref<128xi32, #tpu.memory_space<vmem>>) target_semaphore(%run_scoped3A : memref<!tpu.dma_semaphore, #tpu.memory_space<semaphore_mem>>)
      %dma_wait3A = tpu.memref_slice %arg8[%mul3A_2] : memref<4096xi32, #tpu.memory_space<hbm>> -> memref<128xi32, #tpu.memory_space<hbm>>
      %dma_wait3A_12 = tpu.memref_slice %arg8[%mul3A_2] : memref<4096xi32, #tpu.memory_space<hbm>> -> memref<128xi32, #tpu.memory_space<hbm>>
      tpu.wait_dma2 semaphore(%run_scoped3A : memref<!tpu.dma_semaphore, #tpu.memory_space<semaphore_mem>>) src(%dma_wait3A_12 : memref<128xi32, #tpu.memory_space<hbm>>) dst(%arg20 : memref<128xi32, #tpu.memory_space<vmem>>)
      tpu.yield
    }) : () -> ()
    "tpu.region"() ({
      %run_scoped3A = tpu.sem_alloc : memref<!tpu.dma_semaphore, #tpu.memory_space<semaphore_mem>>
      %dma_start3A = tpu.memref_slice %arg9[%mul3A_2] : memref<4096xi32, #tpu.memory_space<hbm>> -> memref<128xi32, #tpu.memory_space<hbm>>
      %dma_start3A_11 = tpu.memref_slice %arg9[%mul3A_2] : memref<4096xi32, #tpu.memory_space<hbm>> -> memref<128xi32, #tpu.memory_space<hbm>>
      tpu.enqueue_dma source(%dma_start3A_11 : memref<128xi32, #tpu.memory_space<hbm>>) target(%arg21 : memref<128xi32, #tpu.memory_space<vmem>>) target_semaphore(%run_scoped3A : memref<!tpu.dma_semaphore, #tpu.memory_space<semaphore_mem>>)
      %dma_wait3A = tpu.memref_slice %arg9[%mul3A_2] : memref<4096xi32, #tpu.memory_space<hbm>> -> memref<128xi32, #tpu.memory_space<hbm>>
      %dma_wait3A_12 = tpu.memref_slice %arg9[%mul3A_2] : memref<4096xi32, #tpu.memory_space<hbm>> -> memref<128xi32, #tpu.memory_space<hbm>>
      tpu.wait_dma2 semaphore(%run_scoped3A : memref<!tpu.dma_semaphore, #tpu.memory_space<semaphore_mem>>) src(%dma_wait3A_12 : memref<128xi32, #tpu.memory_space<hbm>>) dst(%arg21 : memref<128xi32, #tpu.memory_space<vmem>>)
      tpu.yield
    }) : () -> ()
    "tpu.region"() ({
      %run_scoped3A = tpu.sem_alloc : memref<!tpu.dma_semaphore, #tpu.memory_space<semaphore_mem>>
      %dma_start3A = arith.constant 0 : i32
      %dma_start3A_11 = tpu.memref_slice %arg14[%dma_start3A] : memref<50176xf32, #tpu.memory_space<vmem_shared>> -> memref<50176xf32, #tpu.memory_space<vmem_shared>>
      tpu.enqueue_indirect_dma source(%dma_start3A_11 : memref<50176xf32, #tpu.memory_space<vmem_shared>>) target(%arg22 : memref<128xf32, #tpu.memory_space<vmem>>) offsets(%arg20 : memref<128xi32, #tpu.memory_space<vmem>>) semaphore(%run_scoped3A : memref<!tpu.dma_semaphore, #tpu.memory_space<semaphore_mem>>)
      %dma_wait3A = arith.constant 0 : i32
      %dma_wait3A_12 = tpu.memref_slice %arg14[%dma_wait3A] : memref<50176xf32, #tpu.memory_space<vmem_shared>> -> memref<50176xf32, #tpu.memory_space<vmem_shared>>
      tpu.wait_indirect_dma semaphore(%run_scoped3A : memref<!tpu.dma_semaphore, #tpu.memory_space<semaphore_mem>>) src(%dma_wait3A_12 : memref<50176xf32, #tpu.memory_space<vmem_shared>>) dst(%arg22 : memref<128xf32, #tpu.memory_space<vmem>>)
      tpu.yield
    }) : () -> ()
    "tpu.region"() ({
      %run_scoped3A = tpu.sem_alloc : memref<!tpu.dma_semaphore, #tpu.memory_space<semaphore_mem>>
      %dma_start3A = arith.constant 0 : i32
      %dma_start3A_11 = tpu.memref_slice %arg15[%dma_start3A] : memref<50176xf32, #tpu.memory_space<vmem_shared>> -> memref<50176xf32, #tpu.memory_space<vmem_shared>>
      tpu.enqueue_indirect_dma source(%dma_start3A_11 : memref<50176xf32, #tpu.memory_space<vmem_shared>>) target(%arg24 : memref<128xf32, #tpu.memory_space<vmem>>) offsets(%arg21 : memref<128xi32, #tpu.memory_space<vmem>>) semaphore(%run_scoped3A : memref<!tpu.dma_semaphore, #tpu.memory_space<semaphore_mem>>)
      %dma_wait3A = arith.constant 0 : i32
      %dma_wait3A_12 = tpu.memref_slice %arg15[%dma_wait3A] : memref<50176xf32, #tpu.memory_space<vmem_shared>> -> memref<50176xf32, #tpu.memory_space<vmem_shared>>
      tpu.wait_indirect_dma semaphore(%run_scoped3A : memref<!tpu.dma_semaphore, #tpu.memory_space<semaphore_mem>>) src(%dma_wait3A_12 : memref<50176xf32, #tpu.memory_space<vmem_shared>>) dst(%arg24 : memref<128xf32, #tpu.memory_space<vmem>>)
      tpu.yield
    }) : () -> ()
    "tpu.region"() ({
      %run_scoped3A = tpu.sem_alloc : memref<!tpu.dma_semaphore, #tpu.memory_space<semaphore_mem>>
      %dma_start3A = arith.constant 0 : i32
      %dma_start3A_11 = tpu.memref_slice %arg16[%dma_start3A] : memref<50176xf32, #tpu.memory_space<vmem_shared>> -> memref<50176xf32, #tpu.memory_space<vmem_shared>>
      tpu.enqueue_indirect_dma source(%dma_start3A_11 : memref<50176xf32, #tpu.memory_space<vmem_shared>>) target(%arg25 : memref<128xf32, #tpu.memory_space<vmem>>) offsets(%arg21 : memref<128xi32, #tpu.memory_space<vmem>>) semaphore(%run_scoped3A : memref<!tpu.dma_semaphore, #tpu.memory_space<semaphore_mem>>)
      %dma_wait3A = arith.constant 0 : i32
      %dma_wait3A_12 = tpu.memref_slice %arg16[%dma_wait3A] : memref<50176xf32, #tpu.memory_space<vmem_shared>> -> memref<50176xf32, #tpu.memory_space<vmem_shared>>
      tpu.wait_indirect_dma semaphore(%run_scoped3A : memref<!tpu.dma_semaphore, #tpu.memory_space<semaphore_mem>>) src(%dma_wait3A_12 : memref<50176xf32, #tpu.memory_space<vmem_shared>>) dst(%arg25 : memref<128xf32, #tpu.memory_space<vmem>>)
      tpu.yield
    }) : () -> ()
    "tpu.region"() ({
      %run_scoped3A = tpu.sem_alloc : memref<!tpu.dma_semaphore, #tpu.memory_space<semaphore_mem>>
      %dma_start3A = arith.constant 0 : i32
      %dma_start3A_11 = tpu.memref_slice %arg17[%dma_start3A] : memref<50176xf32, #tpu.memory_space<vmem_shared>> -> memref<50176xf32, #tpu.memory_space<vmem_shared>>
      tpu.enqueue_indirect_dma source(%dma_start3A_11 : memref<50176xf32, #tpu.memory_space<vmem_shared>>) target(%arg26 : memref<128xf32, #tpu.memory_space<vmem>>) offsets(%arg21 : memref<128xi32, #tpu.memory_space<vmem>>) semaphore(%run_scoped3A : memref<!tpu.dma_semaphore, #tpu.memory_space<semaphore_mem>>)
      %dma_wait3A = arith.constant 0 : i32
      %dma_wait3A_12 = tpu.memref_slice %arg17[%dma_wait3A] : memref<50176xf32, #tpu.memory_space<vmem_shared>> -> memref<50176xf32, #tpu.memory_space<vmem_shared>>
      tpu.wait_indirect_dma semaphore(%run_scoped3A : memref<!tpu.dma_semaphore, #tpu.memory_space<semaphore_mem>>) src(%dma_wait3A_12 : memref<50176xf32, #tpu.memory_space<vmem_shared>>) dst(%arg26 : memref<128xf32, #tpu.memory_space<vmem>>)
      tpu.yield
    }) : () -> ()
    "tpu.region"() ({
      %run_scoped3A = tpu.sem_alloc : memref<!tpu.dma_semaphore, #tpu.memory_space<semaphore_mem>>
      %dma_start3A = tpu.memref_slice %arg10[%mul3A_2] : memref<4096xi32, #tpu.memory_space<hbm>> -> memref<128xi32, #tpu.memory_space<hbm>>
      %dma_start3A_11 = tpu.memref_slice %arg10[%mul3A_2] : memref<4096xi32, #tpu.memory_space<hbm>> -> memref<128xi32, #tpu.memory_space<hbm>>
      tpu.enqueue_dma source(%dma_start3A_11 : memref<128xi32, #tpu.memory_space<hbm>>) target(%arg20 : memref<128xi32, #tpu.memory_space<vmem>>) target_semaphore(%run_scoped3A : memref<!tpu.dma_semaphore, #tpu.memory_space<semaphore_mem>>)
      %dma_wait3A = tpu.memref_slice %arg10[%mul3A_2] : memref<4096xi32, #tpu.memory_space<hbm>> -> memref<128xi32, #tpu.memory_space<hbm>>
      %dma_wait3A_12 = tpu.memref_slice %arg10[%mul3A_2] : memref<4096xi32, #tpu.memory_space<hbm>> -> memref<128xi32, #tpu.memory_space<hbm>>
      tpu.wait_dma2 semaphore(%run_scoped3A : memref<!tpu.dma_semaphore, #tpu.memory_space<semaphore_mem>>) src(%dma_wait3A_12 : memref<128xi32, #tpu.memory_space<hbm>>) dst(%arg20 : memref<128xi32, #tpu.memory_space<vmem>>)
      tpu.yield
    }) : () -> ()
    "tpu.region"() ({
      %run_scoped3A = tpu.sem_alloc : memref<!tpu.dma_semaphore, #tpu.memory_space<semaphore_mem>>
      %dma_start3A = tpu.memref_slice %arg11[%mul3A_2] : memref<4096xi32, #tpu.memory_space<hbm>> -> memref<128xi32, #tpu.memory_space<hbm>>
      %dma_start3A_11 = tpu.memref_slice %arg11[%mul3A_2] : memref<4096xi32, #tpu.memory_space<hbm>> -> memref<128xi32, #tpu.memory_space<hbm>>
      tpu.enqueue_dma source(%dma_start3A_11 : memref<128xi32, #tpu.memory_space<hbm>>) target(%arg21 : memref<128xi32, #tpu.memory_space<vmem>>) target_semaphore(%run_scoped3A : memref<!tpu.dma_semaphore, #tpu.memory_space<semaphore_mem>>)
      %dma_wait3A = tpu.memref_slice %arg11[%mul3A_2] : memref<4096xi32, #tpu.memory_space<hbm>> -> memref<128xi32, #tpu.memory_space<hbm>>
      %dma_wait3A_12 = tpu.memref_slice %arg11[%mul3A_2] : memref<4096xi32, #tpu.memory_space<hbm>> -> memref<128xi32, #tpu.memory_space<hbm>>
      tpu.wait_dma2 semaphore(%run_scoped3A : memref<!tpu.dma_semaphore, #tpu.memory_space<semaphore_mem>>) src(%dma_wait3A_12 : memref<128xi32, #tpu.memory_space<hbm>>) dst(%arg21 : memref<128xi32, #tpu.memory_space<vmem>>)
      tpu.yield
    }) : () -> ()
    "tpu.region"() ({
      %run_scoped3A = tpu.sem_alloc : memref<!tpu.dma_semaphore, #tpu.memory_space<semaphore_mem>>
      %dma_start3A = arith.constant 0 : i32
      %dma_start3A_11 = tpu.memref_slice %arg14[%dma_start3A] : memref<50176xf32, #tpu.memory_space<vmem_shared>> -> memref<50176xf32, #tpu.memory_space<vmem_shared>>
      tpu.enqueue_indirect_dma source(%dma_start3A_11 : memref<50176xf32, #tpu.memory_space<vmem_shared>>) target(%arg23 : memref<128xf32, #tpu.memory_space<vmem>>) offsets(%arg20 : memref<128xi32, #tpu.memory_space<vmem>>) semaphore(%run_scoped3A : memref<!tpu.dma_semaphore, #tpu.memory_space<semaphore_mem>>)
      %dma_wait3A = arith.constant 0 : i32
      %dma_wait3A_12 = tpu.memref_slice %arg14[%dma_wait3A] : memref<50176xf32, #tpu.memory_space<vmem_shared>> -> memref<50176xf32, #tpu.memory_space<vmem_shared>>
      tpu.wait_indirect_dma semaphore(%run_scoped3A : memref<!tpu.dma_semaphore, #tpu.memory_space<semaphore_mem>>) src(%dma_wait3A_12 : memref<50176xf32, #tpu.memory_space<vmem_shared>>) dst(%arg23 : memref<128xf32, #tpu.memory_space<vmem>>)
      tpu.yield
    }) : () -> ()
    "tpu.region"() ({
      %run_scoped3A = tpu.sem_alloc : memref<!tpu.dma_semaphore, #tpu.memory_space<semaphore_mem>>
      %dma_start3A = arith.constant 0 : i32
      %dma_start3A_11 = tpu.memref_slice %arg15[%dma_start3A] : memref<50176xf32, #tpu.memory_space<vmem_shared>> -> memref<50176xf32, #tpu.memory_space<vmem_shared>>
      tpu.enqueue_indirect_dma source(%dma_start3A_11 : memref<50176xf32, #tpu.memory_space<vmem_shared>>) target(%arg27 : memref<128xf32, #tpu.memory_space<vmem>>) offsets(%arg21 : memref<128xi32, #tpu.memory_space<vmem>>) semaphore(%run_scoped3A : memref<!tpu.dma_semaphore, #tpu.memory_space<semaphore_mem>>)
      %dma_wait3A = arith.constant 0 : i32
      %dma_wait3A_12 = tpu.memref_slice %arg15[%dma_wait3A] : memref<50176xf32, #tpu.memory_space<vmem_shared>> -> memref<50176xf32, #tpu.memory_space<vmem_shared>>
      tpu.wait_indirect_dma semaphore(%run_scoped3A : memref<!tpu.dma_semaphore, #tpu.memory_space<semaphore_mem>>) src(%dma_wait3A_12 : memref<50176xf32, #tpu.memory_space<vmem_shared>>) dst(%arg27 : memref<128xf32, #tpu.memory_space<vmem>>)
      tpu.yield
    }) : () -> ()
    "tpu.region"() ({
      %run_scoped3A = tpu.sem_alloc : memref<!tpu.dma_semaphore, #tpu.memory_space<semaphore_mem>>
      %dma_start3A = arith.constant 0 : i32
      %dma_start3A_11 = tpu.memref_slice %arg16[%dma_start3A] : memref<50176xf32, #tpu.memory_space<vmem_shared>> -> memref<50176xf32, #tpu.memory_space<vmem_shared>>
      tpu.enqueue_indirect_dma source(%dma_start3A_11 : memref<50176xf32, #tpu.memory_space<vmem_shared>>) target(%arg28 : memref<128xf32, #tpu.memory_space<vmem>>) offsets(%arg21 : memref<128xi32, #tpu.memory_space<vmem>>) semaphore(%run_scoped3A : memref<!tpu.dma_semaphore, #tpu.memory_space<semaphore_mem>>)
      %dma_wait3A = arith.constant 0 : i32
      %dma_wait3A_12 = tpu.memref_slice %arg16[%dma_wait3A] : memref<50176xf32, #tpu.memory_space<vmem_shared>> -> memref<50176xf32, #tpu.memory_space<vmem_shared>>
      tpu.wait_indirect_dma semaphore(%run_scoped3A : memref<!tpu.dma_semaphore, #tpu.memory_space<semaphore_mem>>) src(%dma_wait3A_12 : memref<50176xf32, #tpu.memory_space<vmem_shared>>) dst(%arg28 : memref<128xf32, #tpu.memory_space<vmem>>)
      tpu.yield
    }) : () -> ()
    "tpu.region"() ({
      %run_scoped3A = tpu.sem_alloc : memref<!tpu.dma_semaphore, #tpu.memory_space<semaphore_mem>>
      %dma_start3A = arith.constant 0 : i32
      %dma_start3A_11 = tpu.memref_slice %arg17[%dma_start3A] : memref<50176xf32, #tpu.memory_space<vmem_shared>> -> memref<50176xf32, #tpu.memory_space<vmem_shared>>
      tpu.enqueue_indirect_dma source(%dma_start3A_11 : memref<50176xf32, #tpu.memory_space<vmem_shared>>) target(%arg29 : memref<128xf32, #tpu.memory_space<vmem>>) offsets(%arg21 : memref<128xi32, #tpu.memory_space<vmem>>) semaphore(%run_scoped3A : memref<!tpu.dma_semaphore, #tpu.memory_space<semaphore_mem>>)
      %dma_wait3A = arith.constant 0 : i32
      %dma_wait3A_12 = tpu.memref_slice %arg17[%dma_wait3A] : memref<50176xf32, #tpu.memory_space<vmem_shared>> -> memref<50176xf32, #tpu.memory_space<vmem_shared>>
      tpu.wait_indirect_dma semaphore(%run_scoped3A : memref<!tpu.dma_semaphore, #tpu.memory_space<semaphore_mem>>) src(%dma_wait3A_12 : memref<50176xf32, #tpu.memory_space<vmem_shared>>) dst(%arg29 : memref<128xf32, #tpu.memory_space<vmem>>)
      tpu.yield
    }) : () -> ()
    %scan3A = arith.constant 0 : i32
    %scan3A_5 = arith.constant 0 : i32
    %scan3A_6 = arith.constant 8 : i32
    %scan3A_7 = arith.addi %scan3A_5, %scan3A_6 : i32
    %scan3A_8 = arith.constant 1 : i32
    %scan3A_9 = scf.for %scan3A_11 = %scan3A_5 to %scan3A_7 step %scan3A_8 iter_args(%scan3A_12 = %scan3A) -> (i32)  : i32 {
      %mul3A_13 = arith.constant 16 : i32
      %mul3A_14 = arith.muli %scan3A_11, %mul3A_13 : i32
      %get3A = arith.index_cast %mul3A_14 : i32 to index
      %get3A_15 = tpu.vector_load %arg18[%get3A] {strides = array<i32>} : memref<128xi32, #tpu.memory_space<vmem>>, vector<16xi32>,
      %get3A_16 = vector.shape_cast %get3A_15 : vector<16xi32> to vector<16xi32>
      %lt3A = arith.constant 50000 : i32
      %lt3A_17 = vector.broadcast %lt3A : i32 to vector<16xi32>
      %lt3A_18 = arith.cmpi slt, %get3A_16, %lt3A_17 : vector<16xi32>
      %get3A_19 = arith.index_cast %mul3A_14 : i32 to index
      %get3A_20 = tpu.vector_load %arg19[%get3A_19] {strides = array<i32>} : memref<128xi32, #tpu.memory_space<vmem>>, vector<16xi32>,
      %get3A_21 = vector.shape_cast %get3A_20 : vector<16xi32> to vector<16xi32>
      %lt3A_22 = arith.constant 50000 : i32
      %lt3A_23 = vector.broadcast %lt3A_22 : i32 to vector<16xi32>
      %lt3A_24 = arith.cmpi slt, %get3A_21, %lt3A_23 : vector<16xi32>
      %get3A_25 = arith.index_cast %mul3A_14 : i32 to index
      %get3A_26 = tpu.vector_load %arg22[%get3A_25] {strides = array<i32>} : memref<128xf32, #tpu.memory_space<vmem>>, vector<16xf32>,
      %get3A_27 = vector.shape_cast %get3A_26 : vector<16xf32> to vector<16xf32>
      %get3A_28 = arith.index_cast %mul3A_14 : i32 to index
      %get3A_29 = tpu.vector_load %arg23[%get3A_28] {strides = array<i32>} : memref<128xf32, #tpu.memory_space<vmem>>, vector<16xf32>,
      %get3A_30 = vector.shape_cast %get3A_29 : vector<16xf32> to vector<16xf32>
      %get3A_31 = arith.index_cast %mul3A_14 : i32 to index
      %get3A_32 = tpu.vector_load %arg24[%get3A_31] {strides = array<i32>} : memref<128xf32, #tpu.memory_space<vmem>>, vector<16xf32>,
      %get3A_33 = vector.shape_cast %get3A_32 : vector<16xf32> to vector<16xf32>
      %get3A_34 = arith.index_cast %mul3A_14 : i32 to index
      %get3A_35 = tpu.vector_load %arg25[%get3A_34] {strides = array<i32>} : memref<128xf32, #tpu.memory_space<vmem>>, vector<16xf32>,
      %get3A_36 = vector.shape_cast %get3A_35 : vector<16xf32> to vector<16xf32>
      %get3A_37 = arith.index_cast %mul3A_14 : i32 to index
      %get3A_38 = tpu.vector_load %arg26[%get3A_37] {strides = array<i32>} : memref<128xf32, #tpu.memory_space<vmem>>, vector<16xf32>,
      %get3A_39 = vector.shape_cast %get3A_38 : vector<16xf32> to vector<16xf32>
      %get3A_40 = arith.index_cast %mul3A_14 : i32 to index
      %get3A_41 = tpu.vector_load %arg27[%get3A_40] {strides = array<i32>} : memref<128xf32, #tpu.memory_space<vmem>>, vector<16xf32>,
      %get3A_42 = vector.shape_cast %get3A_41 : vector<16xf32> to vector<16xf32>
      %get3A_43 = arith.index_cast %mul3A_14 : i32 to index
      %get3A_44 = tpu.vector_load %arg28[%get3A_43] {strides = array<i32>} : memref<128xf32, #tpu.memory_space<vmem>>, vector<16xf32>,
      %get3A_45 = vector.shape_cast %get3A_44 : vector<16xf32> to vector<16xf32>
      %get3A_46 = arith.index_cast %mul3A_14 : i32 to index
      %get3A_47 = tpu.vector_load %arg29[%get3A_46] {strides = array<i32>} : memref<128xf32, #tpu.memory_space<vmem>>, vector<16xf32>,
      %get3A_48 = vector.shape_cast %get3A_47 : vector<16xf32> to vector<16xf32>
      %get3A_49 = arith.constant 448 : i32
      %get3A_50 = arith.index_cast %get3A_49 : i32 to index
      %get3A_51 = arith.constant 0 : index
      %get3A_52 = tpu.vector_load %arg30[%get3A_50, %get3A_51] {strides = array<i32>} : memref<456x16xf32, #tpu.memory_space<vmem>>, vector<1x16xf32>,
      %get3A_53 = vector.shape_cast %get3A_52 : vector<1x16xf32> to vector<16xf32>
      %scan3A_54 = arith.constant 0 : i32
      %scan3A_55 = arith.constant 64 : i32
      %scan3A_56 = arith.addi %scan3A_54, %scan3A_55 : i32
      %scan3A_57 = arith.constant 1 : i32
      %scan3A_58 = scf.for %scan3A_64 = %scan3A_54 to %scan3A_56 step %scan3A_57 iter_args(%scan3A_65 = %get3A_53) -> (vector<16xf32>)  : i32 {
        %get3A_66 = arith.index_cast %scan3A_64 : i32 to index
        %get3A_67 = arith.constant 0 : index
        %get3A_68 = tpu.vector_load %arg30[%get3A_66, %get3A_67] {strides = array<i32>} : memref<456x16xf32, #tpu.memory_space<vmem>>, vector<1x16xf32>,
        %get3A_69 = vector.shape_cast %get3A_68 : vector<1x16xf32> to vector<16xf32>
        %add3A_70 = arith.constant 64 : i32
        %add3A_71 = arith.addi %add3A_70, %scan3A_64 : i32
        %get3A_72 = arith.index_cast %add3A_71 : i32 to index
        %get3A_73 = arith.constant 0 : index
        %get3A_74 = tpu.vector_load %arg30[%get3A_72, %get3A_73] {strides = array<i32>} : memref<456x16xf32, #tpu.memory_space<vmem>>, vector<1x16xf32>,
        %get3A_75 = vector.shape_cast %get3A_74 : vector<1x16xf32> to vector<16xf32>
        %add3A_76 = arith.constant 128 : i32
        %add3A_77 = arith.addi %add3A_76, %scan3A_64 : i32
        %get3A_78 = arith.index_cast %add3A_77 : i32 to index
        %get3A_79 = arith.constant 0 : index
        %get3A_80 = tpu.vector_load %arg30[%get3A_78, %get3A_79] {strides = array<i32>} : memref<456x16xf32, #tpu.memory_space<vmem>>, vector<1x16xf32>,
        %get3A_81 = vector.shape_cast %get3A_80 : vector<1x16xf32> to vector<16xf32>
        %add3A_82 = arith.constant 192 : i32
        %add3A_83 = arith.addi %add3A_82, %scan3A_64 : i32
        %get3A_84 = arith.index_cast %add3A_83 : i32 to index
        %get3A_85 = arith.constant 0 : index
        %get3A_86 = tpu.vector_load %arg30[%get3A_84, %get3A_85] {strides = array<i32>} : memref<456x16xf32, #tpu.memory_space<vmem>>, vector<1x16xf32>,
        %get3A_87 = vector.shape_cast %get3A_86 : vector<1x16xf32> to vector<16xf32>
        %add3A_88 = arith.constant 256 : i32
        %add3A_89 = arith.addi %add3A_88, %scan3A_64 : i32
        %get3A_90 = arith.index_cast %add3A_89 : i32 to index
        %get3A_91 = arith.constant 0 : index
        %get3A_92 = tpu.vector_load %arg30[%get3A_90, %get3A_91] {strides = array<i32>} : memref<456x16xf32, #tpu.memory_space<vmem>>, vector<1x16xf32>,
        %get3A_93 = vector.shape_cast %get3A_92 : vector<1x16xf32> to vector<16xf32>
        %add3A_94 = arith.constant 320 : i32
        %add3A_95 = arith.addi %add3A_94, %scan3A_64 : i32
        %get3A_96 = arith.index_cast %add3A_95 : i32 to index
        %get3A_97 = arith.constant 0 : index
        %get3A_98 = tpu.vector_load %arg30[%get3A_96, %get3A_97] {strides = array<i32>} : memref<456x16xf32, #tpu.memory_space<vmem>>, vector<1x16xf32>,
        %get3A_99 = vector.shape_cast %get3A_98 : vector<1x16xf32> to vector<16xf32>
        %add3A_100 = arith.constant 384 : i32
        %add3A_101 = arith.addi %add3A_100, %scan3A_64 : i32
        %get3A_102 = arith.index_cast %add3A_101 : i32 to index
        %get3A_103 = arith.constant 0 : index
        %get3A_104 = tpu.vector_load %arg30[%get3A_102, %get3A_103] {strides = array<i32>} : memref<456x16xf32, #tpu.memory_space<vmem>>, vector<1x16xf32>,
        %get3A_105 = vector.shape_cast %get3A_104 : vector<1x16xf32> to vector<16xf32>
        %mul3A_106 = arith.mulf %get3A_27, %get3A_69 : vector<16xf32>
        %add3A_107 = arith.addf %mul3A_106, %get3A_99 : vector<16xf32>
        %mul3A_108 = arith.mulf %get3A_33, %get3A_75 : vector<16xf32>
        %mul3A_109 = arith.mulf %get3A_36, %get3A_81 : vector<16xf32>
        %add3A_110 = arith.addf %mul3A_108, %mul3A_109 : vector<16xf32>
        %mul3A_111 = arith.mulf %get3A_39, %get3A_87 : vector<16xf32>
        %add3A_112 = arith.addf %add3A_110, %mul3A_111 : vector<16xf32>
        %add3A_113 = arith.addf %add3A_112, %get3A_105 : vector<16xf32>
        %select_n3A = arith.select %lt3A_18, %add3A_107, %add3A_113 : vector<16xi1>, vector<16xf32>
        %mul3A_114 = arith.mulf %get3A_30, %get3A_69 : vector<16xf32>
        %add3A_115 = arith.addf %mul3A_114, %get3A_99 : vector<16xf32>
        %mul3A_116 = arith.mulf %get3A_42, %get3A_75 : vector<16xf32>
        %mul3A_117 = arith.mulf %get3A_45, %get3A_81 : vector<16xf32>
        %add3A_118 = arith.addf %mul3A_116, %mul3A_117 : vector<16xf32>
        %mul3A_119 = arith.mulf %get3A_48, %get3A_87 : vector<16xf32>
        %add3A_120 = arith.addf %add3A_118, %mul3A_119 : vector<16xf32>
        %add3A_121 = arith.addf %add3A_120, %get3A_105 : vector<16xf32>
        %select_n3A_122 = arith.select %lt3A_24, %add3A_115, %add3A_121 : vector<16xi1>, vector<16xf32>
        %mul3A_123 = arith.mulf %select_n3A, %select_n3A_122 : vector<16xf32>
        %mul3A_124 = arith.constant 6.553700e+04 : f32
        %mul3A_125 = vector.broadcast %mul3A_124 : f32 to vector<16xf32>
        %mul3A_126 = arith.mulf %mul3A_123, %mul3A_125 : vector<16xf32>
        %sub3A = arith.subf %mul3A_126, %mul3A_123 : vector<16xf32>
        %sub3A_127 = arith.subf %mul3A_126, %sub3A : vector<16xf32>
        %mul3A_128 = arith.mulf %sub3A_127, %get3A_93 : vector<16xf32>
        %add3A_129 = arith.addf %scan3A_65, %mul3A_128 : vector<16xf32>
        scf.yield %add3A_129 : vector<16xf32>
      }
      %scan3A_59 = arith.constant 64 : i32
      %swap3A = arith.index_cast %mul3A_14 : i32 to index
      %swap3A_60 = tpu.vector_load %arg31[%swap3A] {strides = array<i32>} : memref<128xf32, #tpu.memory_space<vmem>>, vector<16xf32>,
      %swap3A_61 = vector.shape_cast %swap3A_60 : vector<16xf32> to vector<16xf32>
      %swap3A_62 = vector.shape_cast %scan3A_58 : vector<16xf32> to vector<16xf32>
      tpu.vector_store %arg31[%swap3A], %swap3A_62 {strides = array<i32>} : memref<128xf32, #tpu.memory_space<vmem>>, vector<16xf32>,
      %scan3A_63 = arith.constant 0 : i32
      scf.yield %scan3A_63 : i32
    }
    %scan3A_10 = arith.constant 8 : i32
    "tpu.region"() ({
      %run_scoped3A = tpu.sem_alloc : memref<!tpu.dma_semaphore, #tpu.memory_space<semaphore_mem>>
      %dma_start3A = tpu.memref_slice %arg13[%mul3A_2] : memref<4096xf32, #tpu.memory_space<hbm>> -> memref<128xf32, #tpu.memory_space<hbm>>
      %dma_start3A_11 = tpu.memref_slice %arg13[%mul3A_2] : memref<4096xf32, #tpu.memory_space<hbm>> -> memref<128xf32, #tpu.memory_space<hbm>>
      tpu.enqueue_dma source(%arg31 : memref<128xf32, #tpu.memory_space<vmem>>) target(%dma_start3A_11 : memref<128xf32, #tpu.memory_space<hbm>>) target_semaphore(%run_scoped3A : memref<!tpu.dma_semaphore, #tpu.memory_space<semaphore_mem>>)
      %dma_wait3A = tpu.memref_slice %arg13[%mul3A_2] : memref<4096xf32, #tpu.memory_space<hbm>> -> memref<128xf32, #tpu.memory_space<hbm>>
      %dma_wait3A_12 = tpu.memref_slice %arg13[%mul3A_2] : memref<4096xf32, #tpu.memory_space<hbm>> -> memref<128xf32, #tpu.memory_space<hbm>>
      tpu.wait_dma2 semaphore(%run_scoped3A : memref<!tpu.dma_semaphore, #tpu.memory_space<semaphore_mem>>) src(%arg31 : memref<128xf32, #tpu.memory_space<vmem>>) dst(%dma_wait3A_12 : memref<128xf32, #tpu.memory_space<hbm>>)
      tpu.yield
    }) : () -> ()
    return
  }
}

</mosaic_0001>

<sc_bundles>
// kernel: kernel.4.cloned.1.call-start
scs
__scs_entry_jumppad:
0x0: {  	(pc) =	sbr.rel $0x88, $3  }
0x1: {  	(tag) =	ssettag $0x0;
	lr =	simm.s32 $0x1  }
0x2: {  	[smem:$0x3F95] =	sst lr;
	_ =	strace $0xD0000000  }
0x3: {  	_ = 	snop  }
0x4: {  	_ = 	snop  }
0x5: {  	_ = 	snop  }
0x6: {  	_ = 	snop  }
0x7: {  	_ = 	snop  }
__scs_overlays_trampoline_lowered:
0x8: {  	[smem:$0x3FA4] =	sst s0  }
0x9: {  	[smem:$0x3FA5] =	sst s1  }
0xa: {  	[smem:$0x3FA6] =	sst s2  }
0xb: {  	[smem:$0x3FA7] =	sst s3  }
0xc: {  	[smem:$0x3FA8] =	sst s4  }
0xd: {  	[smem:$0x3FA9] =	sst s5  }
0xe: {  	[smem:$0x3FAA] =	sst s6  }
0xf: {  	[smem:$0x3FAB] =	sst s7  }
0x10: {  	[smem:$0x3FAC] =	sst s8  }
0x11: {  	[smem:$0x3FAD] =	sst s9;
	s0 =	simm.s32 @!p0 $0x0  }
0x12: {  	s1 =	sld [smem:$0x3F93];
	s0 =	simm.s32 @p0 $0x1  }
0x13: {  	[smem:$0x3FAE] =	sst s0;
	s0 =	simm.s32 @!p1 $0x0  }
0x14: {  	s2 =	sld [smem:$0x3F92];
	s0 =	simm.s32 @p1 $0x1  }
0x15: {  	[smem:$0x3FAF] =	sst s0;
	s0 =	simm.s32 @!p2 $0x0  }
0x16: {  	s3 =	sld [smem:$0x3FDB];
	s0 =	simm.s32 @p2 $0x1  }
0x17: {  	s4 =	simm.s32 $0x1BF5;
	[smem:$0x3FB1] =	sst s0  }
0x18: {  	s0 =	sld [smem:$0x3F94];
	_ =	swait.ge [sflag:s4], $0x0  }
0x19: {  	s7 =	sld [smem:$0x3F95]  }
0x1a: {  	s8 =	sadd.s32 $0xFFFFE003, lr  }
0x1b: {  	s9 =	sadd.s32 $0xFFFFFEF7, lr;
	s5 =	simm.s32 $0xFFFFFFFF;
	p2 =	slt.u32 s8, $0xFFFFF086  }
0x1c: {  	p1 =	slt.u32 s9, $0xF7A;
	s5 =	simm.s32 @!p2 $0x0  }
0x1d: {  	s5 =	simm.s32 @p1 $0x1;
	p0 =	seq.s32 s7, s2  }
0x1e: {  	s7 =	smul.u32 @!p0 $0xF7A, s2;
	p2 =	seq.s32 @!p0 s5, $0x0  }
0x1f: {  	s9 =	smul.u32 $0xF7A, s1;
	s8 =	simm.s32 @!p0 $0x1BF5;
	p2 =	por !p2, p0  }
0x20: {  	[sflag:s8] =	ssyncset.s32 @!p0 $0xFFFFF086;
	s6 =	sadd.s32 @!p0 s3, s7;
	s7 =	simm.s32 @!p0 $0x108  }
0x21: {  	s3 =	sadd.s32 s3, s9;
	s6 =	sadd.s32 @!p0 $0x88, s6;
	s7 =	simm.s32 @p2 $0x1082  }
0x22: {  	[simem:s7], [sflag:s8] =	dma.local @!p0 [hbm:s6], $0xF7A  }
0x23: {  	s9 =	sor.u32 $0xD0000000, s2;
	s6 =	simm.s32 $0x108;
	_ =	swait.ge @!p0 [sflag:s8], $0x0  }
0x24: {  	s3 =	sadd.s32 $0x88, s3;
	s6 =	simm.s32 @!p1 $0x1082;
	[sflag:s4] =	ssyncset.s32 $0xFFFFF086  }
0x25: {  	[simem:s6], [sflag:s4] =	dma.local [hbm:s3], $0xF7A  }
0x26: {  	[smem:$0x3F95] =	sst s1;
	(tag) =	ssettag s2;
	_ =	strace s9  }
0x27: {  	s1 =	sld [smem:$0x3FA5]  }
0x28: {  	s2 =	sld [smem:$0x3FA6]  }
0x29: {  	s4 =	sld [smem:$0x3FA8]  }
0x2a: {  	p0 =	seq.s32 s5, $0x0;
	s5 =	sld [smem:$0x3FA9]  }
0x2b: {  	s6 =	sld [smem:$0x3FAA]  }
0x2c: {  	s7 =	sld [smem:$0x3FAB]  }
0x2d: {  	s3 =	simm.s32 $0x108;
	s8 =	sld [smem:$0x3FAC]  }
0x2e: {  	s3 =	simm.s32 @!p0 $0x1082;
	s9 =	sld [smem:$0x3FAD]  }
0x2f: {  	lr =	sadd.s32 s0, s3;
	s0 =	sld [smem:$0x3FA4]  }
0x30: {  	s3 =	sld [smem:$0x3FA7]  }
0x31: {  	[smem:$0x3FB0] =	sst s10  }
0x32: {  	s10 =	sld [smem:$0x3FAE];
	_ =	sdelay $0x3  }
0x33: {  	p0 =	seq.s32 s10, $0x1;
	s10 =	sld [smem:$0x3FB0];
	_ =	sdelay $0x3  }
0x34: {  	[smem:$0x3FB0] =	sst s10  }
0x35: {  	s10 =	sld [smem:$0x3FAF];
	_ =	sdelay $0x3  }
0x36: {  	p1 =	seq.s32 s10, $0x1;
	s10 =	sld [smem:$0x3FB0];
	_ =	sdelay $0x3  }
0x37: {  	[smem:$0x3FB0] =	sst s10  }
0x38: {  	s10 =	sld [smem:$0x3FB1]  }
0x39: {  	_ = 	snop;
	(pc) =	sbr.ind lr, $3  }
0x3a: {  	_ = 	snop  }
0x3b: {  	_ = 	snop  }
0x3c: {  	p2 =	seq.s32 s10, $0x1;
	s10 =	sld [smem:$0x3FB0]  }
0x3d: {  	_ =	shalt  }
0x3e: {  	_ =	shalt  }
0x3f: {  	_ =	shalt  }
0x40: {  	_ =	shalt  }
0x41: {  	_ =	shalt  }
0x42: {  	_ =	shalt  }
0x43: {  	_ =	shalt  }
0x44: {  	_ =	shalt  }
0x45: {  	_ =	shalt  }
0x46: {  	_ =	shalt  }
0x47: {  	_ =	shalt  }
0x48: {  	_ =	shalt  }
0x49: {  	_ =	shalt  }
0x4a: {  	_ =	shalt  }
0x4b: {  	_ =	shalt  }
0x4c: {  	_ =	shalt  }
0x4d: {  	_ =	shalt  }
0x4e: {  	_ =	shalt  }
0x4f: {  	_ =	shalt  }
0x50: {  	_ =	shalt  }
0x51: {  	_ =	shalt  }
0x52: {  	_ =	shalt  }
0x53: {  	_ =	shalt  }
0x54: {  	_ =	shalt  }
0x55: {  	_ =	shalt  }
0x56: {  	_ =	shalt  }
0x57: {  	_ =	shalt  }
0x58: {  	_ =	shalt  }
0x59: {  	_ =	shalt  }
0x5a: {  	_ =	shalt  }
0x5b: {  	_ =	shalt  }
0x5c: {  	_ =	shalt  }
0x5d: {  	_ =	shalt  }
0x5e: {  	_ =	shalt  }
0x5f: {  	_ =	shalt  }
0x60: {  	_ =	shalt  }
0x61: {  	_ =	shalt  }
0x62: {  	_ =	shalt  }
0x63: {  	_ =	shalt  }
0x64: {  	_ =	shalt  }
0x65: {  	_ =	shalt  }
0x66: {  	_ =	shalt  }
0x67: {  	_ =	shalt  }
0x68: {  	_ =	shalt  }
0x69: {  	_ =	shalt  }
0x6a: {  	_ =	shalt  }
0x6b: {  	_ =	shalt  }
0x6c: {  	_ =	shalt  }
0x6d: {  	_ =	shalt  }
0x6e: {  	_ =	shalt  }
0x6f: {  	_ =	shalt  }
0x70: {  	_ =	shalt  }
0x71: {  	_ =	shalt  }
0x72: {  	_ =	shalt  }
0x73: {  	_ =	shalt  }
0x74: {  	_ =	shalt  }
0x75: {  	_ =	shalt  }
0x76: {  	_ =	shalt  }
0x77: {  	_ =	shalt  }
0x78: {  	_ =	shalt  }
0x79: {  	_ =	shalt  }
0x7a: {  	_ =	shalt  }
0x7b: {  	_ =	shalt  }
0x7c: {  	_ =	shalt  }
0x7d: {  	_ =	shalt  }
0x7e: {  	_ =	shalt  }
0x7f: {  	_ =	shalt  }
0x80: {  	_ =	shalt  }
0x81: {  	_ =	shalt  }
0x82: {  	_ =	shalt  }
0x83: {  	_ =	shalt  }
0x84: {  	_ =	shalt  }
0x85: {  	_ =	shalt  }
0x86: {  	_ =	shalt  }
0x87: {  	_ =	shalt  }
.Lfunc_end0:
.L_simem_size_0:
called_computation_lowered:
.L_overlay_start_0:
0x88: {  	s2 =	sld [smem:$0x3FD9]  }
0x89: {  	s3 =	sld [smem:$0x3FFE];
	_ =	sdelay $0x1  }
0x8a: {  	s1 =	srdreg.scid  }
0x8b: {  	s0 =	sand.u32 $0x1, s1  }
0x8c: {  	s16 =	sshll.u32 s0, $0xA;
	s2 =	sadd.s32 s3, s2  }
0x8d: {  	s2 =	sadd.s32 s2, s16  }
0x8e: {  	[smem:$0x3FBC] =	sst s2  }
0x8f: {  	_ = 	snop  }
0x90: {  	(tm) =	ssettm $0x1  }
0x91: {  	s17 =	sld [smem:$0x3FFB];
	_ =	sdelay $0x3  }
0x92: {  	_ =	strace s17  }
0x93: {  	s2 =	sld [smem:$0x3FFC];
	_ =	sdelay $0x3  }
0x94: {  	_ =	strace s2  }
0x95: {  	s2 =	sld [smem:$0x3FFD];
	_ =	sdelay $0x3  }
0x96: {  	_ =	strace s2  }
0x97: {  	_ =	strace $0x8FFFFFFF  }
0x98: {  	s18 =	sld [smem:$0x3FDB];
	_ =	sdelay $0x1  }
0x99: {  	s19 =	simm.s32 $_scs_section_size  }
0x9a: {  	s4 =	simm.s32 $_size__tile_overlayer_lowered;
	s5 =	simm.s32 $_tile_overlayer_lowered  }
0x9b: {  	s22 =	simm.s32 $0x1BFF;
	s21 =	sshll.u32 s5, $0x1;
	s2 =	sadd.s32 s19, s18  }
0x9c: {  	s6 =	simm.s32 $0x0;
	s20 =	sshll.u32 s4, $0x1;
	s4 =	sadd.s32 s21, s2  }
0x9d: {  	[timem:s6], [sflag:s22] =	dma.local [hbm:s4], s20  }
0x9e: {  	_ =	swait.ge [sflag:s22], s20  }
0x9f: {  	s3 =	ssub.s32 $0x0, s20;
	[sflag:s22] =	ssyncset.done $0x0  }
0xa0: {  	[sflag:s22] =	ssyncadd.s32 s3;
	_ =	sdelay $0x1  }
0xa1: {  	s23 =	simm.s32 $0x1B8B  }
0xa2: {  	_ =	swait.ge [sflag:s23], $0x1  }
0xa3: {  	[sflag:s23] =	ssyncset.done $0x0  }
0xa4: {  	s25 =	simm.s32 $0x1B8E;
	s24 =	sld [smem:$0x3FFE];
	[sflag:s23] =	ssyncadd.s32 $0xFFFFFFFF  }
0xa5: {  	s26 =	simm.s32 $execute0_lowered;
	[smem:$0x3FD2] =	sst s25  }
0xa6: {  	s4 =	sshll.u32 s26, $0x1;
	_ =	strace $0x80000046;
	[dreg:$0x1] =	wrdreg $0xFFFFFFFF  }
0xa7: {  	s28 =	simm.s32 $_size_execute0_lowered;
	s2 =	sadd.s32 s2, s4;
	[dreg:$0x0] =	wrdreg $0x0  }
0xa8: {  	s4 =	sshll.u32 s28, $0x1;
	[dreg:$0x2] =	wrdreg s2  }
0xa9: {  	[dreg:$0x3] =	wrdreg s4  }
0xaa: {  	[dreg:$0x4] =	wrdreg $0xC0  }
0xab: {  	_ =	task [dreg:s6], $0x5FFFF  }
0xac: {  	[dreg:$0x1] =	wrdreg $0xFFFFFFFF  }
0xad: {  	[dreg:$0x0] =	wrdreg $0x60  }
0xae: {  	[dreg:$0x2] =	wrdreg s24  }
0xaf: {  	[dreg:$0x3] =	wrdreg $0x0  }
0xb0: {  	[dreg:$0x4] =	wrdreg $0x18800  }
0xb1: {  	[dreg:$0x5] =	wrdreg $0x24C00  }
0xb2: {  	[dreg:$0x6] =	wrdreg $0x31000  }
0xb3: {  	[dreg:$0x7] =	wrdreg $0xC400  }
0xb4: {  	[dreg:$0x8] =	wrdreg $0x3D400  }
0xb5: {  	[dreg:$0x9] =	wrdreg $0x49800  }
0xb6: {  	[dreg:$0xa] =	wrdreg $0x55C00  }
0xb7: {  	[dreg:$0xb] =	wrdreg $0x9  }
0xb8: {  	_ =	task.clear_ibuf [dreg:s6], $0xCFFFF;
	_ =	strace $0x90000046  }
0xb9: {  	s29 =	simm.s32 $0x9;
	_ =	strace $0x80000048  }
0xba: {  	_ =	swait.ge [sflag:s29], $0x1  }
0xbb: {  	[sflag:s29] =	ssyncadd.s32 $0xFFFFFFFF  }
0xbc: {  	_ =	strace $0x90000048  }
0xbd: {  	_ =	sfence  }
0xbe: {  	s30 =	sld [smem:$0x0];
	_ =	sdelay $0x2  }
0xbf: {  	s31 =	sshll.u32 s1, $0xD;
	s1 =	sshrl.u32 s1, $0x2  }
0xc0: {  	s3 =	sand.u32 $0x4000, s31;
	s1 =	sadd.s32 s1, s30  }
0xc1: {  	s0 =	sor.u32 s3, s0;
	s1 =	sshll.u32 s1, $0x11  }
0xc2: {  	s0 =	sor.u32 s1, s0  }
0xc3: {  	s0 =	sadd.s32 $0x8F2B, s0  }
0xc4: {  	[sflag:s0] =	ssyncadd.remote.s32 $0x1  }
0xc5: {  	_ =	sfence.sel $0xFFFF  }
0xc6: {  	[dreg:$0x0] =	wrdreg $0xFFFFFFFF;
	(pc) =	sbr.abs _section_cstart, $3  }
0xc7: {  	[dreg:$0x1] =	wrdreg $0xFFFFFFFF  }
0xc8: {  	_ =	task.clear_ibuf [dreg:s6], $0x2FFFF;
	_ =	strace $0x9FFFFFFF  }
0xc9: {  	(tm) =	ssettm $0x7FFFFFFF  }
tec
execute0_lowered:
.L_overlay_start_1:
0x0: {  	(tag) =	ssettag $0x1  }
0x1: {  	s2 =	rddreg [dreg:$0x0]  }
0x2: {  	s0 =	rddreg [dreg:$0x1]  }
0x3: {  	s1 =	rddreg [dreg:$0x2]  }
0x4: {  	s3 =	rddreg [dreg:$0x3]  }
0x5: {  	s4 =	rddreg [dreg:$0x4]  }
0x6: {  	s5 =	rddreg [dreg:$0x5]  }
0x7: {  	s6 =	rddreg [dreg:$0x6]  }
0x8: {  	s7 =	rddreg [dreg:$0x7]  }
0x9: {  	s8 =	rddreg [dreg:$0x8];
	s9 =	simm.s32 $0x0  }
0xa: {  	s16 =	stileid.u32;
	s10 =	srdreg.scid;
	s28 =	simm.s32 $0x12600  }
0xb: {  	[smem:$0x7FF] =	sst s9;
	s20 =	sadd.s32 $0x68600, s2;
	s21 =	smul.u32 $0xC40, s16  }
0xc: {  	s11 =	sadd.s32 $0x80E00, s2;
	_ =	strace $0x80000047;
	[dreg:$0xa] =	wrdreg s20  }
0xd: {  	s29 =	simm.s32 $0x4;
	s25 =	sadd.s32 $0x37600, s2;
	[dreg:$0xc] =	wrdreg s11  }
0xe: {  	s30 =	simm.s32 $0x6200;
	[dreg:$0xb] =	wrdreg s25;
	s13 =	sshrl.u32 s21, $0x3  }
0xf: {  	s31 =	simm.s32 $0x1;
	s24 =	sadd.s32 s21, s3;
	[dreg:$0xd] =	wrdreg s13  }
0x10: {  	s12 =	sadd.s32 $0x4FE00, s2;
	s26 =	sadd.s32 s21, s4;
	[dreg:$0x11] =	wrdreg s24  }
0x11: {  	s14 =	sadd.s32 $0x1EE00, s2;
	s11 =	sadd.s32 s21, s6;
	[dreg:$0x12] =	wrdreg s26  }
0x12: {  	s15 =	sadd.s32 $0x6600, s2;
	s18 =	sadd.s32 s21, s7;
	[dreg:$0x14] =	wrdreg s11  }
0x13: {  	s10 =	sand.u32 $0x1, s10;
	s9 =	sadd.s32 s21, s8;
	[dreg:$0x15] =	wrdreg s18  }
0x14: {  	s22 =	ssub.s32 $0x2, s10;
	s20 =	sadd.s32 s21, s0;
	[dreg:$0x16] =	wrdreg s9  }
0x15: {  	p0 =	seq.s32 s10, $0x0;
	s17 =	sadd.s32 s21, s1;
	[dreg:$0xf] =	wrdreg s20  }
0x16: {  	s13 =	sadd.s32 s13, s2;
	s2 =	sadd.s32 $0x85C00, s2;
	[dreg:$0x10] =	wrdreg s17  }
0x17: {  	s23 =	sshrl.u32 s22, $0x1;
	s26 =	sadd.s32 s21, s5;
	[dreg:$0xe] =	wrdreg s2  }
0x18: {  	s9 =	smul.u32 $0x188, s16;
	s19 =	sadd.s32 $0x3200, s13;
	[dreg:$0x13] =	wrdreg s26  }
0x19: {  	s2 =	ssub.s32 s22, s23;
	s21 =	sadd.s32 $0x4C00, s13;
	[dreg:$0x17] =	wrdreg s19  }
.Ltmp0:
0x1a: {  	s22 =	sadd.s32 $0x1800, s13;
	[dreg:$0x18] =	wrdreg s21;
	(pc) =	sbr.rel .LBB2_1-.Ltmp0, $4  }
0x1b: {  	s16 =	simm.s32 $0x14B80;
	s23 =	sadd.s32 $0x82800, s13;
	[dreg:$0x19] =	wrdreg s22  }
0x1c: {  	s18 =	simm.s32 $0x3;
	s24 =	sadd.s32 $0x84200, s13;
	[dreg:$0x1a] =	wrdreg s23  }
0x1d: {  	[dreg:$0x1b] =	wrdreg s24;
	s2 =	smax.u32 s2, $0x1;
	s24 =	simm.s32 $0x2  }
0x1e: {  	v0 =	vimm.f32 $0.0e+00;
	v1 =	vimm.f32 $1.000000000e+00;
	s19 =	simm.s32 $0x0;
	[dreg:$0x1c] =	wrdreg s2;
	s2 =	simm.s32 $0x80  }
.LBB2_56:
0x1f: {  	v3 =	vld [tilespmem:s10+$0x13280];
	_ =	sdelay $0x4  }
0x20: {  	v3 =	vadd.f32 v3, v2;
	_ =	sdelay $0x1  }
0x21: {  	s11 =	rddreg [dreg:$0xc];
	v2 =	vmul.f32 v3, v2  }
0x22: {  	s20 =	rddreg [dreg:$0xf]  }
0x23: {  	s19 =	rddreg [dreg:$0x1d];
	[tilespmem:s10+$0x13280] =	vst v2;
	s10 =	simm.s32 $0x13280  }
.LBB2_57:
0x24: {  	s13 =	rddreg [dreg:$0xd]  }
0x25: {  	s25 =	simm.s32 $0x0;
	s11 =	sadd.s32 s11, s13  }
0x26: {  	[hbm4b:s11+s25] =	stream.linear.scatter [tilespmem:s10], [sflag:$0x4], $0xC40, $0x38;
	[tilespmem:$0x14C00] =	vst v63  }
0x27: {  	_ =	swait.ge [sflag:s29], $0xC40  }
0x28: {  	s19 =	sadd.s32 $0x1, s19;
	s26 =	rddreg [dreg:$0x1c]  }
0x29: {  	p1 =	sne.s32 s19, s26  }
.Ltmp1:
0x2a: {  	_ = 	snop;
	(pc) =	sbr.rel @!p1 .LBB2_58-.Ltmp1, $3  }
0x2b: {  	_ =	sdelay $0x1  }
0x2c: {  	[sflag:s29] =	ssyncset.done $0x0  }
0x2d: {  	[sflag:s29] =	ssyncadd.s32 $0xFFFFF3C0  }
.LBB2_1:
0x2e: {  	[dreg:$0x1d] =	wrdreg s19;
	s10 =	simm.s32 $0x40;
	s11 =	simm.s32 $0x0  }
.LBB2_2:
0x2f: {  	p1 =	sne.s32 s10, $0x30C0;
	[tilespmem:s11+$0x12600] =	vst v0;
	s11 =	smov.u32 s10;
	s10 =	sadd.s32 $0x40, s10  }
.Ltmp2:
0x30: {  	(pc) =	sbr.rel @p1 .LBB2_2-.Ltmp2, $2  }
0x31: {  	_ =	sdelay $0x2  }
0x32: {  	s11 =	sshra.s32 s11, $0x2  }
0x33: {  	[tilespmem:s11+$0x12600] =	vst v0  }
0x34: {  	[tilespmem:$0x14B80] =	vst v1  }
0x35: {  	[tilespmem:$0x14B90] =	vst v1  }
0x36: {  	[tilespmem:$0x14BA0] =	vst v1  }
0x37: {  	[tilespmem:$0x14BB0] =	vst v1  }
0x38: {  	[tilespmem:$0x14BC0] =	vst v1  }
0x39: {  	[tilespmem:$0x14BD0] =	vst v1  }
0x3a: {  	[tilespmem:$0x14BE0] =	vst v1  }
0x3b: {  	[tilespmem:$0x14BF0] =	vst v1  }
0x3c: {  	[spmem:s20] =	stream.linear.scatter [tilespmem:s28], [sflag:$0x4], $0xC40, $0x38;
	[tilespmem:$0x14C00] =	vst v63  }
0x3d: {  	_ =	swait.ge [sflag:s29], $0xC40  }
0x3e: {  	[sflag:s29] =	ssyncset.done $0x0  }
.Ltmp3:
0x3f: {  	[sflag:s29] =	ssyncadd.s32 $0xFFFFF3C0;
	(pc) =	sbr.rel @!p0 .LBB2_4-.Ltmp3, $4  }
0x40: {  	[spmem:s17] =	stream.linear.scatter [tilespmem:s28], [sflag:$0x4], $0xC40, $0x38;
	[tilespmem:$0x14C00] =	vst v63  }
0x41: {  	_ =	swait.ge [sflag:s29], $0xC40  }
0x42: {  	[sflag:s29] =	ssyncset.done $0x0  }
0x43: {  	[sflag:s29] =	ssyncadd.s32 $0xFFFFF3C0  }
0x44: {  	[bflag:$0x0] =	sbarrier.arrive $0xFFFF;
	s10 =	simm.s32 $0x0;
	s11 =	simm.s32 $0x0  }
.LBB2_11:
0x45: {  	s13 =	smul.u32 $0x38, s11;
	_ =	sdelay $0x1  }
0x46: {  	s13 =	sadd.s32 s9, s13  }
0x47: {  	s13 =	sshll.u32 s13, $0x4  }
0x48: {  	s13 =	sadd.s32 s12, s13  }
0x49: {  	[tilespmem:s30], [sflag:$0x1] =	stream.linear.gather [hbm4b:s13+s10], $0x1C00, $0x38;
	[tilespmem:$0x14C00] =	vst v63  }
0x4a: {  	_ =	swait.ge [sflag:s31], $0x1C00  }
0x4b: {  	[sflag:s31] =	ssyncset.done $0x0  }
0x4c: {  	s13 =	simm.s32 $0x0;
	[sflag:s31] =	ssyncadd.s32 $0xFFFFE400  }
.LBB2_12:
0x4d: {  	p1 =	sne.s32 s13, $0x6E00  }
.Ltmp4:
0x4e: {  	_ = 	snop;
	(pc) =	sbr.rel @p1 .LBB2_12-.Ltmp4, $4  }
0x4f: {  	_ = 	snop  }
0x50: {  	s17 =	sshra.s32 s13, $0x2  }
0x51: {  	s13 =	sadd.s32 $0x200, s13;
	s17 =	sadd.s32 $0x6200, s17  }
0x52: {  	[spmem:s0] =	stream.indirect.scatter.add.f32 [tilespmem:s16], [sflag:$0x3], $0x1, s17, s2, $0xb8;
	[tilespmem:$0x14C00] =	vst v63  }
0x53: {  	_ =	swait.ge [sflag:s18], $0x80  }
0x54: {  	s13 =	simm.s32 $0x37;
	[sflag:s18] =	ssyncset.done $0x0  }
.LBB2_14:
0x55: {  	p1 =	sne.s32 s13, $0x1;
	s13 =	sadd.s32 $0xFFFFFFFF, s13;
	[sflag:s18] =	ssyncadd.s32 $0xFFFFFF80  }
.Ltmp5:
0x56: {  	(pc) =	sbr.rel @p1 .LBB2_14-.Ltmp5, $3  }
0x57: {  	_ =	sdelay $0x1  }
0x58: {  	_ =	swait.ge [sflag:s18], $0x80  }
0x59: {  	[sflag:s18] =	ssyncset.done $0x0  }
0x5a: {  	s11 =	sadd.s32 $0x1, s11  }
0x5b: {  	p1 =	seq.s32 s11, $0x7  }
.Ltmp6:
0x5c: {  	_ = 	snop;
	(pc) =	sbr.rel @!p1 .LBB2_11-.Ltmp6, $4  }
.Ltmp7:
0x5d: {  	_ = 	snop;
	(pc) =	sbr.rel @p1 .LBB2_16-.Ltmp7, $4  }
0x5e: {  	_ = 	snop  }
0x5f: {  	_ = 	snop  }
0x60: {  	[sflag:s18] =	ssyncadd.s32 $0xFFFFFF80  }
0x61: {  	_ = 	snop  }
.LBB2_4:
0x62: {  	s10 =	rddreg [dreg:$0x11]  }
0x63: {  	[spmem:s10] =	stream.linear.scatter [tilespmem:s28], [sflag:$0x4], $0xC40, $0x38;
	[tilespmem:$0x14C00] =	vst v63  }
0x64: {  	_ =	swait.ge [sflag:s29], $0xC40  }
0x65: {  	[sflag:s29] =	ssyncset.done $0x0  }
0x66: {  	s26 =	rddreg [dreg:$0x12];
	[sflag:s29] =	ssyncadd.s32 $0xFFFFF3C0  }
0x67: {  	[spmem:s26] =	stream.linear.scatter [tilespmem:s28], [sflag:$0x4], $0xC40, $0x38;
	[tilespmem:$0x14C00] =	vst v63  }
0x68: {  	_ =	swait.ge [sflag:s29], $0xC40  }
0x69: {  	[sflag:s29] =	ssyncset.done $0x0  }
0x6a: {  	[sflag:s29] =	ssyncadd.s32 $0xFFFFF3C0  }
0x6b: {  	s11 =	simm.s32 $0x0;
	s10 =	simm.s32 $0x0;
	[bflag:$0x0] =	sbarrier.arrive $0xFFFF  }
.LBB2_5:
0x6c: {  	s13 =	smul.u32 $0x38, s11;
	_ =	sdelay $0x1  }
0x6d: {  	s13 =	sadd.s32 s9, s13  }
0x6e: {  	s13 =	sshll.u32 s13, $0x4  }
0x6f: {  	s17 =	sadd.s32 s14, s13  }
0x70: {  	[tilespmem:s30], [sflag:$0x1] =	stream.linear.gather [hbm4b:s17+s10], $0x1C00, $0x38;
	[tilespmem:$0x14C00] =	vst v63  }
0x71: {  	s26 =	simm.s32 $0x9A00;
	s13 =	sadd.s32 s15, s13  }
0x72: {  	[tilespmem:s26], [sflag:$0x1] =	stream.linear.gather [hbm4b:s13+s10], $0x1C00, $0x38;
	[tilespmem:$0x14C00] =	vst v63  }
0x73: {  	_ =	swait.ge [sflag:s31], $0x1C00  }
0x74: {  	[sflag:s31] =	ssyncset.done $0x0  }
0x75: {  	[sflag:s31] =	ssyncadd.s32 $0xFFFFE400  }
0x76: {  	_ =	swait.ge [sflag:s31], $0x1C00  }
0x77: {  	[sflag:s31] =	ssyncset.done $0x0  }
0x78: {  	s13 =	simm.s32 $0x0;
	[sflag:s31] =	ssyncadd.s32 $0xFFFFE400  }
.LBB2_6:
0x79: {  	p1 =	sne.s32 s13, $0x6E00  }
.Ltmp8:
0x7a: {  	_ = 	snop;
	(pc) =	sbr.rel @p1 .LBB2_6-.Ltmp8, $4  }
0x7b: {  	_ = 	snop  }
0x7c: {  	s17 =	sshra.s32 s13, $0x2  }
0x7d: {  	s13 =	sadd.s32 $0x200, s13;
	s19 =	sadd.s32 $0x9A00, s17;
	s17 =	sadd.s32 $0x6200, s17  }
0x7e: {  	[spmem:s0] =	stream.indirect.scatter.add.f32 [tilespmem:s19], [sflag:$0x3], $0x1, s17, s2, $0xb8;
	[tilespmem:$0x14C00] =	vst v63  }
0x7f: {  	_ =	swait.ge [sflag:s18], $0x80  }
0x80: {  	s13 =	simm.s32 $0x37;
	[sflag:s18] =	ssyncset.done $0x0  }
.LBB2_8:
0x81: {  	p1 =	sne.s32 s13, $0x1;
	s13 =	sadd.s32 $0xFFFFFFFF, s13;
	[sflag:s18] =	ssyncadd.s32 $0xFFFFFF80  }
.Ltmp9:
0x82: {  	(pc) =	sbr.rel @p1 .LBB2_8-.Ltmp9, $3  }
0x83: {  	_ =	sdelay $0x1  }
0x84: {  	_ =	swait.ge [sflag:s18], $0x80  }
0x85: {  	[sflag:s18] =	ssyncset.done $0x0  }
0x86: {  	s11 =	sadd.s32 $0x1, s11  }
0x87: {  	p1 =	sne.s32 s11, $0x7  }
.Ltmp10:
0x88: {  	_ = 	snop;
	(pc) =	sbr.rel @p1 .LBB2_5-.Ltmp10, $2  }
0x89: {  	_ =	sdelay $0x2  }
0x8a: {  	[sflag:s18] =	ssyncadd.s32 $0xFFFFFF80  }
.LBB2_16:
0x8b: {  	[bflag:$0x0] =	sbarrier.arrive $0xFFFF  }
0x8c: {  	[tilespmem:s28], [sflag:$0x4] =	stream.linear.gather [spmem:s20], $0xC40, $0x38;
	[tilespmem:$0x14C00] =	vst v63  }
0x8d: {  	_ =	swait.ge [sflag:s29], $0xC40  }
0x8e: {  	[sflag:s29] =	ssyncset.done $0x0  }
0x8f: {  	s10 =	simm.s32 $0x0;
	[sflag:s29] =	ssyncadd.s32 $0xFFFFF3C0  }
0x90: {  	v2 =	vld [tilespmem:s10+$0x12600];
	_ =	sdelay $0x4  }
0x91: {  	v11 =	vadd.f32 $1.000000000e+00, v2;
	_ =	sdelay $0x1  }
0x92: {  	v2 =	vadd.f32 $1.000000000e+00, v11;
	_ =	sdelay $0x1  }
0x93: {  	v2 =	vmul.f32 $5.000000000e-01, v2;
	_ =	sdelay $0x1  }
0x94: {  	(erf) = vrcp.f32 v2;
	_ =	sdelay $0x8  }
0x95: {  	v3 =	vpop (erf)  }
0x96: {  	v3 =	vmul.f32 v3, v11;
	_ =	sdelay $0x1  }
0x97: {  	s17 =	simm.s32 $0x10;
	v2 =	vadd.f32 v3, v2  }
0x98: {  	v3 =	vld [tilespmem:s17+$0x12600]  }
0x99: {  	v2 =	vmul.f32 $5.000000000e-01, v2;
	_ =	sdelay $0x1  }
0x9a: {  	(erf) = vrcp.f32 v2;
	_ =	sdelay $0x1  }
0x9b: {  	v10 =	vadd.f32 $1.000000000e+00, v3;
	_ =	sdelay $0x1  }
0x9c: {  	v3 =	vadd.f32 $1.000000000e+00, v10;
	_ =	sdelay $0x1  }
0x9d: {  	v3 =	vmul.f32 $5.000000000e-01, v3;
	_ =	sdelay $0x1  }
0x9e: {  	(erf) = vrcp.f32 v3  }
0x9f: {  	v4 =	vpop (erf)  }
0xa0: {  	v4 =	vmul.f32 v4, v11;
	_ =	sdelay $0x1  }
0xa1: {  	v2 =	vadd.f32 v4, v2;
	_ =	sdelay $0x1  }
0xa2: {  	v2 =	vmul.f32 $5.000000000e-01, v2;
	_ =	sdelay $0x1  }
0xa3: {  	(erf) = vrcp.f32 v2  }
0xa4: {  	v4 =	vpop (erf)  }
0xa5: {  	v4 =	vmul.f32 v4, v10  }
0xa6: {  	s21 =	simm.s32 $0x20  }
0xa7: {  	v5 =	vld [tilespmem:s21+$0x12600];
	v3 =	vadd.f32 v4, v3;
	_ =	sdelay $0x1  }
0xa8: {  	v3 =	vmul.f32 $5.000000000e-01, v3;
	_ =	sdelay $0x1  }
0xa9: {  	(erf) = vrcp.f32 v3  }
0xaa: {  	v8 =	vadd.f32 $1.000000000e+00, v5;
	v4 =	vpop (erf)  }
0xab: {  	v4 =	vmul.f32 v4, v11  }
0xac: {  	v5 =	vadd.f32 $1.000000000e+00, v8  }
0xad: {  	v2 =	vadd.f32 v4, v2  }
0xae: {  	v4 =	vmul.f32 $5.000000000e-01, v5  }
0xaf: {  	v2 =	vmul.f32 $5.000000000e-01, v2  }
0xb0: {  	(erf) = vrcp.f32 v4  }
0xb1: {  	(erf) = vrcp.f32 v2  }
0xb2: {  	v5 =	vpop (erf)  }
0xb3: {  	v5 =	vmul.f32 v5, v10;
	_ =	sdelay $0x1  }
0xb4: {  	v3 =	vadd.f32 v5, v3;
	_ =	sdelay $0x1  }
0xb5: {  	v3 =	vmul.f32 $5.000000000e-01, v3;
	_ =	sdelay $0x1  }
0xb6: {  	v5 =	vpop (erf);
	(erf) = vrcp.f32 v3  }
0xb7: {  	v5 =	vmul.f32 v5, v8;
	v6 =	vpop (erf)  }
0xb8: {  	v6 =	vmul.f32 v6, v11  }
0xb9: {  	s19 =	simm.s32 $0x30;
	v4 =	vadd.f32 v5, v4  }
0xba: {  	v5 =	vld [tilespmem:s19+$0x12600];
	v2 =	vadd.f32 v6, v2  }
0xbb: {  	v4 =	vmul.f32 $5.000000000e-01, v4  }
0xbc: {  	v2 =	vmul.f32 $5.000000000e-01, v2  }
0xbd: {  	(erf) = vrcp.f32 v4  }
0xbe: {  	(erf) = vrcp.f32 v2  }
0xbf: {  	v6 =	vadd.f32 $1.000000000e+00, v5;
	v5 =	vpop (erf)  }
0xc0: {  	v5 =	vmul.f32 v5, v10  }
0xc1: {  	v7 =	vadd.f32 $1.000000000e+00, v6  }
0xc2: {  	v3 =	vadd.f32 v5, v3  }
0xc3: {  	v5 =	vmul.f32 $5.000000000e-01, v7  }
0xc4: {  	v3 =	vmul.f32 $5.000000000e-01, v3  }
0xc5: {  	(erf) = vrcp.f32 v5  }
0xc6: {  	v7 =	vpop (erf);
	(erf) = vrcp.f32 v3  }
0xc7: {  	v7 =	vmul.f32 v7, v8;
	v9 =	vpop (erf)  }
0xc8: {  	v9 =	vmul.f32 v9, v11  }
0xc9: {  	v4 =	vadd.f32 v7, v4  }
0xca: {  	v2 =	vadd.f32 v9, v2  }
0xcb: {  	v7 =	vmul.f32 $5.000000000e-01, v4  }
0xcc: {  	v2 =	vmul.f32 $5.000000000e-01, v2  }
0xcd: {  	(erf) = vrcp.f32 v7  }
0xce: {  	v4 =	vpop (erf);
	(erf) = vrcp.f32 v2  }
0xcf: {  	v4 =	vmul.f32 v4, v6;
	v9 =	vpop (erf)  }
0xd0: {  	s20 =	simm.s32 $0x40;
	v9 =	vmul.f32 v9, v10  }
0xd1: {  	v12 =	vld [tilespmem:s20+$0x12600];
	v4 =	vadd.f32 v4, v5  }
0xd2: {  	v3 =	vadd.f32 v9, v3  }
0xd3: {  	v5 =	vmul.f32 $5.000000000e-01, v4  }
0xd4: {  	v3 =	vmul.f32 $5.000000000e-01, v3  }
0xd5: {  	(erf) = vrcp.f32 v5  }
0xd6: {  	v4 =	vadd.f32 $1.000000000e+00, v12;
	v9 =	vpop (erf);
	(erf) = vrcp.f32 v3  }
0xd7: {  	v9 =	vmul.f32 v9, v8;
	v12 =	vpop (erf)  }
0xd8: {  	v13 =	vadd.f32 $1.000000000e+00, v4;
	v12 =	vmul.f32 v12, v11  }
0xd9: {  	v7 =	vadd.f32 v9, v7  }
0xda: {  	v9 =	vmul.f32 $5.000000000e-01, v13;
	v2 =	vadd.f32 v12, v2  }
0xdb: {  	v7 =	vmul.f32 $5.000000000e-01, v7  }
0xdc: {  	(erf) = vrcp.f32 v9;
	v2 =	vmul.f32 $5.000000000e-01, v2  }
0xdd: {  	(erf) = vrcp.f32 v7  }
0xde: {  	v12 =	vpop (erf);
	(erf) = vrcp.f32 v2  }
0xdf: {  	v13 =	vpop (erf)  }
0xe0: {  	v13 =	vmul.f32 v13, v10  }
0xe1: {  	v12 =	vmul.f32 v12, v6  }
0xe2: {  	v3 =	vadd.f32 v13, v3  }
0xe3: {  	v5 =	vadd.f32 v12, v5;
	_ =	sdelay $0x1  }
0xe4: {  	v5 =	vmul.f32 $5.000000000e-01, v5;
	v12 =	vpop (erf)  }
0xe5: {  	v13 =	vmul.f32 $5.000000000e-01, v3;
	v3 =	vpop (erf)  }
0xe6: {  	(erf) = vrcp.f32 v5;
	v12 =	vmul.f32 v12, v4;
	v14 =	vpop (erf)  }
0xe7: {  	(erf) = vrcp.f32 v13;
	v14 =	vmul.f32 v14, v11  }
0xe8: {  	v9 =	vadd.f32 v12, v9  }
0xe9: {  	s23 =	simm.s32 $0x50;
	v3 =	vmul.f32 v3, v8;
	v2 =	vadd.f32 v14, v2  }
0xea: {  	v12 =	vld [tilespmem:s23+$0x12600];
	v9 =	vmul.f32 $5.000000000e-01, v9  }
0xeb: {  	v3 =	vadd.f32 v3, v7;
	v2 =	vmul.f32 $5.000000000e-01, v2  }
0xec: {  	(erf) = vrcp.f32 v9  }
0xed: {  	v7 =	vmul.f32 $5.000000000e-01, v3;
	(erf) = vrcp.f32 v2;
	_ =	sdelay $0x1  }
0xee: {  	v3 =	vadd.f32 $1.000000000e+00, v12;
	v12 =	vpop (erf);
	(erf) = vrcp.f32 v7  }
0xef: {  	v12 =	vmul.f32 v12, v6;
	v14 =	vpop (erf)  }
0xf0: {  	v15 =	vadd.f32 $1.000000000e+00, v3;
	v14 =	vmul.f32 v14, v10  }
0xf1: {  	v5 =	vadd.f32 v12, v5  }
0xf2: {  	v12 =	vmul.f32 $5.000000000e-01, v15;
	v13 =	vadd.f32 v14, v13  }
0xf3: {  	v5 =	vmul.f32 $5.000000000e-01, v5  }
0xf4: {  	(erf) = vrcp.f32 v12;
	v14 =	vpop (erf);
	v13 =	vmul.f32 $5.000000000e-01, v13  }
0xf5: {  	(erf) = vrcp.f32 v5;
	v15 =	vpop (erf)  }
0xf6: {  	(erf) = vrcp.f32 v13;
	v15 =	vmul.f32 v15, v11  }
0xf7: {  	v14 =	vmul.f32 v14, v4;
	v16 =	vpop (erf)  }
0xf8: {  	v2 =	vadd.f32 v15, v2;
	v15 =	vmul.f32 v16, v8  }
0xf9: {  	v9 =	vadd.f32 v14, v9  }
0xfa: {  	v14 =	vmul.f32 $5.000000000e-01, v2;
	v2 =	vadd.f32 v15, v7;
	_ =	sdelay $0x2  }
0xfb: {  	v7 =	vmul.f32 $5.000000000e-01, v9;
	v9 =	vpop (erf);
	(erf) = vrcp.f32 v14  }
0xfc: {  	v15 =	vmul.f32 $5.000000000e-01, v2;
	v2 =	vpop (erf)  }
0xfd: {  	v9 =	vmul.f32 v9, v3;
	(erf) = vrcp.f32 v7;
	v16 =	vpop (erf)  }
0xfe: {  	s28 =	simm.s32 $0x60;
	(erf) = vrcp.f32 v15;
	v16 =	vmul.f32 v16, v10  }
0xff: {  	v17 =	vld [tilespmem:s28+$0x12600];
	v9 =	vadd.f32 v9, v12  }
0x100: {  	v2 =	vmul.f32 v2, v6;
	v12 =	vadd.f32 v16, v13  }
0x101: {  	v9 =	vmul.f32 $5.000000000e-01, v9  }
0x102: {  	v5 =	vadd.f32 v2, v5;
	v12 =	vmul.f32 $5.000000000e-01, v12  }
0x103: {  	(erf) = vrcp.f32 v9  }
0x104: {  	v2 =	vadd.f32 $1.000000000e+00, v17;
	v5 =	vmul.f32 $5.000000000e-01, v5;
	v13 =	vpop (erf);
	(erf) = vrcp.f32 v12  }
0x105: {  	v13 =	vmul.f32 v13, v11  }
0x106: {  	v16 =	vadd.f32 $1.000000000e+00, v2;
	v17 =	vpop (erf);
	(erf) = vrcp.f32 v5  }
0x107: {  	v18 =	vpop (erf);
	v13 =	vadd.f32 v13, v14  }
0x108: {  	v14 =	vmul.f32 $5.000000000e-01, v16;
	v16 =	vmul.f32 v18, v8  }
0x109: {  	v17 =	vmul.f32 v17, v4;
	v13 =	vmul.f32 $5.000000000e-01, v13  }
0x10a: {  	(erf) = vrcp.f32 v14  }
0x10b: {  	v7 =	vadd.f32 v17, v7;
	(erf) = vrcp.f32 v13  }
0x10c: {  	v15 =	vadd.f32 v16, v15;
	v16 =	vpop (erf)  }
0x10d: {  	v7 =	vmul.f32 $5.000000000e-01, v7;
	v17 =	vpop (erf)  }
0x10e: {  	v15 =	vmul.f32 $5.000000000e-01, v15;
	v17 =	vmul.f32 v17, v10  }
0x10f: {  	(erf) = vrcp.f32 v7;
	v16 =	vmul.f32 v16, v3;
	v18 =	vpop (erf)  }
0x110: {  	(erf) = vrcp.f32 v15;
	v12 =	vadd.f32 v17, v12;
	v17 =	vmul.f32 v18, v6;
	_ =	sdelay $0x2  }
0x111: {  	v9 =	vadd.f32 v16, v9;
	v16 =	vpop (erf)  }
0x112: {  	v5 =	vadd.f32 v17, v5;
	v17 =	vpop (erf)  }
0x113: {  	v17 =	vmul.f32 v17, v11  }
0x114: {  	v12 =	vmul.f32 $5.000000000e-01, v12  }
0x115: {  	v9 =	vmul.f32 $5.000000000e-01, v9  }
0x116: {  	(erf) = vrcp.f32 v12;
	v18 =	vmul.f32 $5.000000000e-01, v5;
	v5 =	vpop (erf)  }
0x117: {  	v16 =	vmul.f32 v16, v2;
	(erf) = vrcp.f32 v9;
	v13 =	vadd.f32 v17, v13;
	v17 =	vpop (erf)  }
0x118: {  	v17 =	vmul.f32 v17, v8  }
0x119: {  	s26 =	simm.s32 $0x70;
	v14 =	vadd.f32 v16, v14;
	(erf) = vrcp.f32 v18  }
0x11a: {  	v19 =	vld [tilespmem:s26+$0x12600];
	v13 =	vmul.f32 $5.000000000e-01, v13;
	v15 =	vadd.f32 v17, v15  }
0x11b: {  	v14 =	vmul.f32 $5.000000000e-01, v14;
	v5 =	vmul.f32 v5, v4  }
0x11c: {  	(erf) = vrcp.f32 v13;
	v15 =	vmul.f32 $5.000000000e-01, v15  }
0x11d: {  	v7 =	vadd.f32 v5, v7;
	(erf) = vrcp.f32 v14  }
0x11e: {  	(erf) = vrcp.f32 v15  }
0x11f: {  	v5 =	vadd.f32 $1.000000000e+00, v19;
	v7 =	vmul.f32 $5.000000000e-01, v7;
	v16 =	vpop (erf)  }
0x120: {  	v17 =	vpop (erf);
	v16 =	vmul.f32 v16, v10  }
0x121: {  	v19 =	vadd.f32 $1.000000000e+00, v5;
	v17 =	vmul.f32 v17, v3;
	(erf) = vrcp.f32 v7  }
0x122: {  	v20 =	vpop (erf);
	v12 =	vadd.f32 v16, v12  }
0x123: {  	v16 =	vmul.f32 $5.000000000e-01, v19;
	v9 =	vadd.f32 v17, v9;
	v17 =	vmul.f32 v20, v6  }
0x124: {  	v12 =	vmul.f32 $5.000000000e-01, v12  }
0x125: {  	(erf) = vrcp.f32 v16;
	v9 =	vmul.f32 $5.000000000e-01, v9;
	v17 =	vadd.f32 v17, v18;
	v19 =	vpop (erf)  }
0x126: {  	(erf) = vrcp.f32 v12;
	v18 =	vmul.f32 v19, v11;
	v19 =	vpop (erf)  }
0x127: {  	v17 =	vmul.f32 $5.000000000e-01, v17;
	v20 =	vpop (erf)  }
0x128: {  	(erf) = vrcp.f32 v9;
	v13 =	vadd.f32 v18, v13;
	v18 =	vmul.f32 v20, v8  }
0x129: {  	(erf) = vrcp.f32 v17  }
0x12a: {  	v15 =	vadd.f32 v18, v15;
	v18 =	vmul.f32 v19, v2;
	v19 =	vpop (erf)  }
0x12b: {  	v19 =	vmul.f32 v19, v4  }
0x12c: {  	v13 =	vmul.f32 $5.000000000e-01, v13  }
0x12d: {  	v15 =	vmul.f32 $5.000000000e-01, v15;
	v14 =	vadd.f32 v18, v14;
	v7 =	vadd.f32 v19, v7  }
0x12e: {  	(erf) = vrcp.f32 v13;
	v18 =	vpop (erf)  }
0x12f: {  	(erf) = vrcp.f32 v15;
	v14 =	vmul.f32 $5.000000000e-01, v14;
	v19 =	vpop (erf)  }
0x130: {  	v20 =	vmul.f32 $5.000000000e-01, v7;
	v19 =	vmul.f32 v19, v10  }
0x131: {  	v18 =	vmul.f32 v18, v5;
	(erf) = vrcp.f32 v14;
	v7 =	vpop (erf)  }
0x132: {  	s11 =	simm.s32 $0x80;
	v12 =	vadd.f32 v19, v12;
	v21 =	vpop (erf)  }
0x133: {  	v16 =	vadd.f32 v18, v16;
	v19 =	vld [tilespmem:s11+$0x12600];
	v7 =	vmul.f32 v7, v3;
	v18 =	vmul.f32 v21, v6  }
0x134: {  	(erf) = vrcp.f32 v20;
	v12 =	vmul.f32 $5.000000000e-01, v12  }
0x135: {  	v9 =	vadd.f32 v7, v9  }
0x136: {  	v17 =	vadd.f32 v18, v17;
	(erf) = vrcp.f32 v12  }
0x137: {  	v16 =	vmul.f32 $5.000000000e-01, v16;
	v9 =	vmul.f32 $5.000000000e-01, v9;
	v18 =	vpop (erf)  }
0x138: {  	v7 =	vadd.f32 $1.000000000e+00, v19;
	v17 =	vmul.f32 $5.000000000e-01, v17;
	v18 =	vmul.f32 v18, v11;
	v19 =	vpop (erf)  }
0x139: {  	(erf) = vrcp.f32 v16;
	v19 =	vmul.f32 v19, v8  }
0x13a: {  	(erf) = vrcp.f32 v17;
	v21 =	vpop (erf);
	v13 =	vadd.f32 v18, v13  }
0x13b: {  	(erf) = vrcp.f32 v9;
	v21 =	vmul.f32 v21, v2  }
0x13c: {  	v13 =	vmul.f32 $5.000000000e-01, v13  }
0x13d: {  	v18 =	vadd.f32 $1.000000000e+00, v7;
	v15 =	vadd.f32 v19, v15;
	v19 =	vpop (erf)  }
0x13e: {  	(erf) = vrcp.f32 v13;
	v19 =	vmul.f32 v19, v4  }
0x13f: {  	v18 =	vmul.f32 $5.000000000e-01, v18;
	v14 =	vadd.f32 v21, v14;
	v21 =	vpop (erf)  }
0x140: {  	v15 =	vmul.f32 $5.000000000e-01, v15;
	v19 =	vadd.f32 v19, v20;
	v20 =	vmul.f32 v21, v10  }
0x141: {  	v14 =	vmul.f32 $5.000000000e-01, v14;
	(erf) = vrcp.f32 v18  }
0x142: {  	(erf) = vrcp.f32 v15;
	v21 =	vpop (erf);
	v19 =	vmul.f32 $5.000000000e-01, v19  }
0x143: {  	(erf) = vrcp.f32 v14;
	v21 =	vmul.f32 v21, v5;
	v22 =	vpop (erf)  }
0x144: {  	v12 =	vadd.f32 v20, v12;
	v20 =	vpop (erf);
	(erf) = vrcp.f32 v19  }
0x145: {  	v22 =	vmul.f32 v22, v6;
	v20 =	vmul.f32 v20, v3  }
0x146: {  	v16 =	vadd.f32 v21, v16  }
0x147: {  	v12 =	vmul.f32 $5.000000000e-01, v12;
	v17 =	vadd.f32 v22, v17;
	v21 =	vpop (erf);
	v9 =	vadd.f32 v20, v9  }
0x148: {  	v20 =	vmul.f32 v21, v11  }
0x149: {  	(erf) = vrcp.f32 v12;
	v17 =	vmul.f32 $5.000000000e-01, v17  }
0x14a: {  	v16 =	vmul.f32 $5.000000000e-01, v16;
	v21 =	vpop (erf)  }
0x14b: {  	v22 =	vmul.f32 $5.000000000e-01, v9;
	(erf) = vrcp.f32 v17;
	v9 =	vpop (erf)  }
0x14c: {  	v21 =	vmul.f32 v21, v7;
	v13 =	vadd.f32 v20, v13;
	v20 =	vpop (erf)  }
0x14d: {  	(erf) = vrcp.f32 v16;
	v9 =	vmul.f32 v9, v8;
	v23 =	vpop (erf)  }
0x14e: {  	s13 =	simm.s32 $0x90;
	v18 =	vadd.f32 v21, v18;
	v13 =	vmul.f32 $5.000000000e-01, v13;
	v21 =	vmul.f32 v23, v4  }
0x14f: {  	(erf) = vrcp.f32 v22;
	v9 =	vadd.f32 v9, v15;
	v15 =	vld [tilespmem:s13+$0x12600]  }
0x150: {  	(erf) = vrcp.f32 v13;
	v19 =	vadd.f32 v21, v19;
	_ =	sdelay $0x1  }
0x151: {  	v23 =	vmul.f32 $5.000000000e-01, v9;
	v9 =	vmul.f32 v20, v2;
	v20 =	vpop (erf)  }
0x152: {  	v18 =	vmul.f32 $5.000000000e-01, v18;
	v20 =	vmul.f32 v20, v10  }
0x153: {  	v14 =	vadd.f32 v9, v14;
	v9 =	vadd.f32 $1.000000000e+00, v15;
	v15 =	vmul.f32 $5.000000000e-01, v19;
	v19 =	vpop (erf)  }
0x154: {  	(erf) = vrcp.f32 v23;
	v19 =	vmul.f32 v19, v6  }
0x155: {  	(erf) = vrcp.f32 v18;
	v14 =	vmul.f32 $5.000000000e-01, v14  }
0x156: {  	v21 =	vpop (erf);
	(erf) = vrcp.f32 v15  }
0x157: {  	v12 =	vadd.f32 v20, v12;
	(erf) = vrcp.f32 v14;
	v24 =	vpop (erf);
	v21 =	vmul.f32 v21, v5  }
0x158: {  	v20 =	vadd.f32 $1.000000000e+00, v9;
	v17 =	vadd.f32 v19, v17;
	v19 =	vpop (erf)  }
0x159: {  	v16 =	vadd.f32 v21, v16;
	v21 =	vmul.f32 v24, v3;
	v19 =	vmul.f32 v19, v11  }
0x15a: {  	v12 =	vmul.f32 $5.000000000e-01, v12  }
0x15b: {  	v20 =	vmul.f32 $5.000000000e-01, v20;
	v61 =	vmul.f32 $5.000000000e-01, v16;
	v16 =	vadd.f32 v21, v22  }
0x15c: {  	(erf) = vrcp.f32 v12;
	v17 =	vmul.f32 $5.000000000e-01, v17  }
0x15d: {  	(erf) = vrcp.f32 v20;
	v13 =	vadd.f32 v19, v13;
	v22 =	vmul.f32 $5.000000000e-01, v16;
	v19 =	vpop (erf)  }
0x15e: {  	(erf) = vrcp.f32 v17;
	v19 =	vmul.f32 v19, v8;
	v21 =	vpop (erf)  }
0x15f: {  	v13 =	vmul.f32 $5.000000000e-01, v13;
	v16 =	vmul.f32 v21, v7;
	v21 =	vpop (erf)  }
0x160: {  	(erf) = vrcp.f32 v61;
	v19 =	vadd.f32 v19, v23;
	v23 =	vpop (erf)  }
0x161: {  	(erf) = vrcp.f32 v13;
	v23 =	vmul.f32 v23, v2  }
0x162: {  	(erf) = vrcp.f32 v22;
	v21 =	vmul.f32 v21, v4  }
0x163: {  	v14 =	vadd.f32 v23, v14  }
0x164: {  	v19 =	vmul.f32 $5.000000000e-01, v19  }
0x165: {  	v16 =	vadd.f32 v16, v18;
	v18 =	vpop (erf);
	v15 =	vadd.f32 v21, v15  }
0x166: {  	v18 =	vmul.f32 v18, v10;
	(erf) = vrcp.f32 v19;
	v21 =	vpop (erf)  }
0x167: {  	v23 =	vmul.f32 $5.000000000e-01, v15;
	v26 =	vmul.f32 $5.000000000e-01, v14;
	v14 =	vpop (erf)  }
0x168: {  	v25 =	vmul.f32 $5.000000000e-01, v16;
	v12 =	vadd.f32 v18, v12;
	v14 =	vmul.f32 v14, v6  }
0x169: {  	v16 =	vmul.f32 v21, v9;
	(erf) = vrcp.f32 v23;
	v15 =	vpop (erf)  }
0x16a: {  	v12 =	vmul.f32 $5.000000000e-01, v12;
	(erf) = vrcp.f32 v25;
	v14 =	vadd.f32 v14, v17;
	v17 =	vpop (erf)  }
0x16b: {  	s22 =	simm.s32 $0xA0;
	(erf) = vrcp.f32 v26;
	v18 =	vpop (erf);
	v11 =	vmul.f32 v17, v11;
	v17 =	vadd.f32 v16, v20  }
0x16c: {  	v21 =	vld [tilespmem:s22+$0x12600];
	(erf) = vrcp.f32 v12;
	v18 =	vmul.f32 v18, v3  }
0x16d: {  	v16 =	vmul.f32 $5.000000000e-01, v14  }
0x16e: {  	v14 =	vmul.f32 v15, v5;
	v11 =	vadd.f32 v11, v13;
	v13 =	vadd.f32 v18, v22  }
0x16f: {  	v15 =	vmul.f32 $5.000000000e-01, v17;
	(erf) = vrcp.f32 v16;
	v17 =	vpop (erf)  }
0x170: {  	v14 =	vadd.f32 v14, v61;
	v22 =	vmul.f32 $5.000000000e-01, v11;
	v20 =	vmul.f32 v17, v8  }
0x171: {  	(erf) = vrcp.f32 v15;
	v11 =	vadd.f32 $1.000000000e+00, v21;
	v17 =	vmul.f32 $5.000000000e-01, v13  }
0x172: {  	v18 =	vmul.f32 $5.000000000e-01, v14;
	v13 =	vpop (erf);
	(erf) = vrcp.f32 v22;
	v14 =	vadd.f32 v20, v19  }
0x173: {  	v21 =	vadd.f32 $1.000000000e+00, v11;
	v19 =	vpop (erf);
	(erf) = vrcp.f32 v17;
	v13 =	vmul.f32 v13, v4  }
0x174: {  	(erf) = vrcp.f32 v18;
	v22 =	vpop (erf);
	v20 =	vmul.f32 $5.000000000e-01, v14  }
0x175: {  	v19 =	vmul.f32 v19, v7;
	v14 =	vmul.f32 $5.000000000e-01, v21;
	v13 =	vadd.f32 v13, v23;
	v23 =	vpop (erf)  }
0x176: {  	v23 =	vmul.f32 v23, v10;
	(erf) = vrcp.f32 v20  }
0x177: {  	v22 =	vmul.f32 v22, v2;
	v19 =	vadd.f32 v19, v25;
	v21 =	vmul.f32 $5.000000000e-01, v13  }
0x178: {  	(erf) = vrcp.f32 v14;
	v62 =	vadd.f32 v23, v12  }
0x179: {  	v63 =	vpop (erf);
	v13 =	vmul.f32 $5.000000000e-01, v19;
	v12 =	vadd.f32 v22, v26;
	(erf) = vrcp.f32 v21  }
0x17a: {  	s25 =	simm.s32 $0x2C0;
	v22 =	vmul.f32 v63, v6;
	v23 =	vpop (erf);
	v19 =	vmul.f32 $5.000000000e-01, v62  }
.LBB2_17:
0x17b: {  	p1 =	sne.s32 s25, $0x30C0;
	(erf) = vrcp.f32 v13;
	v12 =	vmul.f32 $5.000000000e-01, v12;
	v24 =	vpop (erf)  }
0x17c: {  	v23 =	vmul.f32 v23, v9;
	v25 =	vpop (erf);
	v16 =	vadd.f32 v22, v16;
	(erf) = vrcp.f32 v19;
	[tilespmem:s10+$0x13280] =	vst v24;
	s10 =	smov.u32 s17;
	s17 =	smov.u32 s21;
	s21 =	smov.u32 s19  }
0x17d: {  	s19 =	smov.u32 s20;
	s20 =	smov.u32 s23;
	s23 =	smov.u32 s28;
	v22 =	vpop (erf);
	(erf) = vrcp.f32 v12;
	v24 =	vmul.f32 v25, v3  }
0x17e: {  	s28 =	smov.u32 s26;
	s26 =	smov.u32 s11;
	s11 =	smov.u32 s13;
	v26 =	vmul.f32 v22, v5;
	v25 =	vmul.f32 $5.000000000e-01, v16  }
0x17f: {  	s13 =	smov.u32 s22;
	v27 =	vadd.f32 v23, v15;
	v16 =	vadd.f32 v24, v17;
	v17 =	vpop (erf)  }
0x180: {  	v18 =	vadd.f32 v26, v18;
	(erf) = vrcp.f32 v25;
	v17 =	vmul.f32 v17, v8  }
0x181: {  	v22 =	vpop (erf);
	v23 =	vmul.f32 $5.000000000e-01, v16  }
0x182: {  	v24 =	vmul.f32 $5.000000000e-01, v27;
	v26 =	vmul.f32 $5.000000000e-01, v18;
	v15 =	vpop (erf);
	v16 =	vadd.f32 v17, v20  }
0x183: {  	(erf) = vrcp.f32 v23;
	v15 =	vmul.f32 v15, v4  }
0x184: {  	(erf) = vrcp.f32 v24;
	v17 =	vpop (erf);
	v27 =	vmul.f32 $5.000000000e-01, v16  }
0x185: {  	s22 =	sshra.s32 s25, $0x2;
	v16 =	vmul.f32 v22, v11;
	(erf) = vrcp.f32 v26;
	v15 =	vadd.f32 v15, v21;
	v18 =	vpop (erf)  }
0x186: {  	v20 =	vld [tilespmem:s22+$0x12600];
	v21 =	vpop (erf);
	(erf) = vrcp.f32 v27;
	v18 =	vmul.f32 v18, v10;
	v10 =	vmov v8  }
0x187: {  	v14 =	vadd.f32 v16, v14;
	v8 =	vmovc v6;
	v6 =	vmovc v4;
	v21 =	vmul.f32 v21, v2;
	v16 =	vmul.f32 $5.000000000e-01, v15  }
0x188: {  	v17 =	vmul.f32 v17, v7;
	v4 =	vmovc v3;
	v3 =	vmovc v2;
	v2 =	vmov v5;
	v18 =	vadd.f32 v18, v19  }
0x189: {  	v15 =	vmul.f32 $5.000000000e-01, v14;
	v21 =	vadd.f32 v21, v12;
	(erf) = vrcp.f32 v16;
	v5 =	vpop (erf)  }
0x18a: {  	v13 =	vadd.f32 v17, v13;
	v14 =	vmul.f32 v5, v8;
	v22 =	vmul.f32 $5.000000000e-01, v18;
	v5 =	vmovc v7;
	v7 =	vmovc v9  }
0x18b: {  	v9 =	vmovc v11;
	(erf) = vrcp.f32 v15;
	v17 =	vmul.f32 $5.000000000e-01, v21;
	v11 =	vadd.f32 $1.000000000e+00, v20  }
0x18c: {  	v18 =	vmul.f32 $5.000000000e-01, v13;
	v12 =	vpop (erf);
	v13 =	vadd.f32 v14, v25;
	(erf) = vrcp.f32 v22  }
0x18d: {  	v14 =	vadd.f32 $1.000000000e+00, v11;
	v19 =	vpop (erf);
	(erf) = vrcp.f32 v17;
	v12 =	vmul.f32 v12, v4  }
0x18e: {  	(erf) = vrcp.f32 v18;
	v21 =	vpop (erf);
	v20 =	vmul.f32 $5.000000000e-01, v13  }
0x18f: {  	v13 =	vmul.f32 v19, v7;
	v14 =	vmul.f32 $5.000000000e-01, v14;
	v12 =	vadd.f32 v12, v23;
	v19 =	vpop (erf)  }
.Ltmp11:
0x190: {  	(erf) = vrcp.f32 v20;
	v19 =	vmul.f32 v19, v10;
	(pc) =	sbr.rel @p1 .LBB2_17-.Ltmp11, $4  }
0x191: {  	v22 =	vmul.f32 v21, v2;
	v13 =	vadd.f32 v13, v24;
	v21 =	vmul.f32 $5.000000000e-01, v12  }
0x192: {  	(erf) = vrcp.f32 v14;
	v24 =	vpop (erf);
	v19 =	vadd.f32 v19, v27  }
0x193: {  	v12 =	vadd.f32 v22, v26;
	v13 =	vmul.f32 $5.000000000e-01, v13;
	(erf) = vrcp.f32 v21  }
0x194: {  	s25 =	sadd.s32 $0x40, s25;
	v22 =	vmul.f32 v24, v6;
	v23 =	vpop (erf);
	v19 =	vmul.f32 $5.000000000e-01, v19  }
0x195: {  	v24 =	vmul.f32 $5.000000000e-01, v12;
	v12 =	vpop (erf)  }
0x196: {  	v25 =	vpop (erf)  }
0x197: {  	(erf) = vrcp.f32 v13;
	v16 =	vadd.f32 v22, v16;
	v25 =	vmul.f32 v25, v3  }
0x198: {  	(erf) = vrcp.f32 v19  }
0x199: {  	v52 =	vpop (erf);
	(erf) = vrcp.f32 v24;
	v16 =	vmul.f32 $5.000000000e-01, v16;
	v17 =	vadd.f32 v25, v17  }
0x19a: {  	v23 =	vmul.f32 v23, v9;
	v22 =	vmul.f32 v52, v5  }
0x19b: {  	v53 =	vpop (erf);
	(erf) = vrcp.f32 v16;
	v17 =	vmul.f32 $5.000000000e-01, v17  }
0x19c: {  	v15 =	vadd.f32 v23, v15;
	v18 =	vadd.f32 v22, v18;
	v54 =	vmul.f32 v53, v8;
	v55 =	vpop (erf)  }
0x19d: {  	v56 =	vpop (erf);
	(erf) = vrcp.f32 v17  }
0x19e: {  	v15 =	vmul.f32 $5.000000000e-01, v15;
	v18 =	vmul.f32 $5.000000000e-01, v18;
	v20 =	vadd.f32 v54, v20  }
0x19f: {  	v23 =	vmul.f32 v55, v11;
	v57 =	vmul.f32 v56, v4  }
0x1a0: {  	(erf) = vrcp.f32 v15;
	v58 =	vpop (erf);
	v20 =	vmul.f32 $5.000000000e-01, v20  }
0x1a1: {  	(erf) = vrcp.f32 v18;
	v21 =	vadd.f32 v57, v21;
	v59 =	vpop (erf)  }
0x1a2: {  	v14 =	vadd.f32 v23, v14;
	v10 =	vmul.f32 v59, v10;
	v60 =	vpop (erf);
	(erf) = vrcp.f32 v20  }
0x1a3: {  	v22 =	vmul.f32 v60, v2;
	v21 =	vmul.f32 $5.000000000e-01, v21  }
0x1a4: {  	v61 =	vmul.f32 v58, v7;
	v14 =	vmul.f32 $5.000000000e-01, v14;
	v10 =	vadd.f32 v10, v19;
	v63 =	vpop (erf)  }
0x1a5: {  	v62 =	vadd.f32 v22, v24;
	(erf) = vrcp.f32 v21;
	v22 =	vmul.f32 v63, v6  }
0x1a6: {  	v24 =	vadd.f32 v61, v13;
	v10 =	vmul.f32 $5.000000000e-01, v10;
	(erf) = vrcp.f32 v14;
	v25 =	vpop (erf)  }
0x1a7: {  	v19 =	vmul.f32 $5.000000000e-01, v62;
	v26 =	vmul.f32 v25, v3  }
0x1a8: {  	v13 =	vmul.f32 $5.000000000e-01, v24;
	v16 =	vadd.f32 v22, v16;
	(erf) = vrcp.f32 v10  }
0x1a9: {  	(erf) = vrcp.f32 v19;
	v10 =	vadd.f32 v26, v17  }
0x1aa: {  	v27 =	vpop (erf);
	(erf) = vrcp.f32 v13;
	v16 =	vmul.f32 $5.000000000e-01, v16  }
0x1ab: {  	v28 =	vpop (erf);
	v22 =	vmul.f32 v27, v9;
	v30 =	vmul.f32 $5.000000000e-01, v10  }
0x1ac: {  	v29 =	vpop (erf);
	v31 =	vmul.f32 v28, v5;
	(erf) = vrcp.f32 v16  }
0x1ad: {  	v17 =	vmul.f32 v29, v8;
	(erf) = vrcp.f32 v30  }
0x1ae: {  	v15 =	vadd.f32 v22, v15  }
0x1af: {  	v18 =	vadd.f32 v31, v18;
	v32 =	vpop (erf);
	v17 =	vadd.f32 v17, v20  }
0x1b0: {  	v15 =	vmul.f32 $5.000000000e-01, v15;
	v33 =	vpop (erf);
	v23 =	vmul.f32 v32, v4  }
0x1b1: {  	v18 =	vmul.f32 $5.000000000e-01, v18;
	v17 =	vmul.f32 $5.000000000e-01, v17;
	v10 =	vpop (erf)  }
0x1b2: {  	(erf) = vrcp.f32 v15;
	v20 =	vmul.f32 v33, v11;
	v21 =	vadd.f32 v23, v21;
	v34 =	vpop (erf)  }
0x1b3: {  	(erf) = vrcp.f32 v17;
	v24 =	vmul.f32 v34, v2  }
0x1b4: {  	v35 =	vpop (erf);
	(erf) = vrcp.f32 v18;
	v21 =	vmul.f32 $5.000000000e-01, v21  }
0x1b5: {  	v23 =	vmul.f32 v35, v7;
	v19 =	vadd.f32 v24, v19;
	v36 =	vpop (erf)  }
0x1b6: {  	v14 =	vadd.f32 v20, v14;
	(erf) = vrcp.f32 v21;
	v37 =	vmul.f32 v36, v6;
	v38 =	vpop (erf)  }
0x1b7: {  	v13 =	vadd.f32 v23, v13;
	v19 =	vmul.f32 $5.000000000e-01, v19;
	v39 =	vmul.f32 v38, v3  }
0x1b8: {  	v14 =	vmul.f32 $5.000000000e-01, v14;
	v16 =	vadd.f32 v37, v16  }
0x1b9: {  	v13 =	vmul.f32 $5.000000000e-01, v13;
	(erf) = vrcp.f32 v19;
	v20 =	vadd.f32 v39, v30  }
0x1ba: {  	(erf) = vrcp.f32 v14;
	v16 =	vmul.f32 $5.000000000e-01, v16  }
0x1bb: {  	v40 =	vpop (erf);
	(erf) = vrcp.f32 v13;
	v20 =	vmul.f32 $5.000000000e-01, v20  }
0x1bc: {  	v41 =	vpop (erf);
	(erf) = vrcp.f32 v16  }
0x1bd: {  	v42 =	vpop (erf);
	v43 =	vmul.f32 v41, v8;
	(erf) = vrcp.f32 v20  }
0x1be: {  	v23 =	vmul.f32 v40, v9;
	v44 =	vmul.f32 v42, v5  }
0x1bf: {  	v8 =	vadd.f32 v43, v17;
	v46 =	vpop (erf)  }
0x1c0: {  	v15 =	vadd.f32 v23, v15;
	v45 =	vadd.f32 v44, v18;
	v18 =	vmul.f32 v46, v4  }
0x1c1: {  	v8 =	vmul.f32 $5.000000000e-01, v8  }
0x1c2: {  	v15 =	vmul.f32 $5.000000000e-01, v15;
	v17 =	vmul.f32 $5.000000000e-01, v45;
	v18 =	vadd.f32 v18, v21;
	v47 =	vpop (erf)  }
0x1c3: {  	(erf) = vrcp.f32 v8;
	v48 =	vpop (erf);
	v49 =	vmul.f32 v47, v2  }
0x1c4: {  	v18 =	vmul.f32 $5.000000000e-01, v18;
	v50 =	vpop (erf);
	(erf) = vrcp.f32 v17  }
0x1c5: {  	v51 =	vmul.f32 v48, v11;
	v52 =	vpop (erf);
	v8 =	vadd.f32 v49, v19;
	(erf) = vrcp.f32 v15  }
0x1c6: {  	v21 =	vmul.f32 v50, v7;
	v53 =	vmul.f32 v52, v6;
	v55 =	vpop (erf)  }
0x1c7: {  	v14 =	vadd.f32 v51, v14;
	v54 =	vmul.f32 $5.000000000e-01, v8;
	v8 =	vmul.f32 v55, v3  }
0x1c8: {  	(erf) = vrcp.f32 v18;
	v16 =	vadd.f32 v53, v16  }
0x1c9: {  	v13 =	vadd.f32 v21, v13;
	v14 =	vmul.f32 $5.000000000e-01, v14;
	v8 =	vadd.f32 v8, v20  }
0x1ca: {  	(erf) = vrcp.f32 v54;
	v16 =	vmul.f32 $5.000000000e-01, v16  }
0x1cb: {  	v13 =	vmul.f32 $5.000000000e-01, v13;
	(erf) = vrcp.f32 v14  }
0x1cc: {  	(erf) = vrcp.f32 v16  }
0x1cd: {  	(erf) = vrcp.f32 v13;
	v56 =	vmul.f32 $5.000000000e-01, v8;
	v8 =	vpop (erf)  }
0x1ce: {  	v57 =	vpop (erf)  }
0x1cf: {  	(erf) = vrcp.f32 v56;
	v20 =	vmul.f32 v57, v5;
	_ =	sdelay $0x1  }
0x1d0: {  	v58 =	vpop (erf);
	v17 =	vadd.f32 v20, v17  }
0x1d1: {  	v21 =	vmul.f32 v58, v9;
	v59 =	vpop (erf)  }
0x1d2: {  	v60 =	vpop (erf);
	v17 =	vmul.f32 $5.000000000e-01, v17  }
0x1d3: {  	v20 =	vmul.f32 v59, v4;
	v15 =	vadd.f32 v21, v15;
	v61 =	vpop (erf)  }
0x1d4: {  	v62 =	vmul.f32 v60, v2;
	v63 =	vpop (erf);
	(erf) = vrcp.f32 v17  }
0x1d5: {  	v18 =	vadd.f32 v20, v18;
	v15 =	vmul.f32 $5.000000000e-01, v15;
	v28 =	vpop (erf);
	v29 =	vmul.f32 v63, v6  }
0x1d6: {  	v31 =	vmul.f32 v61, v11;
	v20 =	vadd.f32 v62, v54;
	v30 =	vmul.f32 v28, v7  }
0x1d7: {  	v18 =	vmul.f32 $5.000000000e-01, v18;
	(erf) = vrcp.f32 v15;
	v6 =	vadd.f32 v29, v16;
	v32 =	vpop (erf)  }
0x1d8: {  	v20 =	vmul.f32 $5.000000000e-01, v20;
	v13 =	vadd.f32 v30, v13;
	v16 =	vmul.f32 v32, v3  }
0x1d9: {  	v14 =	vadd.f32 v31, v14;
	(erf) = vrcp.f32 v18;
	v6 =	vmul.f32 $5.000000000e-01, v6  }
0x1da: {  	(erf) = vrcp.f32 v20;
	v13 =	vmul.f32 $5.000000000e-01, v13;
	v16 =	vadd.f32 v16, v56  }
0x1db: {  	v14 =	vmul.f32 $5.000000000e-01, v14;
	(erf) = vrcp.f32 v6  }
0x1dc: {  	(erf) = vrcp.f32 v13;
	v16 =	vmul.f32 $5.000000000e-01, v16  }
0x1dd: {  	(erf) = vrcp.f32 v14;
	v33 =	vpop (erf)  }
0x1de: {  	(erf) = vrcp.f32 v16;
	v6 =	vmul.f32 v33, v5;
	_ =	sdelay $0x1  }
0x1df: {  	v6 =	vadd.f32 v6, v17  }
0x1e0: {  	v34 =	vpop (erf)  }
0x1e1: {  	v35 =	vpop (erf)  }
0x1e2: {  	v17 =	vmul.f32 v35, v4;
	v36 =	vpop (erf)  }
0x1e3: {  	v19 =	vmul.f32 v34, v9;
	v37 =	vmul.f32 $5.000000000e-01, v6;
	v6 =	vpop (erf)  }
0x1e4: {  	v38 =	vmul.f32 v36, v2;
	v17 =	vadd.f32 v17, v18;
	v39 =	vpop (erf)  }
0x1e5: {  	v15 =	vadd.f32 v19, v15;
	(erf) = vrcp.f32 v37;
	v40 =	vpop (erf);
	v21 =	vmul.f32 v39, v7  }
0x1e6: {  	v18 =	vadd.f32 v38, v20;
	v17 =	vmul.f32 $5.000000000e-01, v17;
	v19 =	vmul.f32 v40, v11;
	v41 =	vpop (erf)  }
0x1e7: {  	v15 =	vmul.f32 $5.000000000e-01, v15;
	v13 =	vadd.f32 v21, v13;
	v20 =	vmul.f32 v41, v3  }
0x1e8: {  	v18 =	vmul.f32 $5.000000000e-01, v18;
	(erf) = vrcp.f32 v17;
	v14 =	vadd.f32 v19, v14  }
0x1e9: {  	(erf) = vrcp.f32 v15;
	v13 =	vmul.f32 $5.000000000e-01, v13;
	v16 =	vadd.f32 v20, v16  }
0x1ea: {  	(erf) = vrcp.f32 v18;
	v14 =	vmul.f32 $5.000000000e-01, v14  }
0x1eb: {  	(erf) = vrcp.f32 v13;
	v16 =	vmul.f32 $5.000000000e-01, v16  }
0x1ec: {  	(erf) = vrcp.f32 v14  }
0x1ed: {  	(erf) = vrcp.f32 v16;
	_ =	sdelay $0x1  }
0x1ee: {  	v42 =	vpop (erf)  }
0x1ef: {  	v19 =	vmul.f32 v42, v5  }
0x1f0: {  	v43 =	vpop (erf)  }
0x1f1: {  	v19 =	vadd.f32 v19, v37;
	v44 =	vpop (erf)  }
0x1f2: {  	v45 =	vmul.f32 v43, v4;
	v46 =	vpop (erf)  }
0x1f3: {  	v21 =	vmul.f32 v44, v9;
	v19 =	vmul.f32 $5.000000000e-01, v19;
	v47 =	vpop (erf)  }
0x1f4: {  	v4 =	vadd.f32 v45, v17;
	v48 =	vmul.f32 v46, v2;
	v49 =	vpop (erf)  }
0x1f5: {  	v15 =	vadd.f32 v21, v15;
	(erf) = vrcp.f32 v19;
	v50 =	vmul.f32 v47, v7;
	v51 =	vpop (erf)  }
0x1f6: {  	v4 =	vmul.f32 $5.000000000e-01, v4;
	v17 =	vadd.f32 v48, v18;
	v52 =	vmul.f32 v51, v3  }
0x1f7: {  	v15 =	vmul.f32 $5.000000000e-01, v15;
	v20 =	vmul.f32 v49, v11;
	v13 =	vadd.f32 v50, v13  }
0x1f8: {  	(erf) = vrcp.f32 v4;
	v17 =	vmul.f32 $5.000000000e-01, v17;
	v53 =	vadd.f32 v52, v16  }
0x1f9: {  	(erf) = vrcp.f32 v15;
	v14 =	vadd.f32 v20, v14;
	v13 =	vmul.f32 $5.000000000e-01, v13  }
0x1fa: {  	(erf) = vrcp.f32 v17;
	v16 =	vmul.f32 $5.000000000e-01, v53  }
0x1fb: {  	v14 =	vmul.f32 $5.000000000e-01, v14;
	(erf) = vrcp.f32 v13  }
0x1fc: {  	(erf) = vrcp.f32 v16  }
0x1fd: {  	(erf) = vrcp.f32 v14;
	_ =	sdelay $0x1  }
0x1fe: {  	v54 =	vpop (erf)  }
0x1ff: {  	v18 =	vmul.f32 v54, v5  }
0x200: {  	v4 =	vpop (erf)  }
0x201: {  	v55 =	vpop (erf);
	v18 =	vadd.f32 v18, v19  }
0x202: {  	v20 =	vmul.f32 v55, v9;
	v56 =	vpop (erf)  }
0x203: {  	v57 =	vmul.f32 v56, v2;
	v18 =	vmul.f32 $5.000000000e-01, v18;
	v58 =	vpop (erf)  }
0x204: {  	v15 =	vadd.f32 v20, v15;
	v59 =	vmul.f32 v58, v7;
	v60 =	vpop (erf)  }
0x205: {  	v17 =	vadd.f32 v57, v17;
	(erf) = vrcp.f32 v18;
	v61 =	vpop (erf);
	v3 =	vmul.f32 v60, v3  }
0x206: {  	v15 =	vmul.f32 $5.000000000e-01, v15;
	v13 =	vadd.f32 v59, v13;
	v19 =	vmul.f32 v61, v11  }
0x207: {  	v17 =	vmul.f32 $5.000000000e-01, v17;
	v3 =	vadd.f32 v3, v16  }
0x208: {  	(erf) = vrcp.f32 v15;
	v13 =	vmul.f32 $5.000000000e-01, v13;
	v14 =	vadd.f32 v19, v14  }
0x209: {  	(erf) = vrcp.f32 v17;
	v3 =	vmul.f32 $5.000000000e-01, v3  }
0x20a: {  	(erf) = vrcp.f32 v13;
	v14 =	vmul.f32 $5.000000000e-01, v14  }
0x20b: {  	(erf) = vrcp.f32 v3  }
0x20c: {  	(erf) = vrcp.f32 v14;
	_ =	sdelay $0x2  }
0x20d: {  	v3 =	vpop (erf)  }
0x20e: {  	v3 =	vmul.f32 v3, v5  }
0x20f: {  	v62 =	vpop (erf)  }
0x210: {  	v63 =	vpop (erf)  }
0x211: {  	v16 =	vmul.f32 v62, v9;
	v24 =	vpop (erf)  }
0x212: {  	v18 =	vadd.f32 v3, v18;
	v19 =	vmul.f32 v63, v2;
	v3 =	vpop (erf)  }
0x213: {  	v15 =	vadd.f32 v16, v15;
	v25 =	vmul.f32 v24, v7;
	v26 =	vpop (erf)  }
0x214: {  	v18 =	vmul.f32 $5.000000000e-01, v18;
	v17 =	vadd.f32 v19, v17;
	v27 =	vmul.f32 v26, v11  }
0x215: {  	v15 =	vmul.f32 $5.000000000e-01, v15;
	v13 =	vadd.f32 v25, v13  }
0x216: {  	(erf) = vrcp.f32 v18;
	v28 =	vmul.f32 $5.000000000e-01, v17;
	v14 =	vadd.f32 v27, v14  }
0x217: {  	(erf) = vrcp.f32 v15;
	v13 =	vmul.f32 $5.000000000e-01, v13  }
0x218: {  	(erf) = vrcp.f32 v28;
	v14 =	vmul.f32 $5.000000000e-01, v14  }
0x219: {  	(erf) = vrcp.f32 v13  }
0x21a: {  	(erf) = vrcp.f32 v14;
	_ =	sdelay $0x4  }
0x21b: {  	v29 =	vpop (erf)  }
0x21c: {  	v17 =	vmul.f32 v29, v5;
	v30 =	vpop (erf)  }
0x21d: {  	v19 =	vmul.f32 v30, v9;
	v31 =	vpop (erf)  }
0x21e: {  	v17 =	vadd.f32 v17, v18;
	v2 =	vmul.f32 v31, v2;
	v32 =	vpop (erf)  }
0x21f: {  	v15 =	vadd.f32 v19, v15;
	v18 =	vmul.f32 v32, v7;
	v33 =	vpop (erf)  }
0x220: {  	v17 =	vmul.f32 $5.000000000e-01, v17;
	v2 =	vadd.f32 v2, v28;
	v34 =	vmul.f32 v33, v11  }
0x221: {  	v15 =	vmul.f32 $5.000000000e-01, v15;
	v13 =	vadd.f32 v18, v13  }
0x222: {  	(erf) = vrcp.f32 v17;
	v2 =	vmul.f32 $5.000000000e-01, v2;
	v14 =	vadd.f32 v34, v14  }
0x223: {  	(erf) = vrcp.f32 v15;
	v13 =	vmul.f32 $5.000000000e-01, v13  }
0x224: {  	(erf) = vrcp.f32 v2;
	v2 =	vmul.f32 $5.000000000e-01, v14  }
0x225: {  	(erf) = vrcp.f32 v13  }
0x226: {  	(erf) = vrcp.f32 v2;
	_ =	sdelay $0x4  }
0x227: {  	v35 =	vpop (erf)  }
0x228: {  	v36 =	vpop (erf)  }
0x229: {  	v14 =	vmul.f32 v35, v5;
	v37 =	vpop (erf)  }
0x22a: {  	v16 =	vmul.f32 v36, v9;
	v38 =	vpop (erf)  }
0x22b: {  	v14 =	vadd.f32 v14, v17;
	v39 =	vmul.f32 v38, v7;
	v40 =	vpop (erf)  }
0x22c: {  	v15 =	vadd.f32 v16, v15;
	v41 =	vmul.f32 v40, v11  }
0x22d: {  	v14 =	vmul.f32 $5.000000000e-01, v14;
	v13 =	vadd.f32 v39, v13  }
0x22e: {  	v15 =	vmul.f32 $5.000000000e-01, v15;
	v2 =	vadd.f32 v41, v2  }
0x22f: {  	(erf) = vrcp.f32 v14;
	v13 =	vmul.f32 $5.000000000e-01, v13  }
0x230: {  	(erf) = vrcp.f32 v15;
	v2 =	vmul.f32 $5.000000000e-01, v2  }
0x231: {  	(erf) = vrcp.f32 v13  }
0x232: {  	(erf) = vrcp.f32 v2;
	_ =	sdelay $0x5  }
0x233: {  	v42 =	vpop (erf)  }
0x234: {  	v43 =	vmul.f32 v42, v5;
	v44 =	vpop (erf)  }
0x235: {  	v16 =	vmul.f32 v44, v9;
	v45 =	vpop (erf)  }
0x236: {  	v5 =	vadd.f32 v43, v14;
	v46 =	vmul.f32 v45, v7;
	v47 =	vpop (erf)  }
0x237: {  	v15 =	vadd.f32 v16, v15;
	v48 =	vmul.f32 v47, v11  }
0x238: {  	v5 =	vmul.f32 $5.000000000e-01, v5;
	v13 =	vadd.f32 v46, v13  }
0x239: {  	v49 =	vmul.f32 $5.000000000e-01, v15;
	v2 =	vadd.f32 v48, v2  }
0x23a: {  	(erf) = vrcp.f32 v5;
	v50 =	vmul.f32 $5.000000000e-01, v13  }
0x23b: {  	(erf) = vrcp.f32 v49;
	v2 =	vmul.f32 $5.000000000e-01, v2  }
0x23c: {  	(erf) = vrcp.f32 v50  }
0x23d: {  	(erf) = vrcp.f32 v2;
	_ =	sdelay $0x5  }
0x23e: {  	v51 =	vpop (erf)  }
0x23f: {  	v52 =	vpop (erf)  }
0x240: {  	v15 =	vmul.f32 v52, v9;
	v53 =	vpop (erf)  }
0x241: {  	v54 =	vmul.f32 v53, v7;
	v55 =	vpop (erf)  }
0x242: {  	v14 =	vadd.f32 v15, v49;
	v56 =	vmul.f32 v55, v11  }
0x243: {  	v5 =	vadd.f32 v54, v50  }
0x244: {  	v57 =	vmul.f32 $5.000000000e-01, v14;
	v2 =	vadd.f32 v56, v2  }
0x245: {  	v5 =	vmul.f32 $5.000000000e-01, v5  }
0x246: {  	(erf) = vrcp.f32 v57;
	v2 =	vmul.f32 $5.000000000e-01, v2  }
0x247: {  	(erf) = vrcp.f32 v5  }
0x248: {  	(erf) = vrcp.f32 v2;
	_ =	sdelay $0x6  }
0x249: {  	v58 =	vpop (erf)  }
0x24a: {  	v59 =	vpop (erf)  }
0x24b: {  	v5 =	vmul.f32 v58, v9;
	v60 =	vpop (erf)  }
0x24c: {  	v15 =	vmul.f32 v60, v11  }
0x24d: {  	v5 =	vadd.f32 v5, v57  }
0x24e: {  	v2 =	vadd.f32 v15, v2  }
0x24f: {  	v5 =	vmul.f32 $5.000000000e-01, v5  }
0x250: {  	v2 =	vmul.f32 $5.000000000e-01, v2  }
0x251: {  	(erf) = vrcp.f32 v5  }
0x252: {  	(erf) = vrcp.f32 v2;
	_ =	sdelay $0x7  }
0x253: {  	v61 =	vpop (erf)  }
0x254: {  	v7 =	vmul.f32 v61, v9;
	v62 =	vpop (erf)  }
0x255: {  	v9 =	vmul.f32 v62, v11  }
0x256: {  	v5 =	vadd.f32 v7, v5  }
0x257: {  	v2 =	vadd.f32 v9, v2  }
0x258: {  	v5 =	vmul.f32 $5.000000000e-01, v5  }
0x259: {  	v2 =	vmul.f32 $5.000000000e-01, v2  }
0x25a: {  	(erf) = vrcp.f32 v5  }
0x25b: {  	(erf) = vrcp.f32 v2;
	_ =	sdelay $0x7  }
0x25c: {  	v5 =	vpop (erf)  }
0x25d: {  	v63 =	vpop (erf)  }
0x25e: {  	v7 =	vmul.f32 v63, v11;
	_ =	sdelay $0x1  }
0x25f: {  	v2 =	vadd.f32 v7, v2;
	_ =	sdelay $0x1  }
0x260: {  	v2 =	vmul.f32 $5.000000000e-01, v2;
	_ =	sdelay $0x1  }
0x261: {  	[tilespmem:s10+$0x13280] =	vst v12;
	(erf) = vrcp.f32 v2  }
0x262: {  	[tilespmem:s17+$0x13280] =	vst v10  }
0x263: {  	[tilespmem:s21+$0x13280] =	vst v8  }
0x264: {  	[tilespmem:s19+$0x13280] =	vst v6  }
0x265: {  	[tilespmem:s20+$0x13280] =	vst v4  }
0x266: {  	[tilespmem:s23+$0x13280] =	vst v3  }
0x267: {  	[tilespmem:s28+$0x13280] =	vst v37  }
0x268: {  	[tilespmem:s26+$0x13280] =	vst v51  }
0x269: {  	[tilespmem:s11+$0x13280] =	vst v59  }
0x26a: {  	[tilespmem:s13+$0x13280] =	vst v5;
	v2 =	vpop (erf)  }
.Ltmp12:
0x26b: {  	s21 =	simm.s32 $0x13280;
	s26 =	rddreg [dreg:$0x13];
	[tilespmem:s22+$0x13280] =	vst v2;
	(pc) =	sbr.rel @!p0 .LBB2_19-.Ltmp12, $4  }
0x26c: {  	[spmem:s26] =	stream.linear.scatter [tilespmem:s21], [sflag:$0x4], $0xC40, $0x38;
	[tilespmem:$0x14C00] =	vst v63  }
0x26d: {  	_ =	swait.ge [sflag:s29], $0xC40  }
0x26e: {  	[sflag:s29] =	ssyncset.done $0x0  }
0x26f: {  	[sflag:s29] =	ssyncadd.s32 $0xFFFFF3C0  }
0x270: {  	[bflag:$0x0] =	sbarrier.arrive $0xFFFF;
	s10 =	simm.s32 $0x0  }
0x271: {  	s11 =	simm.s32 $0x0;
	s28 =	simm.s32 $0x12600;
	s20 =	rddreg [dreg:$0xa]  }
.LBB2_45:
0x272: {  	s13 =	smul.u32 $0x38, s11;
	_ =	sdelay $0x1  }
0x273: {  	s13 =	sadd.s32 s9, s13  }
0x274: {  	s13 =	sshll.u32 s13, $0x4  }
0x275: {  	s19 =	simm.s32 $0x7E00;
	s17 =	sadd.s32 s20, s13  }
0x276: {  	[tilespmem:s19], [sflag:$0x1] =	stream.linear.gather [hbm4b:s17+s10], $0x1C00, $0x38;
	[tilespmem:$0x14C00] =	vst v63  }
0x277: {  	s13 =	sadd.s32 s12, s13  }
0x278: {  	[tilespmem:s30], [sflag:$0x1] =	stream.linear.gather [hbm4b:s13+s10], $0x1C00, $0x38;
	[tilespmem:$0x14C00] =	vst v63  }
0x279: {  	_ =	swait.ge [sflag:s31], $0x1C00  }
0x27a: {  	[sflag:s31] =	ssyncset.done $0x0  }
0x27b: {  	[sflag:s31] =	ssyncadd.s32 $0xFFFFE400  }
0x27c: {  	_ =	swait.ge [sflag:s31], $0x1C00  }
0x27d: {  	[sflag:s31] =	ssyncset.done $0x0  }
0x27e: {  	s13 =	simm.s32 $0x0;
	[sflag:s31] =	ssyncadd.s32 $0xFFFFE400  }
.LBB2_46:
0x27f: {  	p1 =	sne.s32 s13, $0x6E00  }
.Ltmp13:
0x280: {  	_ = 	snop;
	(pc) =	sbr.rel @p1 .LBB2_46-.Ltmp13, $4  }
0x281: {  	_ = 	snop  }
0x282: {  	s17 =	sshra.s32 s13, $0x2  }
0x283: {  	s13 =	sadd.s32 $0x200, s13;
	s19 =	sadd.s32 $0xB600, s17;
	s17 =	sadd.s32 $0x7E00, s17  }
0x284: {  	[tilespmem:s19], [sflag:$0x2] =	stream.indirect.gather [spmem:s5], $0x1, s17, s2, $0xb8;
	[tilespmem:$0x14C00] =	vst v63  }
0x285: {  	s13 =	simm.s32 $0x38  }
.LBB2_48:
0x286: {  	p1 =	sne.s32 s13, $0x1  }
.Ltmp14:
0x287: {  	_ = 	snop;
	(pc) =	sbr.rel @p1 .LBB2_48-.Ltmp14, $4  }
0x288: {  	_ = 	snop  }
0x289: {  	_ =	swait.ge [sflag:s24], $0x80  }
0x28a: {  	[sflag:s24] =	ssyncset.done $0x0  }
0x28b: {  	s13 =	sadd.s32 $0xFFFFFFFF, s13;
	[sflag:s24] =	ssyncadd.s32 $0xFFFFFF80  }
0x28c: {  	s13 =	simm.s32 $0x0  }
.LBB2_50:
0x28d: {  	p1 =	sne.s32 s13, $0x6E00  }
.Ltmp15:
0x28e: {  	_ = 	snop;
	(pc) =	sbr.rel @p1 .LBB2_50-.Ltmp15, $4  }
0x28f: {  	_ = 	snop  }
0x290: {  	s17 =	sshra.s32 s13, $0x2  }
0x291: {  	s13 =	sadd.s32 $0x200, s13;
	s19 =	sadd.s32 $0xB600, s17;
	s17 =	sadd.s32 $0x6200, s17  }
0x292: {  	[spmem:s1] =	stream.indirect.scatter.add.f32 [tilespmem:s19], [sflag:$0x3], $0x1, s17, s2, $0xb8;
	[tilespmem:$0x14C00] =	vst v63  }
0x293: {  	_ =	swait.ge [sflag:s18], $0x80  }
0x294: {  	s13 =	simm.s32 $0x37;
	[sflag:s18] =	ssyncset.done $0x0  }
.LBB2_52:
0x295: {  	p1 =	sne.s32 s13, $0x1;
	s13 =	sadd.s32 $0xFFFFFFFF, s13;
	[sflag:s18] =	ssyncadd.s32 $0xFFFFFF80  }
.Ltmp16:
0x296: {  	(pc) =	sbr.rel @p1 .LBB2_52-.Ltmp16, $3  }
0x297: {  	_ =	sdelay $0x1  }
0x298: {  	_ =	swait.ge [sflag:s18], $0x80  }
0x299: {  	[sflag:s18] =	ssyncset.done $0x0  }
0x29a: {  	s11 =	sadd.s32 $0x1, s11  }
0x29b: {  	p1 =	seq.s32 s11, $0x7  }
.Ltmp17:
0x29c: {  	_ = 	snop;
	(pc) =	sbr.rel @!p1 .LBB2_45-.Ltmp17, $2  }
0x29d: {  	_ =	sdelay $0x2  }
0x29e: {  	[sflag:s18] =	ssyncadd.s32 $0xFFFFFF80  }
0x29f: {  	[bflag:$0x0] =	sbarrier.arrive $0xFFFF  }
0x2a0: {  	[tilespmem:s28], [sflag:$0x4] =	stream.linear.gather [spmem:s26], $0xC40, $0x38;
	[tilespmem:$0x14C00] =	vst v63  }
0x2a1: {  	_ =	swait.ge [sflag:s29], $0xC40  }
0x2a2: {  	[sflag:s29] =	ssyncset.done $0x0  }
0x2a3: {  	p1 =	por $0x0, $0x0;
	s17 =	rddreg [dreg:$0x10];
	[sflag:s29] =	ssyncadd.s32 $0xFFFFF3C0  }
0x2a4: {  	[tilespmem:s21], [sflag:$0x4] =	stream.linear.gather [spmem:s17], $0xC40, $0x38;
	[tilespmem:$0x14C00] =	vst v63  }
.Ltmp18:
0x2a5: {  	_ = 	snop;
	(pc) =	sbr.rel @p1 .LBB2_56-.Ltmp18, $4  }
0x2a6: {  	_ =	swait.ge [sflag:s29], $0xC40  }
0x2a7: {  	[sflag:s29] =	ssyncset.done $0x0  }
0x2a8: {  	s10 =	simm.s32 $0x0;
	[sflag:s29] =	ssyncadd.s32 $0xFFFFF3C0  }
0x2a9: {  	s11 =	simm.s32 $0x40;
	v2 =	vld [tilespmem:s10+$0x12600]  }
.LBB2_55:
0x2aa: {  	p1 =	seq.s32 s11, $0x30C0;
	v3 =	vld [tilespmem:s10+$0x13280];
	_ =	sdelay $0x4  }
.Ltmp19:
0x2ab: {  	v3 =	vadd.f32 v3, v2;
	(pc) =	sbr.rel @!p1 .LBB2_55-.Ltmp19, $4  }
0x2ac: {  	_ = 	snop  }
0x2ad: {  	v3 =	vmul.f32 v3, v2  }
0x2ae: {  	s13 =	sshra.s32 s11, $0x2  }
0x2af: {  	s11 =	sadd.s32 $0x40, s11;
	v2 =	vld [tilespmem:s13+$0x12600];
	[tilespmem:s10+$0x13280] =	vst v3;
	s10 =	smov.u32 s13  }
.Ltmp20:
0x2b0: {  	_ = 	snop;
	(pc) =	sbr.rel .LBB2_56-.Ltmp20, $1  }
0x2b1: {  	_ =	sdelay $0x3  }
.LBB2_19:
0x2b2: {  	s10 =	simm.s32 $0x0;
	s11 =	rddreg [dreg:$0x17];
	s28 =	simm.s32 $0x12600  }
0x2b3: {  	[tilespmem:s28], [sflag:$0x4] =	stream.linear.gather [hbm4b:s11+s10], $0xC40, $0x38;
	[tilespmem:$0x14C00] =	vst v63  }
0x2b4: {  	_ =	swait.ge [sflag:s29], $0xC40  }
0x2b5: {  	[sflag:s29] =	ssyncset.done $0x0  }
0x2b6: {  	s10 =	simm.s32 $0x0;
	[sflag:s29] =	ssyncadd.s32 $0xFFFFF3C0  }
0x2b7: {  	s11 =	simm.s32 $0x40;
	s25 =	rddreg [dreg:$0xb];
	v2 =	vld [tilespmem:s10+$0x13280]  }
.LBB2_20:
0x2b8: {  	p1 =	sne.s32 s11, $0x30C0;
	v3 =	vld [tilespmem:s10+$0x12600];
	_ =	sdelay $0x2  }
.Ltmp21:
0x2b9: {  	(pc) =	sbr.rel @p1 .LBB2_20-.Ltmp21, $4  }
0x2ba: {  	_ = 	snop  }
0x2bb: {  	v3 =	vmul.f32 v2, v3  }
0x2bc: {  	s13 =	sshra.s32 s11, $0x2  }
0x2bd: {  	s11 =	sadd.s32 $0x40, s11;
	v2 =	vld [tilespmem:s13+$0x13280];
	[tilespmem:s10+$0x12600] =	vst v3;
	s10 =	smov.u32 s13  }
0x2be: {  	v3 =	vld [tilespmem:s10+$0x12600];
	_ =	sdelay $0x4  }
0x2bf: {  	v2 =	vmul.f32 v2, v3;
	_ =	sdelay $0x1  }
0x2c0: {  	s22 =	rddreg [dreg:$0x14];
	[tilespmem:s10+$0x12600] =	vst v2  }
0x2c1: {  	[spmem:s22] =	stream.linear.scatter [tilespmem:s28], [sflag:$0x4], $0xC40, $0x38;
	[tilespmem:$0x14C00] =	vst v63  }
0x2c2: {  	_ =	swait.ge [sflag:s29], $0xC40  }
0x2c3: {  	[sflag:s29] =	ssyncset.done $0x0  }
0x2c4: {  	s23 =	simm.s32 $0x0;
	s11 =	rddreg [dreg:$0x18];
	[sflag:s29] =	ssyncadd.s32 $0xFFFFF3C0  }
0x2c5: {  	[tilespmem:s28], [sflag:$0x4] =	stream.linear.gather [hbm4b:s11+s23], $0xC40, $0x38;
	[tilespmem:$0x14C00] =	vst v63  }
0x2c6: {  	_ =	swait.ge [sflag:s29], $0xC40  }
0x2c7: {  	[sflag:s29] =	ssyncset.done $0x0  }
0x2c8: {  	s10 =	simm.s32 $0x0;
	[sflag:s29] =	ssyncadd.s32 $0xFFFFF3C0  }
0x2c9: {  	s11 =	simm.s32 $0x40;
	v2 =	vld [tilespmem:s10+$0x13280]  }
.LBB2_22:
0x2ca: {  	p1 =	sne.s32 s11, $0x30C0;
	v3 =	vld [tilespmem:s10+$0x12600];
	_ =	sdelay $0x2  }
.Ltmp22:
0x2cb: {  	(pc) =	sbr.rel @p1 .LBB2_22-.Ltmp22, $4  }
0x2cc: {  	_ = 	snop  }
0x2cd: {  	v3 =	vmul.f32 v2, v3  }
0x2ce: {  	s13 =	sshra.s32 s11, $0x2  }
0x2cf: {  	s11 =	sadd.s32 $0x40, s11;
	v2 =	vld [tilespmem:s13+$0x13280];
	[tilespmem:s10+$0x12600] =	vst v3;
	s10 =	smov.u32 s13  }
0x2d0: {  	v3 =	vld [tilespmem:s10+$0x12600];
	_ =	sdelay $0x4  }
0x2d1: {  	v2 =	vmul.f32 v2, v3;
	_ =	sdelay $0x1  }
0x2d2: {  	s22 =	rddreg [dreg:$0x15];
	[tilespmem:s10+$0x12600] =	vst v2  }
0x2d3: {  	[spmem:s22] =	stream.linear.scatter [tilespmem:s28], [sflag:$0x4], $0xC40, $0x38;
	[tilespmem:$0x14C00] =	vst v63  }
0x2d4: {  	_ =	swait.ge [sflag:s29], $0xC40  }
0x2d5: {  	[sflag:s29] =	ssyncset.done $0x0  }
0x2d6: {  	s23 =	simm.s32 $0x0;
	s11 =	rddreg [dreg:$0x19];
	[sflag:s29] =	ssyncadd.s32 $0xFFFFF3C0  }
0x2d7: {  	[tilespmem:s28], [sflag:$0x4] =	stream.linear.gather [hbm4b:s11+s23], $0xC40, $0x38;
	[tilespmem:$0x14C00] =	vst v63  }
0x2d8: {  	_ =	swait.ge [sflag:s29], $0xC40  }
0x2d9: {  	[sflag:s29] =	ssyncset.done $0x0  }
0x2da: {  	s10 =	simm.s32 $0x0;
	[sflag:s29] =	ssyncadd.s32 $0xFFFFF3C0  }
0x2db: {  	s11 =	simm.s32 $0x40;
	v2 =	vld [tilespmem:s10+$0x13280]  }
.LBB2_24:
0x2dc: {  	p1 =	sne.s32 s11, $0x30C0;
	v3 =	vld [tilespmem:s10+$0x12600];
	_ =	sdelay $0x2  }
.Ltmp23:
0x2dd: {  	(pc) =	sbr.rel @p1 .LBB2_24-.Ltmp23, $4  }
0x2de: {  	_ = 	snop  }
0x2df: {  	v3 =	vmul.f32 v2, v3  }
0x2e0: {  	s13 =	sshra.s32 s11, $0x2  }
0x2e1: {  	s11 =	sadd.s32 $0x40, s11;
	v2 =	vld [tilespmem:s13+$0x13280];
	[tilespmem:s10+$0x12600] =	vst v3;
	s10 =	smov.u32 s13  }
0x2e2: {  	v3 =	vld [tilespmem:s10+$0x12600];
	_ =	sdelay $0x4  }
0x2e3: {  	v2 =	vmul.f32 v2, v3;
	_ =	sdelay $0x1  }
0x2e4: {  	s23 =	rddreg [dreg:$0x16];
	[tilespmem:s10+$0x12600] =	vst v2  }
0x2e5: {  	[spmem:s23] =	stream.linear.scatter [tilespmem:s28], [sflag:$0x4], $0xC40, $0x38;
	[tilespmem:$0x14C00] =	vst v63  }
0x2e6: {  	_ =	swait.ge [sflag:s29], $0xC40  }
0x2e7: {  	[sflag:s29] =	ssyncset.done $0x0  }
0x2e8: {  	[sflag:s29] =	ssyncadd.s32 $0xFFFFF3C0  }
0x2e9: {  	s11 =	simm.s32 $0x0;
	s10 =	simm.s32 $0x0;
	[bflag:$0x0] =	sbarrier.arrive $0xFFFF  }
.LBB2_26:
0x2ea: {  	s13 =	smul.u32 $0x38, s11;
	_ =	sdelay $0x1  }
0x2eb: {  	s13 =	sadd.s32 s9, s13  }
0x2ec: {  	s13 =	sshll.u32 s13, $0x4  }
0x2ed: {  	s19 =	simm.s32 $0x7E00;
	s17 =	sadd.s32 s25, s13  }
0x2ee: {  	[tilespmem:s19], [sflag:$0x1] =	stream.linear.gather [hbm4b:s17+s10], $0x1C00, $0x38;
	[tilespmem:$0x14C00] =	vst v63  }
0x2ef: {  	s23 =	sadd.s32 s14, s13  }
0x2f0: {  	[tilespmem:s30], [sflag:$0x1] =	stream.linear.gather [hbm4b:s23+s10], $0x1C00, $0x38;
	[tilespmem:$0x14C00] =	vst v63  }
0x2f1: {  	s13 =	sadd.s32 s15, s13;
	s19 =	simm.s32 $0x9A00  }
0x2f2: {  	[tilespmem:s19], [sflag:$0x1] =	stream.linear.gather [hbm4b:s13+s10], $0x1C00, $0x38;
	[tilespmem:$0x14C00] =	vst v63  }
0x2f3: {  	_ =	swait.ge [sflag:s31], $0x1C00  }
0x2f4: {  	[sflag:s31] =	ssyncset.done $0x0  }
0x2f5: {  	[sflag:s31] =	ssyncadd.s32 $0xFFFFE400  }
0x2f6: {  	_ =	swait.ge [sflag:s31], $0x1C00  }
0x2f7: {  	[sflag:s31] =	ssyncset.done $0x0  }
0x2f8: {  	[sflag:s31] =	ssyncadd.s32 $0xFFFFE400  }
0x2f9: {  	_ =	swait.ge [sflag:s31], $0x1C00  }
0x2fa: {  	s20 =	simm.s32 $0x10A00;
	[sflag:s31] =	ssyncset.done $0x0  }
0x2fb: {  	s21 =	simm.s32 $0x6200;
	s22 =	simm.s32 $0xB600;
	[sflag:s31] =	ssyncadd.s32 $0xFFFFE400  }
0x2fc: {  	[tilespmem:s20], [sflag:$0x2] =	stream.indirect.gather [spmem:s5], $0x1, s21, s2, $0xb8;
	[tilespmem:$0x14C00] =	vst v63  }
0x2fd: {  	s17 =	simm.s32 $0x7E00;
	s23 =	simm.s32 $0xD200;
	s13 =	simm.s32 $0x80  }
0x2fe: {  	[tilespmem:s22], [sflag:$0x2] =	stream.indirect.gather [spmem:s6], $0x1, s17, s2, $0xb8;
	[tilespmem:$0x14C00] =	vst v63  }
0x2ff: {  	s19 =	simm.s32 $0x400;
	s20 =	simm.s32 $0x7E80;
	s21 =	simm.s32 $0xEE00  }
0x300: {  	[tilespmem:s23], [sflag:$0x2] =	stream.indirect.gather [spmem:s7], $0x1, s17, s2, $0xb8;
	[tilespmem:$0x14C00] =	vst v63  }
.LBB2_27:
0x301: {  	[tilespmem:s21], [sflag:$0x2] =	stream.indirect.gather [spmem:s8], $0x1, s17, s2, $0xb8;
	[tilespmem:$0x14C00] =	vst v63  }
0x302: {  	s17 =	smov.u32 s19  }
0x303: {  	s22 =	sshra.s32 s19, $0x2;
	s17 =	smov.u32 s20  }
0x304: {  	s21 =	sadd.s32 $0x6200, s13;
	p1 =	sne.s32 s19, $0x6E00;
	s20 =	sadd.s32 $0x10A00, s13  }
0x305: {  	[tilespmem:s20], [sflag:$0x2] =	stream.indirect.gather [spmem:s5], $0x1, s21, s2, $0xb8;
	[tilespmem:$0x14C00] =	vst v63  }
.Ltmp24:
0x306: {  	s23 =	sadd.s32 $0x200, s19;
	s20 =	sadd.s32 $0xB600, s13;
	(pc) =	sbr.rel @p1 .LBB2_27-.Ltmp24, $4  }
0x307: {  	[tilespmem:s20], [sflag:$0x2] =	stream.indirect.gather [spmem:s6], $0x1, s17, s2, $0xb8;
	[tilespmem:$0x14C00] =	vst v63  }
0x308: {  	s19 =	sadd.s32 $0xD200, s13;
	s21 =	sadd.s32 $0xEE00, s13  }
0x309: {  	[tilespmem:s19], [sflag:$0x2] =	stream.indirect.gather [spmem:s7], $0x1, s17, s2, $0xb8;
	[tilespmem:$0x14C00] =	vst v63  }
0x30a: {  	s13 =	smov.u32 s22;
	s20 =	sadd.s32 $0x7E00, s22;
	s19 =	smov.u32 s23  }
0x30b: {  	[tilespmem:s21], [sflag:$0x2] =	stream.indirect.gather [spmem:s8], $0x1, s17, s2, $0xb8;
	[tilespmem:$0x14C00] =	vst v63  }
0x30c: {  	s23 =	sadd.s32 $0x10A00, s13;
	s19 =	sadd.s32 $0x6200, s13  }
0x30d: {  	[tilespmem:s23], [sflag:$0x2] =	stream.indirect.gather [spmem:s5], $0x1, s19, s2, $0xb8;
	[tilespmem:$0x14C00] =	vst v63  }
0x30e: {  	s21 =	sadd.s32 $0xB600, s13  }
0x30f: {  	[tilespmem:s21], [sflag:$0x2] =	stream.indirect.gather [spmem:s6], $0x1, s20, s2, $0xb8;
	[tilespmem:$0x14C00] =	vst v63  }
0x310: {  	s22 =	sadd.s32 $0xD200, s13  }
0x311: {  	[tilespmem:s22], [sflag:$0x2] =	stream.indirect.gather [spmem:s7], $0x1, s20, s2, $0xb8;
	[tilespmem:$0x14C00] =	vst v63  }
0x312: {  	s23 =	sadd.s32 $0xEE00, s13  }
0x313: {  	[tilespmem:s23], [sflag:$0x2] =	stream.indirect.gather [spmem:s8], $0x1, s20, s2, $0xb8;
	[tilespmem:$0x14C00] =	vst v63  }
0x314: {  	_ =	swait.ge [sflag:s24], $0x80  }
0x315: {  	[sflag:s24] =	ssyncset.done $0x0  }
0x316: {  	[sflag:s24] =	ssyncadd.s32 $0xFFFFFF80  }
0x317: {  	_ =	swait.ge [sflag:s24], $0x80  }
0x318: {  	[sflag:s24] =	ssyncset.done $0x0  }
0x319: {  	[sflag:s24] =	ssyncadd.s32 $0xFFFFFF80  }
0x31a: {  	_ =	swait.ge [sflag:s24], $0x80  }
0x31b: {  	[sflag:s24] =	ssyncset.done $0x0  }
0x31c: {  	[sflag:s24] =	ssyncadd.s32 $0xFFFFFF80  }
0x31d: {  	_ =	swait.ge [sflag:s24], $0x80  }
0x31e: {  	s13 =	simm.s32 $0x37;
	[sflag:s24] =	ssyncset.done $0x0  }
.LBB2_29:
0x31f: {  	p1 =	sne.s32 s13, $0x1;
	s13 =	sadd.s32 $0xFFFFFFFF, s13;
	[sflag:s24] =	ssyncadd.s32 $0xFFFFFF80  }
0x320: {  	_ =	swait.ge [sflag:s24], $0x80  }
0x321: {  	[sflag:s24] =	ssyncset.done $0x0  }
0x322: {  	[sflag:s24] =	ssyncadd.s32 $0xFFFFFF80  }
0x323: {  	_ =	swait.ge [sflag:s24], $0x80  }
0x324: {  	[sflag:s24] =	ssyncset.done $0x0  }
0x325: {  	[sflag:s24] =	ssyncadd.s32 $0xFFFFFF80  }
.Ltmp25:
0x326: {  	_ =	swait.ge [sflag:s24], $0x80;
	(pc) =	sbr.rel @p1 .LBB2_29-.Ltmp25, $4  }
0x327: {  	[sflag:s24] =	ssyncset.done $0x0  }
0x328: {  	[sflag:s24] =	ssyncadd.s32 $0xFFFFFF80  }
0x329: {  	_ =	swait.ge [sflag:s24], $0x80  }
0x32a: {  	[sflag:s24] =	ssyncset.done $0x0  }
0x32b: {  	[sflag:s24] =	ssyncadd.s32 $0xFFFFFF80;
	s13 =	simm.s32 $0x0  }
0x32c: {  	v6 =	vld [tilespmem:s13+$0x9A00]  }
0x32d: {  	v7 =	vld [tilespmem:s13+$0x10A00]  }
0x32e: {  	v8 =	vld [tilespmem:s13+$0x9A10]  }
0x32f: {  	v9 =	vld [tilespmem:s13+$0x10A10]  }
0x330: {  	v10 =	vld [tilespmem:s13+$0x9A20]  }
0x331: {  	v11 =	vld [tilespmem:s13+$0x10A20]  }
0x332: {  	v12 =	vld [tilespmem:s13+$0x9A30]  }
0x333: {  	v13 =	vld [tilespmem:s13+$0x10A30]  }
0x334: {  	v14 =	vld [tilespmem:s13+$0x9A40]  }
0x335: {  	v15 =	vld [tilespmem:s13+$0x10A40]  }
0x336: {  	v16 =	vld [tilespmem:s13+$0x9A50]  }
0x337: {  	v17 =	vld [tilespmem:s13+$0x10A50]  }
0x338: {  	v4 =	vld [tilespmem:s13+$0x9A60]  }
0x339: {  	v5 =	vld [tilespmem:s13+$0x10A60]  }
0x33a: {  	v2 =	vld [tilespmem:s13+$0x9A70]  }
0x33b: {  	v3 =	vld [tilespmem:s13+$0x10A70]  }
0x33c: {  	v18 =	vld [tilespmem:s13+$0xB600]  }
0x33d: {  	v19 =	vld [tilespmem:s13+$0xD200]  }
0x33e: {  	v20 =	vld [tilespmem:s13+$0xEE00]  }
0x33f: {  	v6 =	vmul.f32 v7, v6;
	v7 =	vld [tilespmem:s13+$0xB610]  }
0x340: {  	v21 =	vld [tilespmem:s13+$0xD210]  }
0x341: {  	v22 =	vld [tilespmem:s13+$0xEE10];
	v18 =	vmul.f32 v6, v18  }
0x342: {  	v23 =	vld [tilespmem:s13+$0xB620];
	v8 =	vmul.f32 v9, v8;
	v19 =	vmul.f32 v19, v6  }
0x343: {  	v59 =	vld [tilespmem:s13+$0xD220];
	v6 =	vmul.f32 v20, v6;
	[tilespmem:s13+$0xB600] =	vst v18  }
0x344: {  	v9 =	vld [tilespmem:s13+$0xEE20];
	[tilespmem:s13+$0xD200] =	vst v19;
	v7 =	vmul.f32 v8, v7  }
0x345: {  	v10 =	vmul.f32 v11, v10;
	v60 =	vmul.f32 v21, v8;
	[tilespmem:s13+$0xEE00] =	vst v6;
	v6 =	vld [tilespmem:s13+$0xB630]  }
0x346: {  	v8 =	vmul.f32 v22, v8;
	[tilespmem:s13+$0xB610] =	vst v7;
	v7 =	vld [tilespmem:s13+$0xD230]  }
0x347: {  	v11 =	vld [tilespmem:s13+$0xEE30];
	v61 =	vmul.f32 v10, v23;
	[tilespmem:s13+$0xD210] =	vst v60  }
0x348: {  	v12 =	vmul.f32 v13, v12;
	v18 =	vmul.f32 v59, v10;
	[tilespmem:s13+$0xEE10] =	vst v8;
	v8 =	vld [tilespmem:s13+$0xB640]  }
0x349: {  	v62 =	vld [tilespmem:s13+$0xD240];
	[tilespmem:s13+$0xB620] =	vst v61;
	v9 =	vmul.f32 v9, v10  }
0x34a: {  	v10 =	vld [tilespmem:s13+$0xEE40];
	[tilespmem:s13+$0xD220] =	vst v18;
	v6 =	vmul.f32 v12, v6  }
0x34b: {  	v63 =	vld [tilespmem:s13+$0xB650];
	v13 =	vmul.f32 v15, v14;
	[tilespmem:s13+$0xEE20] =	vst v9;
	v9 =	vmul.f32 v7, v12  }
0x34c: {  	v11 =	vmul.f32 v11, v12;
	[tilespmem:s13+$0xB630] =	vst v6;
	v7 =	vld [tilespmem:s13+$0xD250]  }
0x34d: {  	v6 =	vld [tilespmem:s13+$0xEE50];
	[tilespmem:s13+$0xD230] =	vst v9;
	v9 =	vmul.f32 v13, v8  }
0x34e: {  	[tilespmem:s13+$0xEE30] =	vst v11;
	v11 =	vmul.f32 v17, v16;
	v12 =	vmul.f32 v62, v13;
	v8 =	vld [tilespmem:s13+$0xB660]  }
0x34f: {  	v13 =	vmul.f32 v10, v13;
	[tilespmem:s13+$0xB640] =	vst v9;
	v9 =	vld [tilespmem:s13+$0xD260]  }
0x350: {  	s19 =	simm.s32 $0x200;
	s17 =	simm.s32 $0x0;
	[tilespmem:s13+$0xD240] =	vst v12;
	v12 =	vmul.f32 v11, v63;
	v10 =	vld [tilespmem:s13+$0xEE60]  }
.LBB2_31:
0x351: {  	p1 =	sne.s32 s19, $0x6E00;
	[tilespmem:s17+$0xEE40] =	vst v13;
	v7 =	vmul.f32 v7, v11;
	v4 =	vmul.f32 v5, v4;
	v5 =	vld [tilespmem:s17+$0xB670]  }
0x352: {  	[tilespmem:s17+$0xB650] =	vst v12;
	v6 =	vmul.f32 v6, v11;
	v11 =	vld [tilespmem:s17+$0xD270]  }
0x353: {  	s20 =	sshra.s32 s19, $0x2;
	[tilespmem:s17+$0xD250] =	vst v7;
	v7 =	vmul.f32 v4, v8;
	v8 =	vld [tilespmem:s17+$0xEE70]  }
0x354: {  	v2 =	vmul.f32 v3, v2;
	v12 =	vld [tilespmem:s20+$0x9A00];
	[tilespmem:s17+$0xEE50] =	vst v6;
	v6 =	vmul.f32 v9, v4  }
0x355: {  	v9 =	vld [tilespmem:s20+$0x10A00];
	[tilespmem:s17+$0xB660] =	vst v7;
	v3 =	vmul.f32 v10, v4  }
0x356: {  	v7 =	vld [tilespmem:s20+$0x9A10];
	[tilespmem:s17+$0xD260] =	vst v6;
	v4 =	vmul.f32 v2, v5  }
0x357: {  	v6 =	vld [tilespmem:s20+$0x10A10];
	[tilespmem:s17+$0xEE60] =	vst v3;
	v3 =	vmul.f32 v11, v2  }
0x358: {  	v10 =	vld [tilespmem:s20+$0x9A20];
	[tilespmem:s17+$0xB670] =	vst v4;
	v2 =	vmul.f32 v8, v2  }
0x359: {  	v8 =	vld [tilespmem:s20+$0x10A20];
	[tilespmem:s17+$0xD270] =	vst v3  }
0x35a: {  	v11 =	vld [tilespmem:s20+$0x9A30];
	[tilespmem:s17+$0xEE70] =	vst v2;
	s17 =	smov.u32 s20  }
0x35b: {  	v13 =	vld [tilespmem:s17+$0x10A30]  }
0x35c: {  	v14 =	vld [tilespmem:s17+$0x9A40]  }
0x35d: {  	v15 =	vld [tilespmem:s17+$0x10A40]  }
0x35e: {  	v16 =	vld [tilespmem:s17+$0x9A50]  }
0x35f: {  	v17 =	vld [tilespmem:s17+$0x10A50]  }
0x360: {  	v4 =	vld [tilespmem:s17+$0x9A60]  }
0x361: {  	v5 =	vld [tilespmem:s17+$0x10A60]  }
0x362: {  	v2 =	vld [tilespmem:s17+$0x9A70]  }
0x363: {  	v3 =	vld [tilespmem:s17+$0x10A70]  }
0x364: {  	v18 =	vld [tilespmem:s17+$0xB600]  }
0x365: {  	v19 =	vld [tilespmem:s17+$0xD200]  }
0x366: {  	v20 =	vld [tilespmem:s17+$0xEE00]  }
0x367: {  	v9 =	vmul.f32 v9, v12;
	v12 =	vld [tilespmem:s17+$0xB610]  }
0x368: {  	v21 =	vld [tilespmem:s17+$0xD210]  }
0x369: {  	v18 =	vmul.f32 v9, v18;
	v22 =	vld [tilespmem:s17+$0xEE10]  }
0x36a: {  	v6 =	vmul.f32 v6, v7;
	v19 =	vmul.f32 v19, v9;
	v7 =	vld [tilespmem:s17+$0xB620]  }
0x36b: {  	[tilespmem:s17+$0xB600] =	vst v18;
	v9 =	vmul.f32 v20, v9;
	v18 =	vld [tilespmem:s17+$0xD220]  }
0x36c: {  	[tilespmem:s17+$0xD200] =	vst v19;
	v12 =	vmul.f32 v6, v12;
	v19 =	vld [tilespmem:s17+$0xEE20]  }
0x36d: {  	v8 =	vmul.f32 v8, v10;
	[tilespmem:s17+$0xEE00] =	vst v9;
	v9 =	vmul.f32 v21, v6;
	v10 =	vld [tilespmem:s17+$0xB630]  }
0x36e: {  	[tilespmem:s17+$0xB610] =	vst v12;
	v6 =	vmul.f32 v22, v6;
	v12 =	vld [tilespmem:s17+$0xD230]  }
0x36f: {  	[tilespmem:s17+$0xD210] =	vst v9;
	v7 =	vmul.f32 v8, v7;
	v9 =	vld [tilespmem:s17+$0xEE30]  }
0x370: {  	v11 =	vmul.f32 v13, v11;
	[tilespmem:s17+$0xEE10] =	vst v6;
	v6 =	vmul.f32 v18, v8;
	v13 =	vld [tilespmem:s17+$0xB640]  }
0x371: {  	[tilespmem:s17+$0xB620] =	vst v7;
	v7 =	vmul.f32 v19, v8;
	v8 =	vld [tilespmem:s17+$0xD240]  }
0x372: {  	[tilespmem:s17+$0xD220] =	vst v6;
	v6 =	vmul.f32 v11, v10;
	v10 =	vld [tilespmem:s17+$0xEE40]  }
0x373: {  	v14 =	vmul.f32 v15, v14;
	[tilespmem:s17+$0xEE20] =	vst v7;
	v12 =	vmul.f32 v12, v11;
	v15 =	vld [tilespmem:s17+$0xB650]  }
.Ltmp26:
0x374: {  	[tilespmem:s17+$0xB630] =	vst v6;
	v9 =	vmul.f32 v9, v11;
	v7 =	vld [tilespmem:s17+$0xD250];
	(pc) =	sbr.rel @p1 .LBB2_31-.Ltmp26, $4  }
0x375: {  	[tilespmem:s17+$0xD230] =	vst v12;
	v12 =	vmul.f32 v14, v13;
	v6 =	vld [tilespmem:s17+$0xEE50]  }
0x376: {  	v11 =	vmul.f32 v17, v16;
	[tilespmem:s17+$0xEE30] =	vst v9;
	v18 =	vmul.f32 v8, v14;
	v8 =	vld [tilespmem:s17+$0xB660]  }
0x377: {  	[tilespmem:s17+$0xB640] =	vst v12;
	v13 =	vmul.f32 v10, v14;
	v9 =	vld [tilespmem:s17+$0xD260]  }
0x378: {  	s19 =	sadd.s32 $0x200, s19;
	[tilespmem:s17+$0xD240] =	vst v18;
	v12 =	vmul.f32 v11, v15;
	v10 =	vld [tilespmem:s17+$0xEE60]  }
0x379: {  	[tilespmem:s17+$0xEE40] =	vst v13;
	v58 =	vld [tilespmem:s17+$0xB670];
	v7 =	vmul.f32 v7, v11;
	v4 =	vmul.f32 v5, v4  }
0x37a: {  	v59 =	vld [tilespmem:s17+$0xD270];
	[tilespmem:s17+$0xB650] =	vst v12;
	v6 =	vmul.f32 v6, v11  }
0x37b: {  	v61 =	vld [tilespmem:s17+$0xEE70];
	[tilespmem:s17+$0xD250] =	vst v7;
	v60 =	vmul.f32 v4, v8  }
0x37c: {  	v2 =	vmul.f32 v3, v2;
	[tilespmem:s17+$0xEE50] =	vst v6;
	v62 =	vmul.f32 v9, v4  }
0x37d: {  	[tilespmem:s17+$0xB660] =	vst v60;
	v3 =	vmul.f32 v10, v4  }
0x37e: {  	[tilespmem:s17+$0xD260] =	vst v62;
	v63 =	vmul.f32 v2, v58  }
0x37f: {  	[tilespmem:s17+$0xEE60] =	vst v3;
	v3 =	vmul.f32 v59, v2  }
0x380: {  	v2 =	vmul.f32 v61, v2;
	[tilespmem:s17+$0xB670] =	vst v63  }
0x381: {  	[tilespmem:s17+$0xD270] =	vst v3  }
0x382: {  	s19 =	simm.s32 $0xB600;
	[tilespmem:s17+$0xEE70] =	vst v2;
	s17 =	simm.s32 $0x6200  }
0x383: {  	[spmem:s1] =	stream.indirect.scatter.add.f32 [tilespmem:s19], [sflag:$0x3], $0x1, s17, s2, $0xb8;
	[tilespmem:$0x14C00] =	vst v63  }
0x384: {  	s19 =	simm.s32 $0x200  }
.LBB2_33:
0x385: {  	s20 =	sshra.s32 s19, $0x2;
	s21 =	sadd.s32 $0xD200, s13;
	p1 =	sne.s32 s19, $0x6E00  }
0x386: {  	[spmem:s3] =	stream.indirect.scatter.add.f32 [tilespmem:s21], [sflag:$0x3], $0x1, s17, s2, $0xb8;
	[tilespmem:$0x14C00] =	vst v63  }
.Ltmp27:
0x387: {  	_ = 	snop;
	(pc) =	sbr.rel @p1 .LBB2_33-.Ltmp27, $4  }
0x388: {  	s22 =	sadd.s32 $0xEE00, s13;
	s21 =	sadd.s32 $0xB600, s20;
	s13 =	smov.u32 s20  }
0x389: {  	[spmem:s4] =	stream.indirect.scatter.add.f32 [tilespmem:s22], [sflag:$0x3], $0x1, s17, s2, $0xb8;
	[tilespmem:$0x14C00] =	vst v63  }
0x38a: {  	s19 =	sadd.s32 $0x200, s19;
	s17 =	sadd.s32 $0x6200, s13  }
0x38b: {  	[spmem:s1] =	stream.indirect.scatter.add.f32 [tilespmem:s21], [sflag:$0x3], $0x1, s17, s2, $0xb8;
	[tilespmem:$0x14C00] =	vst v63  }
0x38c: {  	s19 =	sadd.s32 $0xD200, s13  }
0x38d: {  	[spmem:s3] =	stream.indirect.scatter.add.f32 [tilespmem:s19], [sflag:$0x3], $0x1, s17, s2, $0xb8;
	[tilespmem:$0x14C00] =	vst v63  }
0x38e: {  	s23 =	sadd.s32 $0xEE00, s13  }
0x38f: {  	[spmem:s4] =	stream.indirect.scatter.add.f32 [tilespmem:s23], [sflag:$0x3], $0x1, s17, s2, $0xb8;
	[tilespmem:$0x14C00] =	vst v63  }
0x390: {  	_ =	swait.ge [sflag:s18], $0x80  }
0x391: {  	[sflag:s18] =	ssyncset.done $0x0  }
0x392: {  	[sflag:s18] =	ssyncadd.s32 $0xFFFFFF80  }
0x393: {  	_ =	swait.ge [sflag:s18], $0x80  }
0x394: {  	[sflag:s18] =	ssyncset.done $0x0  }
0x395: {  	[sflag:s18] =	ssyncadd.s32 $0xFFFFFF80  }
0x396: {  	_ =	swait.ge [sflag:s18], $0x80  }
0x397: {  	s13 =	simm.s32 $0x37;
	[sflag:s18] =	ssyncset.done $0x0  }
.LBB2_35:
0x398: {  	p1 =	sne.s32 s13, $0x1;
	s13 =	sadd.s32 $0xFFFFFFFF, s13;
	[sflag:s18] =	ssyncadd.s32 $0xFFFFFF80  }
0x399: {  	_ =	swait.ge [sflag:s18], $0x80  }
0x39a: {  	[sflag:s18] =	ssyncset.done $0x0  }
0x39b: {  	[sflag:s18] =	ssyncadd.s32 $0xFFFFFF80  }
.Ltmp28:
0x39c: {  	_ =	swait.ge [sflag:s18], $0x80;
	(pc) =	sbr.rel @p1 .LBB2_35-.Ltmp28, $4  }
0x39d: {  	[sflag:s18] =	ssyncset.done $0x0  }
0x39e: {  	[sflag:s18] =	ssyncadd.s32 $0xFFFFFF80  }
0x39f: {  	_ =	swait.ge [sflag:s18], $0x80  }
0x3a0: {  	[sflag:s18] =	ssyncset.done $0x0  }
0x3a1: {  	s11 =	sadd.s32 $0x1, s11  }
0x3a2: {  	p1 =	seq.s32 s11, $0x7  }
.Ltmp29:
0x3a3: {  	_ = 	snop;
	(pc) =	sbr.rel @!p1 .LBB2_26-.Ltmp29, $2  }
0x3a4: {  	_ =	sdelay $0x2  }
0x3a5: {  	[sflag:s18] =	ssyncadd.s32 $0xFFFFFF80  }
0x3a6: {  	[bflag:$0x0] =	sbarrier.arrive $0xFFFF;
	s10 =	simm.s32 $0x13F00  }
0x3a7: {  	[tilespmem:s10], [sflag:$0x4] =	stream.linear.gather [spmem:s26], $0xC40, $0x38;
	[tilespmem:$0x14C00] =	vst v63  }
0x3a8: {  	_ =	swait.ge [sflag:s29], $0xC40  }
0x3a9: {  	[sflag:s29] =	ssyncset.done $0x0  }
0x3aa: {  	s17 =	rddreg [dreg:$0x10];
	[sflag:s29] =	ssyncadd.s32 $0xFFFFF3C0  }
0x3ab: {  	[tilespmem:s28], [sflag:$0x4] =	stream.linear.gather [spmem:s17], $0xC40, $0x38;
	[tilespmem:$0x14C00] =	vst v63  }
0x3ac: {  	_ =	swait.ge [sflag:s29], $0xC40  }
0x3ad: {  	[sflag:s29] =	ssyncset.done $0x0  }
0x3ae: {  	s19 =	simm.s32 $0x13280;
	s26 =	rddreg [dreg:$0x14];
	[sflag:s29] =	ssyncadd.s32 $0xFFFFF3C0  }
0x3af: {  	[tilespmem:s19], [sflag:$0x4] =	stream.linear.gather [spmem:s26], $0xC40, $0x38;
	[tilespmem:$0x14C00] =	vst v63  }
0x3b0: {  	_ =	swait.ge [sflag:s29], $0xC40  }
0x3b1: {  	[sflag:s29] =	ssyncset.done $0x0  }
0x3b2: {  	s10 =	simm.s32 $0x0;
	[sflag:s29] =	ssyncadd.s32 $0xFFFFF3C0  }
0x3b3: {  	v2 =	vld [tilespmem:s10+$0x13F00]  }
0x3b4: {  	v3 =	vld [tilespmem:s10+$0x13280];
	_ =	sdelay $0x1  }
0x3b5: {  	v4 =	vld [tilespmem:s10+$0x12600];
	_ =	sdelay $0x2  }
0x3b6: {  	v3 =	vmul.f32 v3, v2  }
0x3b7: {  	s11 =	simm.s32 $0x10  }
0x3b8: {  	s13 =	simm.s32 $0x80;
	v2 =	vld [tilespmem:s11+$0x13F00];
	v3 =	vadd.f32 v3, v4  }
.LBB2_38:
0x3b9: {  	p1 =	sne.s32 s13, $0x30C0;
	v4 =	vld [tilespmem:s11+$0x13280]  }
0x3ba: {  	[tilespmem:s10+$0x12600] =	vst v3;
	s10 =	smov.u32 s11  }
0x3bb: {  	v3 =	vld [tilespmem:s10+$0x12600]  }
.Ltmp30:
0x3bc: {  	(pc) =	sbr.rel @p1 .LBB2_38-.Ltmp30, $4  }
0x3bd: {  	_ = 	snop  }
0x3be: {  	v4 =	vmul.f32 v4, v2  }
0x3bf: {  	s11 =	sshra.s32 s13, $0x2  }
0x3c0: {  	s13 =	sadd.s32 $0x40, s13;
	v2 =	vld [tilespmem:s11+$0x13F00];
	v3 =	vadd.f32 v4, v3  }
0x3c1: {  	v4 =	vld [tilespmem:s11+$0x13280]  }
0x3c2: {  	[tilespmem:s10+$0x12600] =	vst v3  }
0x3c3: {  	v3 =	vld [tilespmem:s11+$0x12600];
	_ =	sdelay $0x2  }
0x3c4: {  	v2 =	vmul.f32 v4, v2;
	_ =	sdelay $0x1  }
0x3c5: {  	v2 =	vadd.f32 v2, v3;
	_ =	sdelay $0x1  }
0x3c6: {  	s22 =	simm.s32 $0x0;
	s23 =	rddreg [dreg:$0x1a];
	[tilespmem:s11+$0x12600] =	vst v2  }
0x3c7: {  	[hbm4b:s23+s22] =	stream.linear.scatter [tilespmem:s28], [sflag:$0x4], $0xC40, $0x38;
	[tilespmem:$0x14C00] =	vst v63  }
0x3c8: {  	_ =	swait.ge [sflag:s29], $0xC40  }
0x3c9: {  	[sflag:s29] =	ssyncset.done $0x0  }
0x3ca: {  	s25 =	rddreg [dreg:$0x11];
	[sflag:s29] =	ssyncadd.s32 $0xFFFFF3C0  }
0x3cb: {  	[tilespmem:s28], [sflag:$0x4] =	stream.linear.gather [spmem:s25], $0xC40, $0x38;
	[tilespmem:$0x14C00] =	vst v63  }
0x3cc: {  	_ =	swait.ge [sflag:s29], $0xC40  }
0x3cd: {  	[sflag:s29] =	ssyncset.done $0x0  }
0x3ce: {  	s26 =	rddreg [dreg:$0x15];
	[sflag:s29] =	ssyncadd.s32 $0xFFFFF3C0  }
0x3cf: {  	[tilespmem:s19], [sflag:$0x4] =	stream.linear.gather [spmem:s26], $0xC40, $0x38;
	[tilespmem:$0x14C00] =	vst v63  }
0x3d0: {  	_ =	swait.ge [sflag:s29], $0xC40  }
0x3d1: {  	[sflag:s29] =	ssyncset.done $0x0  }
0x3d2: {  	s10 =	simm.s32 $0x0;
	[sflag:s29] =	ssyncadd.s32 $0xFFFFF3C0  }
0x3d3: {  	v2 =	vld [tilespmem:s10+$0x13F00]  }
0x3d4: {  	v3 =	vld [tilespmem:s10+$0x13280];
	_ =	sdelay $0x1  }
0x3d5: {  	v4 =	vld [tilespmem:s10+$0x12600];
	_ =	sdelay $0x2  }
0x3d6: {  	v3 =	vmul.f32 v3, v2  }
0x3d7: {  	s11 =	simm.s32 $0x10  }
0x3d8: {  	s13 =	simm.s32 $0x80;
	s20 =	rddreg [dreg:$0xf];
	v2 =	vld [tilespmem:s11+$0x13F00];
	v3 =	vadd.f32 v3, v4  }
.LBB2_40:
0x3d9: {  	p1 =	sne.s32 s13, $0x30C0;
	v4 =	vld [tilespmem:s11+$0x13280]  }
0x3da: {  	[tilespmem:s10+$0x12600] =	vst v3;
	s10 =	smov.u32 s11  }
0x3db: {  	v3 =	vld [tilespmem:s10+$0x12600]  }
.Ltmp31:
0x3dc: {  	(pc) =	sbr.rel @p1 .LBB2_40-.Ltmp31, $4  }
0x3dd: {  	_ = 	snop  }
0x3de: {  	v4 =	vmul.f32 v4, v2  }
0x3df: {  	s11 =	sshra.s32 s13, $0x2  }
0x3e0: {  	s13 =	sadd.s32 $0x40, s13;
	v2 =	vld [tilespmem:s11+$0x13F00];
	v3 =	vadd.f32 v4, v3  }
0x3e1: {  	v4 =	vld [tilespmem:s11+$0x13280]  }
0x3e2: {  	[tilespmem:s10+$0x12600] =	vst v3  }
0x3e3: {  	v3 =	vld [tilespmem:s11+$0x12600];
	_ =	sdelay $0x2  }
0x3e4: {  	v2 =	vmul.f32 v4, v2;
	_ =	sdelay $0x1  }
0x3e5: {  	v2 =	vadd.f32 v2, v3;
	_ =	sdelay $0x1  }
0x3e6: {  	s22 =	simm.s32 $0x0;
	s23 =	rddreg [dreg:$0x1b];
	[tilespmem:s11+$0x12600] =	vst v2  }
0x3e7: {  	[hbm4b:s23+s22] =	stream.linear.scatter [tilespmem:s28], [sflag:$0x4], $0xC40, $0x38;
	[tilespmem:$0x14C00] =	vst v63  }
0x3e8: {  	_ =	swait.ge [sflag:s29], $0xC40  }
0x3e9: {  	[sflag:s29] =	ssyncset.done $0x0  }
0x3ea: {  	s25 =	rddreg [dreg:$0x12];
	[sflag:s29] =	ssyncadd.s32 $0xFFFFF3C0  }
0x3eb: {  	[tilespmem:s28], [sflag:$0x4] =	stream.linear.gather [spmem:s25], $0xC40, $0x38;
	[tilespmem:$0x14C00] =	vst v63  }
0x3ec: {  	_ =	swait.ge [sflag:s29], $0xC40  }
0x3ed: {  	[sflag:s29] =	ssyncset.done $0x0  }
0x3ee: {  	s26 =	rddreg [dreg:$0x16];
	[sflag:s29] =	ssyncadd.s32 $0xFFFFF3C0  }
0x3ef: {  	[tilespmem:s19], [sflag:$0x4] =	stream.linear.gather [spmem:s26], $0xC40, $0x38;
	[tilespmem:$0x14C00] =	vst v63  }
0x3f0: {  	_ =	swait.ge [sflag:s29], $0xC40  }
0x3f1: {  	[sflag:s29] =	ssyncset.done $0x0  }
0x3f2: {  	s10 =	simm.s32 $0x0;
	[sflag:s29] =	ssyncadd.s32 $0xFFFFF3C0  }
0x3f3: {  	v2 =	vld [tilespmem:s10+$0x13F00]  }
0x3f4: {  	v3 =	vld [tilespmem:s10+$0x13280];
	_ =	sdelay $0x1  }
0x3f5: {  	v4 =	vld [tilespmem:s10+$0x12600];
	_ =	sdelay $0x2  }
0x3f6: {  	v3 =	vmul.f32 v3, v2  }
0x3f7: {  	s11 =	simm.s32 $0x10  }
0x3f8: {  	s13 =	simm.s32 $0x80;
	v2 =	vld [tilespmem:s11+$0x13F00];
	v3 =	vadd.f32 v3, v4  }
.LBB2_42:
0x3f9: {  	p1 =	sne.s32 s13, $0x30C0;
	v4 =	vld [tilespmem:s11+$0x13280]  }
0x3fa: {  	[tilespmem:s10+$0x12600] =	vst v3;
	s10 =	smov.u32 s11  }
0x3fb: {  	v3 =	vld [tilespmem:s10+$0x12600]  }
.Ltmp32:
0x3fc: {  	(pc) =	sbr.rel @p1 .LBB2_42-.Ltmp32, $4  }
0x3fd: {  	_ = 	snop  }
0x3fe: {  	v4 =	vmul.f32 v4, v2  }
0x3ff: {  	s11 =	sshra.s32 s13, $0x2  }
0x400: {  	s13 =	sadd.s32 $0x40, s13;
	v2 =	vld [tilespmem:s11+$0x13F00];
	v3 =	vadd.f32 v4, v3  }
0x401: {  	v4 =	vld [tilespmem:s11+$0x13280]  }
0x402: {  	[tilespmem:s10+$0x12600] =	vst v3  }
0x403: {  	v3 =	vld [tilespmem:s11+$0x12600];
	_ =	sdelay $0x2  }
.Ltmp33:
0x404: {  	v2 =	vmul.f32 v4, v2;
	(pc) =	sbr.rel .LBB2_57-.Ltmp33, $4  }
0x405: {  	_ = 	snop  }
0x406: {  	v2 =	vadd.f32 v2, v3  }
0x407: {  	s19 =	rddreg [dreg:$0x1d]  }
0x408: {  	s10 =	simm.s32 $0x12600;
	[tilespmem:s11+$0x12600] =	vst v2;
	s11 =	rddreg [dreg:$0xe]  }
.LBB2_58:
0x409: {  	_ =	sfence.sel $0x180000  }
0x40a: {  	[bflag:$0x0] =	sbarrier.arrive $0xFFFF  }
0x40b: {  	_ =	strace $0x90000047  }
0x40c: {  	s0 =	stileid.u32;
	[bflag:$0x2] =	sbarrier.arrive $0xFFFF  }
0x40d: {  	p0 =	sne.s32 s0, $0x0;
	s0 =	rddreg [dreg:$0x9]  }
0x40e: {  	s0 =	sadd.s32 @!p0 $0x100000, s0  }
0x40f: {  	[sflag:s0] =	ssyncadd.tile.s32 @!p0 $0x1;
	_ =	shalt  }
.Lfunc_end2:
_tile_overlayer_lowered:
.L_overlay_start_2:
0x410: {  	(tag) =	ssettag $0x2  }
0x411: {  	s0 =	rddreg [dreg:$0x0];
	s2 =	stileid.u32  }
0x412: {  	s1 =	rddreg [dreg:$0x1];
	p0 =	sne.s32 s2, $0x0  }
0x413: {  	s3 =	rddreg [dreg:$0x2];
	[bflag:$0x3] =	sbarrier.arrive $0xFFFF;
	s2 =	simm.s32 @!p0 $0x1C04  }
0x414: {  	[timem:s3], [sflag:s2] =	dma.local @!p0 [hbm:s0], s1  }
0x415: {  	s0 =	simm.s32 @!p0 $0x4  }
0x416: {  	_ =	swait.ge @!p0 [sflag:s0], s1  }
0x417: {  	s1 =	ssub.s32 @!p0 $0x0, s1;
	[sflag:s0] =	ssyncset.done @!p0 $0x0  }
0x418: {  	[sflag:s0] =	ssyncadd.s32 @!p0 s1  }
0x419: {  	[bflag:$0x3] =	sbarrier.arrive $0xFFFF  }
0x41a: {  	_ =	shalt  }

// kernel: kernel.7.cloned.1.call-start
scs
__scs_entry_jumppad:
0x0: {  	(pc) =	sbr.rel $0x88, $3  }
0x1: {  	(tag) =	ssettag $0x0;
	lr =	simm.s32 $0x1  }
0x2: {  	[smem:$0x3F95] =	sst lr;
	_ =	strace $0xD0000000  }
0x3: {  	_ = 	snop  }
0x4: {  	_ = 	snop  }
0x5: {  	_ = 	snop  }
0x6: {  	_ = 	snop  }
0x7: {  	_ = 	snop  }
__scs_overlays_trampoline_lowered:
0x8: {  	[smem:$0x3FA4] =	sst s0  }
0x9: {  	[smem:$0x3FA5] =	sst s1  }
0xa: {  	[smem:$0x3FA6] =	sst s2  }
0xb: {  	[smem:$0x3FA7] =	sst s3  }
0xc: {  	[smem:$0x3FA8] =	sst s4  }
0xd: {  	[smem:$0x3FA9] =	sst s5  }
0xe: {  	[smem:$0x3FAA] =	sst s6  }
0xf: {  	[smem:$0x3FAB] =	sst s7  }
0x10: {  	[smem:$0x3FAC] =	sst s8  }
0x11: {  	[smem:$0x3FAD] =	sst s9;
	s0 =	simm.s32 @!p0 $0x0  }
0x12: {  	s1 =	sld [smem:$0x3F93];
	s0 =	simm.s32 @p0 $0x1  }
0x13: {  	[smem:$0x3FAE] =	sst s0;
	s0 =	simm.s32 @!p1 $0x0  }
0x14: {  	s2 =	sld [smem:$0x3F92];
	s0 =	simm.s32 @p1 $0x1  }
0x15: {  	[smem:$0x3FAF] =	sst s0;
	s0 =	simm.s32 @!p2 $0x0  }
0x16: {  	s3 =	sld [smem:$0x3FDB];
	s0 =	simm.s32 @p2 $0x1  }
0x17: {  	s4 =	simm.s32 $0x1BF5;
	[smem:$0x3FB1] =	sst s0  }
0x18: {  	s0 =	sld [smem:$0x3F94];
	_ =	swait.ge [sflag:s4], $0x0  }
0x19: {  	s7 =	sld [smem:$0x3F95]  }
0x1a: {  	s8 =	sadd.s32 $0xFFFFE003, lr  }
0x1b: {  	s9 =	sadd.s32 $0xFFFFFEF7, lr;
	s5 =	simm.s32 $0xFFFFFFFF;
	p2 =	slt.u32 s8, $0xFFFFF086  }
0x1c: {  	p1 =	slt.u32 s9, $0xF7A;
	s5 =	simm.s32 @!p2 $0x0  }
0x1d: {  	s5 =	simm.s32 @p1 $0x1;
	p0 =	seq.s32 s7, s2  }
0x1e: {  	s7 =	smul.u32 @!p0 $0xF7A, s2;
	p2 =	seq.s32 @!p0 s5, $0x0  }
0x1f: {  	s9 =	smul.u32 $0xF7A, s1;
	s8 =	simm.s32 @!p0 $0x1BF5;
	p2 =	por !p2, p0  }
0x20: {  	[sflag:s8] =	ssyncset.s32 @!p0 $0xFFFFF086;
	s6 =	sadd.s32 @!p0 s3, s7;
	s7 =	simm.s32 @!p0 $0x108  }
0x21: {  	s3 =	sadd.s32 s3, s9;
	s6 =	sadd.s32 @!p0 $0x88, s6;
	s7 =	simm.s32 @p2 $0x1082  }
0x22: {  	[simem:s7], [sflag:s8] =	dma.local @!p0 [hbm:s6], $0xF7A  }
0x23: {  	s9 =	sor.u32 $0xD0000000, s2;
	s6 =	simm.s32 $0x108;
	_ =	swait.ge @!p0 [sflag:s8], $0x0  }
0x24: {  	s3 =	sadd.s32 $0x88, s3;
	s6 =	simm.s32 @!p1 $0x1082;
	[sflag:s4] =	ssyncset.s32 $0xFFFFF086  }
0x25: {  	[simem:s6], [sflag:s4] =	dma.local [hbm:s3], $0xF7A  }
0x26: {  	[smem:$0x3F95] =	sst s1;
	(tag) =	ssettag s2;
	_ =	strace s9  }
0x27: {  	s1 =	sld [smem:$0x3FA5]  }
0x28: {  	s2 =	sld [smem:$0x3FA6]  }
0x29: {  	s4 =	sld [smem:$0x3FA8]  }
0x2a: {  	p0 =	seq.s32 s5, $0x0;
	s5 =	sld [smem:$0x3FA9]  }
0x2b: {  	s6 =	sld [smem:$0x3FAA]  }
0x2c: {  	s7 =	sld [smem:$0x3FAB]  }
0x2d: {  	s3 =	simm.s32 $0x108;
	s8 =	sld [smem:$0x3FAC]  }
0x2e: {  	s3 =	simm.s32 @!p0 $0x1082;
	s9 =	sld [smem:$0x3FAD]  }
0x2f: {  	lr =	sadd.s32 s0, s3;
	s0 =	sld [smem:$0x3FA4]  }
0x30: {  	s3 =	sld [smem:$0x3FA7]  }
0x31: {  	[smem:$0x3FB0] =	sst s10  }
0x32: {  	s10 =	sld [smem:$0x3FAE];
	_ =	sdelay $0x3  }
0x33: {  	p0 =	seq.s32 s10, $0x1;
	s10 =	sld [smem:$0x3FB0];
	_ =	sdelay $0x3  }
0x34: {  	[smem:$0x3FB0] =	sst s10  }
0x35: {  	s10 =	sld [smem:$0x3FAF];
	_ =	sdelay $0x3  }
0x36: {  	p1 =	seq.s32 s10, $0x1;
	s10 =	sld [smem:$0x3FB0];
	_ =	sdelay $0x3  }
0x37: {  	[smem:$0x3FB0] =	sst s10  }
0x38: {  	s10 =	sld [smem:$0x3FB1]  }
0x39: {  	_ = 	snop;
	(pc) =	sbr.ind lr, $3  }
0x3a: {  	_ = 	snop  }
0x3b: {  	_ = 	snop  }
0x3c: {  	p2 =	seq.s32 s10, $0x1;
	s10 =	sld [smem:$0x3FB0]  }
0x3d: {  	_ =	shalt  }
0x3e: {  	_ =	shalt  }
0x3f: {  	_ =	shalt  }
0x40: {  	_ =	shalt  }
0x41: {  	_ =	shalt  }
0x42: {  	_ =	shalt  }
0x43: {  	_ =	shalt  }
0x44: {  	_ =	shalt  }
0x45: {  	_ =	shalt  }
0x46: {  	_ =	shalt  }
0x47: {  	_ =	shalt  }
0x48: {  	_ =	shalt  }
0x49: {  	_ =	shalt  }
0x4a: {  	_ =	shalt  }
0x4b: {  	_ =	shalt  }
0x4c: {  	_ =	shalt  }
0x4d: {  	_ =	shalt  }
0x4e: {  	_ =	shalt  }
0x4f: {  	_ =	shalt  }
0x50: {  	_ =	shalt  }
0x51: {  	_ =	shalt  }
0x52: {  	_ =	shalt  }
0x53: {  	_ =	shalt  }
0x54: {  	_ =	shalt  }
0x55: {  	_ =	shalt  }
0x56: {  	_ =	shalt  }
0x57: {  	_ =	shalt  }
0x58: {  	_ =	shalt  }
0x59: {  	_ =	shalt  }
0x5a: {  	_ =	shalt  }
0x5b: {  	_ =	shalt  }
0x5c: {  	_ =	shalt  }
0x5d: {  	_ =	shalt  }
0x5e: {  	_ =	shalt  }
0x5f: {  	_ =	shalt  }
0x60: {  	_ =	shalt  }
0x61: {  	_ =	shalt  }
0x62: {  	_ =	shalt  }
0x63: {  	_ =	shalt  }
0x64: {  	_ =	shalt  }
0x65: {  	_ =	shalt  }
0x66: {  	_ =	shalt  }
0x67: {  	_ =	shalt  }
0x68: {  	_ =	shalt  }
0x69: {  	_ =	shalt  }
0x6a: {  	_ =	shalt  }
0x6b: {  	_ =	shalt  }
0x6c: {  	_ =	shalt  }
0x6d: {  	_ =	shalt  }
0x6e: {  	_ =	shalt  }
0x6f: {  	_ =	shalt  }
0x70: {  	_ =	shalt  }
0x71: {  	_ =	shalt  }
0x72: {  	_ =	shalt  }
0x73: {  	_ =	shalt  }
0x74: {  	_ =	shalt  }
0x75: {  	_ =	shalt  }
0x76: {  	_ =	shalt  }
0x77: {  	_ =	shalt  }
0x78: {  	_ =	shalt  }
0x79: {  	_ =	shalt  }
0x7a: {  	_ =	shalt  }
0x7b: {  	_ =	shalt  }
0x7c: {  	_ =	shalt  }
0x7d: {  	_ =	shalt  }
0x7e: {  	_ =	shalt  }
0x7f: {  	_ =	shalt  }
0x80: {  	_ =	shalt  }
0x81: {  	_ =	shalt  }
0x82: {  	_ =	shalt  }
0x83: {  	_ =	shalt  }
0x84: {  	_ =	shalt  }
0x85: {  	_ =	shalt  }
0x86: {  	_ =	shalt  }
0x87: {  	_ =	shalt  }
.Lfunc_end0:
.L_simem_size_0:
called_computation.1_lowered:
.L_overlay_start_0:
0x88: {  	s2 =	sld [smem:$0x3FD9]  }
0x89: {  	s3 =	sld [smem:$0x3FFE];
	_ =	sdelay $0x1  }
0x8a: {  	s1 =	srdreg.scid  }
0x8b: {  	s0 =	sand.u32 $0x1, s1  }
0x8c: {  	s17 =	sshll.u32 s0, $0xA;
	s2 =	sadd.s32 s3, s2  }
0x8d: {  	s2 =	sadd.s32 s2, s17  }
0x8e: {  	[smem:$0x3FBC] =	sst s2  }
0x8f: {  	_ = 	snop  }
0x90: {  	s2 =	sld [smem:$0x3FC5]  }
0x91: {  	s18 =	sld [smem:$0x3FC4]  }
0x92: {  	s4 =	sld [smem:$0x3FD0];
	(tm) =	ssettm $0x1  }
0x93: {  	s5 =	sld [smem:$0x3FFB];
	_ =	sdelay $0x3  }
0x94: {  	_ =	strace s5  }
0x95: {  	s5 =	sld [smem:$0x3FFC];
	_ =	sdelay $0x3  }
0x96: {  	_ =	strace s5  }
0x97: {  	s5 =	sld [smem:$0x3FFD];
	_ =	sdelay $0x3  }
0x98: {  	_ =	strace s5  }
0x99: {  	_ =	strace $0x8FFFFFFF  }
0x9a: {  	s19 =	sld [smem:$0x3FDB];
	_ =	sdelay $0x1  }
0x9b: {  	s6 =	simm.s32 $_scs_section_size  }
0x9c: {  	s7 =	simm.s32 $_size__tile_overlayer_lowered;
	s8 =	simm.s32 $_tile_overlayer_lowered  }
0x9d: {  	s22 =	simm.s32 $0x1BFF;
	s21 =	sshll.u32 s8, $0x1;
	s5 =	sadd.s32 s6, s19  }
0x9e: {  	s9 =	simm.s32 $0x0;
	s20 =	sshll.u32 s7, $0x1;
	s7 =	sadd.s32 s21, s5  }
0x9f: {  	[timem:s9], [sflag:s22] =	dma.local [hbm:s7], s20  }
0xa0: {  	_ =	swait.ge [sflag:s22], s20  }
0xa1: {  	s6 =	ssub.s32 $0x0, s20;
	[sflag:s22] =	ssyncset.done $0x0  }
0xa2: {  	[sflag:s22] =	ssyncadd.s32 s6;
	_ =	sdelay $0x1  }
0xa3: {  	s23 =	simm.s32 $0x1B8B  }
0xa4: {  	_ =	swait.ge [sflag:s23], $0x1  }
0xa5: {  	[sflag:s23] =	ssyncset.done $0x0  }
0xa6: {  	s25 =	simm.s32 $0x1B8E;
	s24 =	sld [smem:$0x3FFE];
	[sflag:s23] =	ssyncadd.s32 $0xFFFFFFFF  }
0xa7: {  	s26 =	simm.s32 $execute0_lowered;
	[smem:$0x3FD2] =	sst s25  }
0xa8: {  	s7 =	sshll.u32 s26, $0x1;
	_ =	strace $0x80000049;
	[dreg:$0x1] =	wrdreg $0xFFFFFFFF  }
0xa9: {  	s28 =	simm.s32 $_size_execute0_lowered;
	s5 =	sadd.s32 s5, s7;
	[dreg:$0x0] =	wrdreg $0x0  }
0xaa: {  	s7 =	sshll.u32 s28, $0x1;
	[dreg:$0x2] =	wrdreg s5  }
0xab: {  	[dreg:$0x3] =	wrdreg s7  }
0xac: {  	[dreg:$0x4] =	wrdreg $0xC0  }
0xad: {  	_ =	task [dreg:s9], $0x5FFFF  }
0xae: {  	[dreg:$0x1] =	wrdreg $0xFFFFFFFF  }
0xaf: {  	[dreg:$0x0] =	wrdreg $0x60  }
0xb0: {  	[dreg:$0x2] =	wrdreg s24  }
0xb1: {  	[dreg:$0x3] =	wrdreg s2  }
0xb2: {  	[dreg:$0x4] =	wrdreg s18  }
0xb3: {  	[dreg:$0x5] =	wrdreg s4  }
0xb4: {  	[dreg:$0x6] =	wrdreg $0x0  }
0xb5: {  	[dreg:$0x7] =	wrdreg $0xC400  }
0xb6: {  	[dreg:$0x8] =	wrdreg $0x18800  }
0xb7: {  	[dreg:$0x9] =	wrdreg $0x24C00  }
0xb8: {  	[dreg:$0xa] =	wrdreg $0x9  }
0xb9: {  	_ =	task.clear_ibuf [dreg:s9], $0xBFFFF;
	_ =	strace $0x90000049  }
0xba: {  	s29 =	simm.s32 $0x9;
	_ =	strace $0x8000004B  }
0xbb: {  	_ =	swait.ge [sflag:s29], $0x1  }
0xbc: {  	[sflag:s29] =	ssyncadd.s32 $0xFFFFFFFF  }
0xbd: {  	_ =	strace $0x9000004B  }
0xbe: {  	_ =	sfence  }
0xbf: {  	s30 =	sld [smem:$0x0];
	_ =	sdelay $0x2  }
0xc0: {  	s31 =	sshll.u32 s1, $0xD;
	s1 =	sshrl.u32 s1, $0x2  }
0xc1: {  	s3 =	sand.u32 $0x4000, s31;
	s1 =	sadd.s32 s1, s30  }
0xc2: {  	s0 =	sor.u32 s3, s0;
	s1 =	sshll.u32 s1, $0x11  }
0xc3: {  	s0 =	sor.u32 s1, s0  }
0xc4: {  	s0 =	sadd.s32 $0x8F2B, s0  }
0xc5: {  	[sflag:s0] =	ssyncadd.remote.s32 $0x1  }
0xc6: {  	_ =	sfence.sel $0xFFFF  }
0xc7: {  	[dreg:$0x0] =	wrdreg $0xFFFFFFFF;
	(pc) =	sbr.abs _section_cstart, $3  }
0xc8: {  	[dreg:$0x1] =	wrdreg $0xFFFFFFFF  }
0xc9: {  	_ =	task.clear_ibuf [dreg:s9], $0x2FFFF;
	_ =	strace $0x9FFFFFFF  }
0xca: {  	(tm) =	ssettm $0x7FFFFFFF  }
0xcb: {  	_ =	shalt  }
tec
execute0_lowered:
.L_overlay_start_1:
0x0: {  	(tag) =	ssettag $0x1  }
0x1: {  	s0 =	rddreg [dreg:$0x0]  }
0x2: {  	s1 =	rddreg [dreg:$0x1]  }
0x3: {  	s2 =	rddreg [dreg:$0x2]  }
0x4: {  	s3 =	rddreg [dreg:$0x3]  }
0x5: {  	s10 =	rddreg [dreg:$0x4]  }
0x6: {  	s11 =	rddreg [dreg:$0x5]  }
0x7: {  	s13 =	rddreg [dreg:$0x6]  }
0x8: {  	s5 =	rddreg [dreg:$0x7]  }
0x9: {  	s6 =	simm.s32 $0x0;
	s7 =	stileid.u32;
	s4 =	srdreg.scid  }
0xa: {  	s24 =	simm.s32 $0x11B80;
	s25 =	simm.s32 $0x1;
	s30 =	simm.s32 $0x3200  }
0xb: {  	s31 =	simm.s32 $0x3280;
	s26 =	simm.s32 $0x0;
	[smem:$0x7FF] =	sst s6  }
0xc: {  	s15 =	smul.u32 $0xC40, s7;
	s4 =	sand.u32 $0x1, s4;
	s7 =	sshll.u32 s7, $0x5  }
0xd: {  	_ =	strace $0x8000004A;
	s8 =	sshll.u32 s4, $0x4;
	s4 =	ssub.s32 $0x2, s4  }
0xe: {  	s9 =	sshrl.u32 s15, $0x3;
	s22 =	sor.u32 s8, s7;
	s28 =	sshrl.u32 s4, $0x1  }
0xf: {  	s7 =	sadd.s32 $0x1800, s0;
	s11 =	sadd.s32 s15, s11;
	s13 =	sadd.s32 s15, s13  }
0x10: {  	s14 =	sadd.s32 s9, s0;
	s21 =	sadd.s32 s22, s0;
	s29 =	ssub.s32 s4, s28  }
0x11: {  	s9 =	sadd.s32 s15, s10;
	s15 =	sadd.s32 s15, s5;
	s16 =	sadd.s32 s1, s22  }
0x12: {  	s17 =	sadd.s32 s2, s22;
	s22 =	sadd.s32 s3, s22;
	s0 =	simm.s32 $0x80  }
0x13: {  	s8 =	sadd.s32 $0x80E00, s14;
	s10 =	sadd.s32 $0x82800, s14;
	s12 =	sadd.s32 $0x84200, s14  }
0x14: {  	s14 =	sadd.s32 $0x85C00, s14;
	s18 =	sadd.s32 $0x87A00, s21;
	s19 =	sadd.s32 $0x87C00, s21  }
0x15: {  	s20 =	sadd.s32 $0x87800, s21;
	s21 =	sadd.s32 $0x87600, s21;
	s23 =	smax.u32 s29, $0x1  }
.LBB2_1:
0x16: {  	[tilespmem:s24], [sflag:$0x1] =	stream.linear.gather [hbm4b:s8+s6], $0xC40, $0x38;
	[tilespmem:$0x12800] =	vst v63  }
0x17: {  	_ =	swait.ge [sflag:s25], $0xC40  }
0x18: {  	[sflag:s25] =	ssyncset.done $0x0  }
0x19: {  	[sflag:s25] =	ssyncadd.s32 $0xFFFFF3C0  }
0x1a: {  	[spmem:s9] =	stream.linear.scatter [tilespmem:s24], [sflag:$0x1], $0xC40, $0x38;
	[tilespmem:$0x12800] =	vst v63  }
0x1b: {  	_ =	swait.ge [sflag:s25], $0xC40  }
0x1c: {  	[sflag:s25] =	ssyncset.done $0x0  }
0x1d: {  	[sflag:s25] =	ssyncadd.s32 $0xFFFFF3C0  }
0x1e: {  	[tilespmem:s24], [sflag:$0x1] =	stream.linear.gather [hbm4b:s10+s6], $0xC40, $0x38;
	[tilespmem:$0x12800] =	vst v63  }
0x1f: {  	_ =	swait.ge [sflag:s25], $0xC40  }
0x20: {  	[sflag:s25] =	ssyncset.done $0x0  }
0x21: {  	[sflag:s25] =	ssyncadd.s32 $0xFFFFF3C0  }
0x22: {  	[spmem:s11] =	stream.linear.scatter [tilespmem:s24], [sflag:$0x1], $0xC40, $0x38;
	[tilespmem:$0x12800] =	vst v63  }
0x23: {  	_ =	swait.ge [sflag:s25], $0xC40  }
0x24: {  	[sflag:s25] =	ssyncset.done $0x0  }
0x25: {  	[sflag:s25] =	ssyncadd.s32 $0xFFFFF3C0  }
0x26: {  	[tilespmem:s24], [sflag:$0x1] =	stream.linear.gather [hbm4b:s12+s6], $0xC40, $0x38;
	[tilespmem:$0x12800] =	vst v63  }
0x27: {  	_ =	swait.ge [sflag:s25], $0xC40  }
0x28: {  	[sflag:s25] =	ssyncset.done $0x0  }
0x29: {  	[sflag:s25] =	ssyncadd.s32 $0xFFFFF3C0  }
0x2a: {  	[spmem:s13] =	stream.linear.scatter [tilespmem:s24], [sflag:$0x1], $0xC40, $0x38;
	[tilespmem:$0x12800] =	vst v63  }
0x2b: {  	_ =	swait.ge [sflag:s25], $0xC40  }
0x2c: {  	[sflag:s25] =	ssyncset.done $0x0  }
0x2d: {  	[sflag:s25] =	ssyncadd.s32 $0xFFFFF3C0  }
0x2e: {  	[tilespmem:s24], [sflag:$0x1] =	stream.linear.gather [hbm4b:s14+s6], $0xC40, $0x38;
	[tilespmem:$0x12800] =	vst v63  }
0x2f: {  	_ =	swait.ge [sflag:s25], $0xC40  }
0x30: {  	[sflag:s25] =	ssyncset.done $0x0  }
0x31: {  	[sflag:s25] =	ssyncadd.s32 $0xFFFFF3C0  }
0x32: {  	[spmem:s15] =	stream.linear.scatter [tilespmem:s24], [sflag:$0x1], $0xC40, $0x38;
	[tilespmem:$0x12800] =	vst v63  }
0x33: {  	_ =	swait.ge [sflag:s25], $0xC40  }
0x34: {  	[sflag:s25] =	ssyncset.done $0x0  }
0x35: {  	[sflag:s25] =	ssyncadd.s32 $0xFFFFF3C0  }
0x36: {  	s1 =	simm.s32 $0x3700;
	[bflag:$0x0] =	sbarrier.arrive $0xFFFF  }
0x37: {  	[tilespmem:s1], [sflag:$0x1] =	stream.linear.gather [hbm4b:s7+s6], $0xE400, $0x38;
	[tilespmem:$0x12800] =	vst v63  }
0x38: {  	_ =	swait.ge [sflag:s25], $0xE400  }
0x39: {  	[sflag:s25] =	ssyncset.done $0x0  }
0x3a: {  	s3 =	simm.s32 $0x3100;
	[sflag:s25] =	ssyncadd.s32 $0xFFFF1C00  }
0x3b: {  	[tilespmem:s3], [sflag:$0x1] =	stream.linear.gather [hbm4b:s16+s6], $0x80, $0x38;
	[tilespmem:$0x12800] =	vst v63  }
0x3c: {  	_ =	swait.ge [sflag:s25], $0x80  }
0x3d: {  	[sflag:s25] =	ssyncset.done $0x0  }
0x3e: {  	s4 =	simm.s32 $0x3180;
	[sflag:s25] =	ssyncadd.s32 $0xFFFFFF80  }
0x3f: {  	[tilespmem:s4], [sflag:$0x1] =	stream.linear.gather [hbm4b:s17+s6], $0x80, $0x38;
	[tilespmem:$0x12800] =	vst v63  }
0x40: {  	_ =	swait.ge [sflag:s25], $0x80  }
0x41: {  	[sflag:s25] =	ssyncset.done $0x0  }
0x42: {  	[sflag:s25] =	ssyncadd.s32 $0xFFFFFF80  }
0x43: {  	[tilespmem:s30], [sflag:$0x1] =	stream.linear.gather [hbm4b:s18+s6], $0x80, $0x38;
	[tilespmem:$0x12800] =	vst v63  }
0x44: {  	_ =	swait.ge [sflag:s25], $0x80  }
0x45: {  	[sflag:s25] =	ssyncset.done $0x0  }
0x46: {  	[sflag:s25] =	ssyncadd.s32 $0xFFFFFF80  }
0x47: {  	[tilespmem:s31], [sflag:$0x1] =	stream.linear.gather [hbm4b:s19+s6], $0x80, $0x38;
	[tilespmem:$0x12800] =	vst v63  }
0x48: {  	_ =	swait.ge [sflag:s25], $0x80  }
0x49: {  	[sflag:s25] =	ssyncset.done $0x0  }
0x4a: {  	[sflag:s25] =	ssyncadd.s32 $0xFFFFFF80  }
0x4b: {  	s2 =	simm.s32 $0x3300;
	s1 =	rddreg [dreg:$0x4]  }
0x4c: {  	[tilespmem:s2], [sflag:$0x1] =	stream.indirect.gather [spmem:s1], $0x1, s30, s0, $0xb8;
	[tilespmem:$0x12800] =	vst v63  }
0x4d: {  	_ =	swait.ge [sflag:s25], $0x80  }
0x4e: {  	[sflag:s25] =	ssyncset.done $0x0  }
0x4f: {  	[sflag:s25] =	ssyncadd.s32 $0xFFFFFF80  }
0x50: {  	s3 =	simm.s32 $0x3400;
	s2 =	rddreg [dreg:$0x5]  }
0x51: {  	[tilespmem:s3], [sflag:$0x1] =	stream.indirect.gather [spmem:s2], $0x1, s31, s0, $0xb8;
	[tilespmem:$0x12800] =	vst v63  }
0x52: {  	_ =	swait.ge [sflag:s25], $0x80  }
0x53: {  	[sflag:s25] =	ssyncset.done $0x0  }
0x54: {  	[sflag:s25] =	ssyncadd.s32 $0xFFFFFF80  }
0x55: {  	s4 =	simm.s32 $0x3480;
	s3 =	rddreg [dreg:$0x6]  }
0x56: {  	[tilespmem:s4], [sflag:$0x1] =	stream.indirect.gather [spmem:s3], $0x1, s31, s0, $0xb8;
	[tilespmem:$0x12800] =	vst v63  }
0x57: {  	_ =	swait.ge [sflag:s25], $0x80  }
0x58: {  	[sflag:s25] =	ssyncset.done $0x0  }
0x59: {  	s29 =	simm.s32 $0x3500;
	[sflag:s25] =	ssyncadd.s32 $0xFFFFFF80  }
0x5a: {  	[tilespmem:s29], [sflag:$0x1] =	stream.indirect.gather [spmem:s5], $0x1, s31, s0, $0xb8;
	[tilespmem:$0x12800] =	vst v63  }
0x5b: {  	_ =	swait.ge [sflag:s25], $0x80  }
0x5c: {  	[sflag:s25] =	ssyncset.done $0x0  }
0x5d: {  	[sflag:s25] =	ssyncadd.s32 $0xFFFFFF80  }
0x5e: {  	[tilespmem:s30], [sflag:$0x1] =	stream.linear.gather [hbm4b:s20+s6], $0x80, $0x38;
	[tilespmem:$0x12800] =	vst v63  }
0x5f: {  	_ =	swait.ge [sflag:s25], $0x80  }
0x60: {  	[sflag:s25] =	ssyncset.done $0x0  }
0x61: {  	[sflag:s25] =	ssyncadd.s32 $0xFFFFFF80  }
0x62: {  	[tilespmem:s31], [sflag:$0x1] =	stream.linear.gather [hbm4b:s21+s6], $0x80, $0x38;
	[tilespmem:$0x12800] =	vst v63  }
0x63: {  	_ =	swait.ge [sflag:s25], $0x80  }
0x64: {  	[sflag:s25] =	ssyncset.done $0x0  }
0x65: {  	s29 =	simm.s32 $0x3380;
	[sflag:s25] =	ssyncadd.s32 $0xFFFFFF80  }
0x66: {  	[tilespmem:s29], [sflag:$0x1] =	stream.indirect.gather [spmem:s1], $0x1, s30, s0, $0xb8;
	[tilespmem:$0x12800] =	vst v63  }
0x67: {  	_ =	swait.ge [sflag:s25], $0x80  }
0x68: {  	[sflag:s25] =	ssyncset.done $0x0  }
0x69: {  	s29 =	simm.s32 $0x3580;
	[sflag:s25] =	ssyncadd.s32 $0xFFFFFF80  }
0x6a: {  	[tilespmem:s29], [sflag:$0x1] =	stream.indirect.gather [spmem:s2], $0x1, s31, s0, $0xb8;
	[tilespmem:$0x12800] =	vst v63  }
0x6b: {  	_ =	swait.ge [sflag:s25], $0x80  }
0x6c: {  	[sflag:s25] =	ssyncset.done $0x0  }
0x6d: {  	s4 =	simm.s32 $0x3600;
	[sflag:s25] =	ssyncadd.s32 $0xFFFFFF80  }
0x6e: {  	[tilespmem:s4], [sflag:$0x1] =	stream.indirect.gather [spmem:s3], $0x1, s31, s0, $0xb8;
	[tilespmem:$0x12800] =	vst v63  }
0x6f: {  	_ =	swait.ge [sflag:s25], $0x80  }
0x70: {  	[sflag:s25] =	ssyncset.done $0x0  }
0x71: {  	s29 =	simm.s32 $0x3680;
	[sflag:s25] =	ssyncadd.s32 $0xFFFFFF80  }
0x72: {  	[tilespmem:s29], [sflag:$0x1] =	stream.indirect.gather [spmem:s5], $0x1, s31, s0, $0xb8;
	[tilespmem:$0x12800] =	vst v63  }
0x73: {  	_ =	swait.ge [sflag:s25], $0x80  }
0x74: {  	[sflag:s25] =	ssyncset.done $0x0  }
0x75: {  	s28 =	simm.s32 $0x0;
	[sflag:s25] =	ssyncadd.s32 $0xFFFFFF80  }
.LBB2_2:
0x76: {  	s29 =	sshll.u32 s28, $0x4  }
0x77: {  	v8 =	vld [tilespmem:s29+$0x3100]  }
0x78: {  	v9 =	vld [tilespmem:s29+$0x3180]  }
0x79: {  	v1 =	vld [tilespmem:s29+$0x3300]  }
0x7a: {  	v0 =	vld [tilespmem:s29+$0x3380]  }
0x7b: {  	v5 =	vld [tilespmem:s29+$0x3400]  }
0x7c: {  	v3 =	vld [tilespmem:s29+$0x3480]  }
0x7d: {  	v2 =	vld [tilespmem:s29+$0x3500]  }
0x7e: {  	v7 =	vld [tilespmem:s29+$0x3580]  }
0x7f: {  	v6 =	vld [tilespmem:s29+$0x3600]  }
0x80: {  	s4 =	simm.s32 $0x0;
	v4 =	vld [tilespmem:s29+$0x3680]  }
0x81: {  	v10 =	vld [tilespmem:s4+$0x5700]  }
0x82: {  	v11 =	vld [tilespmem:s4+$0x7700]  }
0x83: {  	v12 =	vld [tilespmem:s4+$0x3700]  }
0x84: {  	v13 =	vld [tilespmem:s4+$0xD700]  }
0x85: {  	s2 =	simm.s32 $0x80;
	v14 =	vld [tilespmem:s4+$0x9700]  }
0x86: {  	v20 =	vld [tilespmem:s2+$0x3700]  }
0x87: {  	v16 =	vld [tilespmem:s2+$0x5700];
	v17 =	vmul.f32 v10, v7  }
0x88: {  	v19 =	vld [tilespmem:s2+$0x7700];
	v18 =	vmul.f32 v11, v6;
	vm0 =	vlt.s32 v9, $0xC350;
	v9 =	vmul.f32 v10, v5  }
0x89: {  	v15 =	vld [tilespmem:s4+$0xF700];
	v10 =	vmul.f32 v12, v1;
	v11 =	vmul.f32 v11, v3;
	vm1 =	vlt.s32 v8, $0xC350  }
0x8a: {  	s3 =	simm.s32 $0x100;
	v21 =	vld [tilespmem:s2+$0x9700];
	v8 =	vmul.f32 v12, v0;
	v17 =	vadd.f32 v18, v17;
	v18 =	vmul.f32 v14, v4  }
0x8b: {  	v23 =	vld [tilespmem:s3+$0x5700];
	v12 =	vmul.f32 v14, v2;
	v24 =	vmul.f32 v20, v1  }
0x8c: {  	v22 =	vld [tilespmem:s2+$0xD700];
	v9 =	vadd.f32 v11, v9;
	v14 =	vadd.f32 v18, v17;
	v17 =	vmul.f32 v16, v5  }
0x8d: {  	v25 =	vld [tilespmem:s3+$0x7700];
	v16 =	vmul.f32 v16, v7;
	v18 =	vmul.f32 v19, v6  }
0x8e: {  	v20 =	vmul.f32 v20, v0;
	v11 =	vld [tilespmem:s2+$0xF700];
	v10 =	vadd.f32 v13, v10;
	v9 =	vadd.f32 v12, v9  }
0x8f: {  	v8 =	vadd.f32 v13, v8;
	v13 =	vmul.f32 v21, v4;
	v12 =	vadd.f32 v18, v16;
	v16 =	vld [tilespmem:s3+$0x3700]  }
0x90: {  	v26 =	vmul.f32 v23, v5;
	v14 =	vadd.f32 v15, v14;
	v15 =	vadd.f32 v15, v9;
	v9 =	vld [tilespmem:s3+$0xD700]  }
0x91: {  	v18 =	vadd.f32 v22, v24;
	v24 =	vld [tilespmem:s3+$0x9700];
	v12 =	vadd.f32 v13, v12;
	v13 =	vmul.f32 v19, v3  }
0x92: {  	v27 =	vld [tilespmem:s4+$0xB700];
	v21 =	vmul.f32 v21, v2;
	v14 =	vsel vm0, v8, v14;
	v10 =	vsel vm1, v10, v15  }
0x93: {  	s1 =	simm.s32 $0x180;
	v8 =	vld [tilespmem:$0x11700];
	v15 =	vmul.f32 v23, v7;
	v14 =	vmul.f32 v14, v10;
	v10 =	vadd.f32 v13, v17  }
0x94: {  	v22 =	vadd.f32 v22, v20;
	v19 =	vmul.f32 v25, v6;
	v23 =	vld [tilespmem:s1+$0x5700];
	v13 =	vmul.f32 v16, v1  }
0x95: {  	v17 =	vadd.f32 v11, v12;
	v12 =	vld [tilespmem:s3+$0xF700];
	v20 =	vadd.f32 v21, v10;
	v21 =	vmul.f32 $6.553700000e+04, v14  }
0x96: {  	v28 =	vadd.f32 v19, v15;
	v19 =	vld [tilespmem:s1+$0x7700];
	v29 =	vmul.f32 v24, v4;
	v10 =	vadd.f32 v9, v13  }
0x97: {  	v15 =	vmul.f32 v16, v0;
	v13 =	vld [tilespmem:s1+$0x3700];
	v11 =	vadd.f32 v11, v20;
	v16 =	vsub.f32 v21, v14  }
0x98: {  	v25 =	vmul.f32 v25, v3;
	v20 =	vmul.f32 v24, v2;
	v24 =	vadd.f32 v29, v28;
	v14 =	vld [tilespmem:s1+$0xD700]  }
0x99: {  	v63 =	vsel vm0, v22, v17;
	v11 =	vsel vm1, v18, v11;
	v21 =	vsub.f32 v21, v16;
	v18 =	vld [tilespmem:s1+$0x9700]  }
0x9a: {  	v22 =	vmul.f32 v23, v5;
	v23 =	vmul.f32 v23, v7;
	v17 =	vadd.f32 v12, v24  }
0x9b: {  	s4 =	simm.s32 $0x800;
	v24 =	vadd.f32 v25, v26;
	v16 =	vmul.f32 v63, v11;
	v11 =	vld [tilespmem:s2+$0xB700];
	v21 =	vmul.f32 v21, v27  }
.LBB2_3:
0x9c: {  	s2 =	sshra.s32 s4, $0x2;
	p0 =	sne.s32 s4, $0x7E00;
	s4 =	sadd.s32 $0x200, s4;
	v25 =	vld [tilespmem:s1+$0xF700];
	v26 =	vmul.f32 v13, v1;
	v27 =	vmul.f32 v19, v6;
	v28 =	vadd.f32 v9, v15;
	v29 =	vmovc v22  }
0x9d: {  	v22 =	vmul.f32 $6.553700000e+04, v16;
	v30 =	vld [tilespmem:s2+$0x5700];
	v20 =	vadd.f32 v20, v24;
	v8 =	vadd.f32 v21, v8;
	v9 =	vmovc v14  }
0x9e: {  	v31 =	vld [tilespmem:s2+$0x7700];
	v21 =	vadd.f32 v9, v26;
	v23 =	vadd.f32 v27, v23;
	v24 =	vmul.f32 v18, v4  }
.Ltmp0:
0x9f: {  	v15 =	vmul.f32 v13, v0;
	v16 =	vsub.f32 v22, v16;
	v13 =	vld [tilespmem:s2+$0x3700];
	v27 =	vadd.f32 v12, v20;
	(pc) =	sbr.rel @p0 .LBB2_3-.Ltmp0, $4  }
0xa0: {  	v20 =	vmul.f32 v18, v2;
	v14 =	vld [tilespmem:s2+$0xD700];
	v23 =	vadd.f32 v24, v23;
	v24 =	vsel vm0, v28, v17  }
0xa1: {  	v28 =	vmul.f32 v19, v3;
	v26 =	vsub.f32 v22, v16;
	v18 =	vld [tilespmem:s2+$0x9700];
	v27 =	vsel vm1, v10, v27;
	v12 =	vmovc v25  }
0xa2: {  	v10 =	vmovc v21;
	v22 =	vmul.f32 v30, v5;
	v17 =	vadd.f32 v12, v23;
	v16 =	vmul.f32 v24, v27  }
0xa3: {  	v23 =	vmul.f32 v30, v7;
	v24 =	vadd.f32 v28, v29;
	v21 =	vmul.f32 v26, v11;
	v11 =	vld [tilespmem:s3+$0xB700];
	v19 =	vmovc v31;
	s3 =	smov.u32 s1;
	s1 =	smov.u32 s2  }
0xa4: {  	v5 =	vmul.f32 v19, v6  }
0xa5: {  	v3 =	vmul.f32 v19, v3  }
0xa6: {  	v54 =	vld [tilespmem:s1+$0xF700];
	v1 =	vmul.f32 v13, v1;
	v7 =	vadd.f32 v20, v24;
	v5 =	vadd.f32 v5, v23  }
0xa7: {  	v4 =	vmul.f32 v18, v4;
	v2 =	vmul.f32 v18, v2;
	v3 =	vadd.f32 v3, v22  }
0xa8: {  	v9 =	vadd.f32 v9, v15;
	v0 =	vmul.f32 v13, v0;
	v55 =	vadd.f32 v12, v7  }
0xa9: {  	v4 =	vadd.f32 v4, v5;
	v2 =	vadd.f32 v2, v3  }
0xaa: {  	v1 =	vadd.f32 v14, v1;
	v56 =	vsel vm0, v9, v17;
	v0 =	vadd.f32 v14, v0  }
0xab: {  	v5 =	vsel vm1, v10, v55;
	v4 =	vadd.f32 v54, v4;
	v2 =	vadd.f32 v54, v2  }
0xac: {  	v57 =	vmul.f32 $6.553700000e+04, v16;
	v3 =	vmul.f32 v56, v5  }
0xad: {  	v0 =	vsel vm0, v0, v4;
	v1 =	vsel vm1, v1, v2  }
0xae: {  	v58 =	vsub.f32 v57, v16;
	v59 =	vmul.f32 $6.553700000e+04, v3;
	v0 =	vmul.f32 v0, v1  }
0xaf: {  	v60 =	vld [tilespmem:s3+$0xB700]  }
0xb0: {  	v2 =	vsub.f32 v57, v58;
	v3 =	vsub.f32 v59, v3;
	v61 =	vmul.f32 $6.553700000e+04, v0  }
0xb1: {  	v63 =	vld [tilespmem:s1+$0xB700];
	v62 =	vadd.f32 v21, v8  }
0xb2: {  	v2 =	vmul.f32 v2, v11;
	v3 =	vsub.f32 v59, v3;
	v0 =	vsub.f32 v61, v0;
	_ =	sdelay $0x1  }
0xb3: {  	s28 =	sadd.s32 $0x1, s28;
	v2 =	vadd.f32 v2, v62;
	v1 =	vmul.f32 v3, v60;
	v0 =	vsub.f32 v61, v0  }
0xb4: {  	p0 =	sne.s32 s28, $0x8  }
.Ltmp1:
0xb5: {  	v1 =	vadd.f32 v1, v2;
	v0 =	vmul.f32 v0, v63;
	(pc) =	sbr.rel @p0 .LBB2_2-.Ltmp1, $3  }
0xb6: {  	_ = 	snop  }
0xb7: {  	v0 =	vadd.f32 v0, v1;
	_ =	sdelay $0x1  }
0xb8: {  	[tilespmem:s29+$0x11B00] =	vst v0  }
0xb9: {  	s26 =	sadd.s32 $0x1, s26  }
0xba: {  	p0 =	sne.s32 s26, s23  }
.Ltmp2:
0xbb: {  	s1 =	simm.s32 $0x11B00;
	(pc) =	sbr.rel @p0 .LBB2_1-.Ltmp2, $4  }
0xbc: {  	[hbm4b:s22+s6] =	stream.linear.scatter [tilespmem:s1], [sflag:$0x1], $0x80, $0x38;
	[tilespmem:$0x12800] =	vst v63  }
0xbd: {  	_ =	swait.ge [sflag:s25], $0x80  }
0xbe: {  	[sflag:s25] =	ssyncset.done $0x0  }
0xbf: {  	[sflag:s25] =	ssyncadd.s32 $0xFFFFFF80  }
0xc0: {  	_ =	sfence.sel $0x180000  }
0xc1: {  	[bflag:$0x0] =	sbarrier.arrive $0xFFFF  }
0xc2: {  	_ =	strace $0x9000004A  }
0xc3: {  	s0 =	stileid.u32;
	[bflag:$0x2] =	sbarrier.arrive $0xFFFF  }
0xc4: {  	p0 =	sne.s32 s0, $0x0;
	s0 =	rddreg [dreg:$0x8]  }
0xc5: {  	s0 =	sadd.s32 @!p0 $0x100000, s0  }
0xc6: {  	[sflag:s0] =	ssyncadd.tile.s32 @!p0 $0x1;
	_ =	shalt  }
.Lfunc_end2:
_tile_overlayer_lowered:
.L_overlay_start_2:
0xc7: {  	(tag) =	ssettag $0x2  }
0xc8: {  	s0 =	rddreg [dreg:$0x0];
	s2 =	stileid.u32  }
0xc9: {  	s1 =	rddreg [dreg:$0x1];
	p0 =	sne.s32 s2, $0x0  }
0xca: {  	s3 =	rddreg [dreg:$0x2];
	[bflag:$0x3] =	sbarrier.arrive $0xFFFF;
	s2 =	simm.s32 @!p0 $0x1C01  }
0xcb: {  	[timem:s3], [sflag:s2] =	dma.local @!p0 [hbm:s0], s1  }
0xcc: {  	s0 =	simm.s32 @!p0 $0x1  }
0xcd: {  	_ =	swait.ge @!p0 [sflag:s0], s1  }
0xce: {  	s1 =	ssub.s32 @!p0 $0x0, s1;
	[sflag:s0] =	ssyncset.done @!p0 $0x0  }
0xcf: {  	[sflag:s0] =	ssyncadd.s32 @!p0 s1  }
0xd0: {  	[bflag:$0x3] =	sbarrier.arrive $0xFFFF  }
0xd1: {  	_ =	shalt  }

</sc_bundles>
